<compile_context>
chip_gen: v7x
topology: tpu7x:2x2x1
jax: 0.10.2.dev20260603
libtpu: 0.0.44.dev20260713+nightly
codegen_flags: <defaults>
</compile_context>

<pallas_src>
import functools

import jax
import jax.numpy as jnp
from jax import lax
from jax.experimental import pallas as pl
from jax.experimental.pallas import tpu as pltpu
from jax.experimental.pallas import tpu_sc as plsc

_E = 8
_H = 768
_HC = _H // 16
_BT = 4096
_N_SC = 8192
_NW = 32



def _top2_tc(logits):
    lt = logits.T
    sub = lax.broadcasted_iota(jnp.int32, lt.shape, 0)
    m1 = jnp.max(lt, axis=0, keepdims=True)
    i1 = jnp.min(jnp.where(lt == m1, sub, _E), axis=0, keepdims=True)
    masked = jnp.where(sub == i1, -jnp.inf, lt)
    m2 = jnp.max(masked, axis=0, keepdims=True)
    i2 = jnp.min(jnp.where(masked == m2, sub, _E), axis=0, keepdims=True)
    e = jnp.exp(m2 - m1)
    den = 1.0 + e
    return (jnp.concatenate([1.0 / den, e / den], axis=0),
            jnp.concatenate([i1, i2], axis=0))


def _router_block(x_ref, w_ref, logits_ref, prob_ref, idx_ref):
    logits = lax.dot_general(
        x_ref[...], w_ref[...], (((1,), (1,)), ((), ())),
        preferred_element_type=jnp.float32,
    )
    logits_ref[...] = logits
    prob, idx = _top2_tc(logits)
    prob_ref[...] = prob
    idx_ref[...] = idx


def _tc_router(hidden_states, weight, n_tc):
    hidden = hidden_states.shape[1]
    return pl.pallas_call(
        _router_block,
        grid=(n_tc // _BT,),
        in_specs=[
            pl.BlockSpec((_BT, hidden), lambda i: (i, 0)),
            pl.BlockSpec((_E, hidden), lambda i: (0, 0)),
        ],
        out_specs=[
            pl.BlockSpec((_BT, _E), lambda i: (i, 0)),
            pl.BlockSpec((2, _BT), lambda i: (0, i)),
            pl.BlockSpec((2, _BT), lambda i: (0, i)),
        ],
        out_shape=[
            jax.ShapeDtypeStruct((n_tc, _E), jnp.float32),
            jax.ShapeDtypeStruct((2, n_tc), jnp.float32),
            jax.ShapeDtypeStruct((2, n_tc), jnp.int32),
        ],
    )(hidden_states, weight)



def _make_sc_router(sc_base, n_sc):
    n_w = n_sc // _NW
    n_g = n_w // 16
    mesh = plsc.VectorSubcoreMesh(core_axis_name="c", subcore_axis_name="s")

    @functools.partial(
        pl.kernel,
        mesh=mesh,
        compiler_params=pltpu.CompilerParams(
            needs_layout_passes=False, use_tc_tiling_on_sc=False),
        out_type=[
            jax.ShapeDtypeStruct((_E, n_sc), jnp.float32),
            jax.ShapeDtypeStruct((2, n_sc), jnp.float32),
            jax.ShapeDtypeStruct((2, n_sc), jnp.int32),
        ],
        scratch_types=[
            pltpu.VMEM((_E, _H), jnp.float32),
            pltpu.VMEM((16, _H), jnp.float32),
            pltpu.VMEM((_E * 16 * 16,), jnp.float32),
            pltpu.VMEM((_E, n_w), jnp.float32),
            pltpu.VMEM((2, n_w), jnp.float32),
            pltpu.VMEM((2, n_w), jnp.int32),
        ],
    )
    def sc_router(x_hbm, w_hbm, lt_hbm, p_hbm, i_hbm,
                  w_v, x_v, st_v, lt_v, p_v, i_v):
        wid = lax.axis_index("s") * 2 + lax.axis_index("c")
        off = wid * n_w
        pltpu.sync_copy(w_hbm, w_v)
        lanes = lax.iota(jnp.int32, 16)
        lanes16 = lanes * 16

        def _rnd(v):
            u = plsc.bitcast(v, jnp.uint32)
            lsb = (u >> jnp.uint32(16)) & jnp.uint32(1)
            r = (u + jnp.uint32(0x7FFF) + lsb) & jnp.uint32(0xFFFF0000)
            return plsc.bitcast(r, jnp.float32)

        def round_w(c, carry):
            base = c * 16
            for e in range(_E):
                w_v[e, pl.ds(base, 16)] = _rnd(w_v[e, pl.ds(base, 16)])
            return carry

        lax.fori_loop(0, _HC, round_w, 0)

        def group(g, carry):
            pltpu.sync_copy(x_hbm.at[pl.ds(sc_base + off + g * 16, 16), :], x_v)
            for q in range(4):
                def chunk(c, accs):
                    base = c * 16
                    xs = [_rnd(x_v[q * 4 + j, pl.ds(base, 16)])
                          for j in range(4)]
                    ws = [w_v[e, pl.ds(base, 16)] for e in range(_E)]
                    return tuple(accs[j * _E + e] + xs[j] * ws[e]
                                 for j in range(4) for e in range(_E))

                accs = lax.fori_loop(
                    0, _HC, chunk,
                    tuple(jnp.zeros((16,), jnp.float32) for _ in range(4 * _E)))
                for j in range(4):
                    t = q * 4 + j
                    for e in range(_E):
                        plsc.store_scatter(
                            st_v, [lanes16 + (e * 256 + t)], accs[j * _E + e])
            rows = []
            for e in range(_E):
                cols = [st_v[pl.ds(e * 256 + c * 16, 16)]
                        for c in range(16)]
                s0 = (((cols[0] + cols[1]) + (cols[2] + cols[3]))
                      + ((cols[4] + cols[5]) + (cols[6] + cols[7])))
                s1 = (((cols[8] + cols[9]) + (cols[10] + cols[11]))
                      + ((cols[12] + cols[13]) + (cols[14] + cols[15])))
                rows.append(s0 + s1)
            m1 = rows[0]
            i1 = jnp.zeros((16,), jnp.int32)
            for e in range(1, _E):
                gt = rows[e] > m1
                m1 = jnp.where(gt, rows[e], m1)
                i1 = jnp.where(gt, e, i1)
            m2 = jnp.full((16,), -jnp.inf, jnp.float32)
            i2 = jnp.zeros((16,), jnp.int32)
            for e in range(_E):
                sel = (rows[e] > m2) & (i1 != e)
                m2 = jnp.where(sel, rows[e], m2)
                i2 = jnp.where(sel, e, i2)
            d = jnp.exp(m2 - m1)
            den = 1.0 + d
            r = 1.0 / den
            r = r * (2.0 - den * r)
            sl = pl.ds(g * 16, 16)
            for e in range(_E):
                lt_v[e, sl] = rows[e]
            p_v[0, sl] = r
            p_v[1, sl] = d * r
            i_v[0, sl] = i1
            i_v[1, sl] = i2
            return carry

        lax.fori_loop(0, n_g, group, 0)
        osl = pl.ds(off, n_w)
        pltpu.sync_copy(lt_v, lt_hbm.at[:, osl])
        pltpu.sync_copy(p_v, p_hbm.at[:, osl])
        pltpu.sync_copy(i_v, i_hbm.at[:, osl])

    return sc_router


def kernel(hidden_states, weight):
    n_tokens = hidden_states.shape[0]
    n_tc = n_tokens - _N_SC
    lt_sc, p_sc, i_sc = _make_sc_router(n_tc, _N_SC)(hidden_states, weight)
    logits_tc, prob_t_tc, idx_t_tc = _tc_router(hidden_states, weight, n_tc)
    logits = jnp.concatenate([logits_tc, lt_sc.T], axis=0)
    prob_t = jnp.concatenate([prob_t_tc, p_sc], axis=1)
    idx_t = jnp.concatenate([idx_t_tc, i_sc], axis=1)
    return (logits, prob_t.T, idx_t.T)

# --- scband reference (transcript-rebuilt; emitter-appended) ---
"""Pipeline reference for scband-top-krouter-83176336654411 (READ-ONLY COPY).

The authoritative reference and input builder live on the scoring server;
editing this copy changes nothing except your own understanding.
"""

import jax, jax.numpy as jnp
import numpy as np

NUM_TOKENS = 32768
HIDDEN = 768
NUM_EXPERTS = 8
TOP_K = 2


def setup_inputs(seed: int = 0) -> dict:
    key = jax.random.key(seed)
    k1, k2 = jax.random.split(key)
    hidden_states = jax.random.normal(k1, (NUM_TOKENS, HIDDEN), dtype=jnp.float32)
    # learned router weight, shape (num_experts, hidden_size) as in nn.Parameter
    weight = jax.random.normal(k2, (NUM_EXPERTS, HIDDEN), dtype=jnp.float32) * 0.02
    return {"hidden_states": hidden_states, "weight": weight}


def reference(hidden_states, weight):
    # F.linear(hidden_states, weight) == hidden_states @ weight.T
    logits = hidden_states @ weight.T
    # softmax in float32 (dtype=torch.float)
    probs = jax.nn.softmax(logits.astype(jnp.float32), axis=-1)
    topk_prob, topk_idx = jax.lax.top_k(probs, TOP_K)
    topk_prob = topk_prob / jnp.sum(topk_prob, axis=-1, keepdims=True)
    return (logits, topk_prob.astype(logits.dtype), topk_idx)

if __name__ == "__main__":
    import jax
    _d = setup_inputs()
    print(jax.jit(kernel)(*tuple(_d.values())))

</pallas_src>

<mosaic_0001>
#map = affine_map<(d0, d1) -> (0, 0)>
module attributes {stable_mosaic.version = 14 : i64} {
  func.func @sc_router(%arg0: i32, %arg1: i32, %arg2: memref<32768x768xf32, #tpu.memory_space<hbm>>, %arg3: memref<8x768xf32, #tpu.memory_space<hbm>>, %arg4: memref<8x8192xf32, #tpu.memory_space<hbm>>, %arg5: memref<2x8192xf32, #tpu.memory_space<hbm>>, %arg6: memref<2x8192xi32, #tpu.memory_space<hbm>>, %arg7: memref<8x768xf32, #tpu.memory_space<vmem>>, %arg8: memref<16x768xf32, #tpu.memory_space<vmem>>, %arg9: memref<2048xf32, #tpu.memory_space<vmem>>, %arg10: memref<8x256xf32, #tpu.memory_space<vmem>>, %arg11: memref<2x256xf32, #tpu.memory_space<vmem>>, %arg12: memref<2x256xi32, #tpu.memory_space<vmem>>) attributes {dimension_semantics = [#tpu.dimension_semantics<core_parallel>, #tpu.dimension_semantics<subcore_parallel>], iteration_bounds = array<i64: 2, 16>, scalar_prefetch = 0 : i64, scratch_operands = 6 : i64, tpu.core_type = #tpu.core_type<sc_vector_subcore>, window_params = [{transform_indices = #map}, {transform_indices = #map}, {transform_indices = #map}, {transform_indices = #map}, {transform_indices = #map}]} {
    %mul3A = arith.constant 2 : i32
    %mul3A_0 = arith.muli %arg1, %mul3A : i32
    %add3A = arith.addi %mul3A_0, %arg0 : i32
    %mul3A_1 = arith.constant 256 : i32
    %mul3A_2 = arith.muli %add3A, %mul3A_1 : i32
    "tpu.region"() ({
      %run_scoped3A = tpu.sem_alloc : memref<!tpu.dma_semaphore, #tpu.memory_space<semaphore_mem>>
      tpu.enqueue_dma source(%arg3 : memref<8x768xf32, #tpu.memory_space<hbm>>) target(%arg7 : memref<8x768xf32, #tpu.memory_space<vmem>>) target_semaphore(%run_scoped3A : memref<!tpu.dma_semaphore, #tpu.memory_space<semaphore_mem>>)
      tpu.wait_dma2 semaphore(%run_scoped3A : memref<!tpu.dma_semaphore, #tpu.memory_space<semaphore_mem>>) src(%arg3 : memref<8x768xf32, #tpu.memory_space<hbm>>) dst(%arg7 : memref<8x768xf32, #tpu.memory_space<vmem>>)
      tpu.yield
    }) : () -> ()
    %iota3A = tpu.iota {dimensions = array<i32: 0>} : vector<16xi32>
    %mul3A_3 = arith.constant 16 : i32
    %mul3A_4 = vector.broadcast %mul3A_3 : i32 to vector<16xi32>
    %mul3A_5 = arith.muli %iota3A, %mul3A_4 : vector<16xi32>
    %scan3A = arith.constant 0 : i32
    %scan3A_6 = arith.constant 0 : i32
    %scan3A_7 = arith.constant 48 : i32
    %scan3A_8 = arith.addi %scan3A_6, %scan3A_7 : i32
    %scan3A_9 = arith.constant 1 : i32
    scf.for %scan3A_17 = %scan3A_6 to %scan3A_8 step %scan3A_9  : i32 {
      %mul3A_18 = arith.constant 16 : i32
      %mul3A_19 = arith.muli %scan3A_17, %mul3A_18 : i32
      %get3A = arith.constant 0 : i32
      %get3A_20 = arith.index_cast %get3A : i32 to index
      %get3A_21 = arith.index_cast %mul3A_19 : i32 to index
      %get3A_22 = tpu.vector_load %arg7[%get3A_20, %get3A_21] {strides = array<i32>} : memref<8x768xf32, #tpu.memory_space<vmem>>, vector<16xf32>,
      %bitcast3A = vector.bitcast %get3A_22 : vector<16xf32> to vector<16xi32>
      %shift_right_logical3A = arith.constant 16 : i32
      %shift_right_logical3A_23 = vector.broadcast %shift_right_logical3A : i32 to vector<16xi32>
      %shift_right_logical3A_24 = arith.shrui %bitcast3A, %shift_right_logical3A_23 : vector<16xi32>
      %and3A = arith.constant 1 : i32
      %and3A_25 = vector.broadcast %and3A : i32 to vector<16xi32>
      %and3A_26 = arith.andi %shift_right_logical3A_24, %and3A_25 : vector<16xi32>
      %add3A_27 = arith.constant 32767 : i32
      %add3A_28 = vector.broadcast %add3A_27 : i32 to vector<16xi32>
      %add3A_29 = arith.addi %bitcast3A, %add3A_28 : vector<16xi32>
      %add3A_30 = arith.addi %add3A_29, %and3A_26 : vector<16xi32>
      %and3A_31 = arith.constant -65536 : i32
      %and3A_32 = vector.broadcast %and3A_31 : i32 to vector<16xi32>
      %and3A_33 = arith.andi %add3A_30, %and3A_32 : vector<16xi32>
      %bitcast3A_34 = vector.bitcast %and3A_33 : vector<16xi32> to vector<16xf32>
      %swap3A = arith.constant 0 : i32
      %swap3A_35 = arith.index_cast %swap3A : i32 to index
      %swap3A_36 = arith.index_cast %mul3A_19 : i32 to index
      %swap3A_37 = tpu.vector_load %arg7[%swap3A_35, %swap3A_36] {strides = array<i32>} : memref<8x768xf32, #tpu.memory_space<vmem>>, vector<16xf32>,
      tpu.vector_store %arg7[%swap3A_35, %swap3A_36], %bitcast3A_34 {strides = array<i32>} : memref<8x768xf32, #tpu.memory_space<vmem>>, vector<16xf32>,
      %get3A_38 = arith.constant 1 : i32
      %get3A_39 = arith.index_cast %get3A_38 : i32 to index
      %get3A_40 = arith.index_cast %mul3A_19 : i32 to index
      %get3A_41 = tpu.vector_load %arg7[%get3A_39, %get3A_40] {strides = array<i32>} : memref<8x768xf32, #tpu.memory_space<vmem>>, vector<16xf32>,
      %bitcast3A_42 = vector.bitcast %get3A_41 : vector<16xf32> to vector<16xi32>
      %shift_right_logical3A_43 = arith.constant 16 : i32
      %shift_right_logical3A_44 = vector.broadcast %shift_right_logical3A_43 : i32 to vector<16xi32>
      %shift_right_logical3A_45 = arith.shrui %bitcast3A_42, %shift_right_logical3A_44 : vector<16xi32>
      %and3A_46 = arith.constant 1 : i32
      %and3A_47 = vector.broadcast %and3A_46 : i32 to vector<16xi32>
      %and3A_48 = arith.andi %shift_right_logical3A_45, %and3A_47 : vector<16xi32>
      %add3A_49 = arith.constant 32767 : i32
      %add3A_50 = vector.broadcast %add3A_49 : i32 to vector<16xi32>
      %add3A_51 = arith.addi %bitcast3A_42, %add3A_50 : vector<16xi32>
      %add3A_52 = arith.addi %add3A_51, %and3A_48 : vector<16xi32>
      %and3A_53 = arith.constant -65536 : i32
      %and3A_54 = vector.broadcast %and3A_53 : i32 to vector<16xi32>
      %and3A_55 = arith.andi %add3A_52, %and3A_54 : vector<16xi32>
      %bitcast3A_56 = vector.bitcast %and3A_55 : vector<16xi32> to vector<16xf32>
      %swap3A_57 = arith.constant 1 : i32
      %swap3A_58 = arith.index_cast %swap3A_57 : i32 to index
      %swap3A_59 = arith.index_cast %mul3A_19 : i32 to index
      %swap3A_60 = tpu.vector_load %arg7[%swap3A_58, %swap3A_59] {strides = array<i32>} : memref<8x768xf32, #tpu.memory_space<vmem>>, vector<16xf32>,
      tpu.vector_store %arg7[%swap3A_58, %swap3A_59], %bitcast3A_56 {strides = array<i32>} : memref<8x768xf32, #tpu.memory_space<vmem>>, vector<16xf32>,
      %get3A_61 = arith.constant 2 : i32
      %get3A_62 = arith.index_cast %get3A_61 : i32 to index
      %get3A_63 = arith.index_cast %mul3A_19 : i32 to index
      %get3A_64 = tpu.vector_load %arg7[%get3A_62, %get3A_63] {strides = array<i32>} : memref<8x768xf32, #tpu.memory_space<vmem>>, vector<16xf32>,
      %bitcast3A_65 = vector.bitcast %get3A_64 : vector<16xf32> to vector<16xi32>
      %shift_right_logical3A_66 = arith.constant 16 : i32
      %shift_right_logical3A_67 = vector.broadcast %shift_right_logical3A_66 : i32 to vector<16xi32>
      %shift_right_logical3A_68 = arith.shrui %bitcast3A_65, %shift_right_logical3A_67 : vector<16xi32>
      %and3A_69 = arith.constant 1 : i32
      %and3A_70 = vector.broadcast %and3A_69 : i32 to vector<16xi32>
      %and3A_71 = arith.andi %shift_right_logical3A_68, %and3A_70 : vector<16xi32>
      %add3A_72 = arith.constant 32767 : i32
      %add3A_73 = vector.broadcast %add3A_72 : i32 to vector<16xi32>
      %add3A_74 = arith.addi %bitcast3A_65, %add3A_73 : vector<16xi32>
      %add3A_75 = arith.addi %add3A_74, %and3A_71 : vector<16xi32>
      %and3A_76 = arith.constant -65536 : i32
      %and3A_77 = vector.broadcast %and3A_76 : i32 to vector<16xi32>
      %and3A_78 = arith.andi %add3A_75, %and3A_77 : vector<16xi32>
      %bitcast3A_79 = vector.bitcast %and3A_78 : vector<16xi32> to vector<16xf32>
      %swap3A_80 = arith.constant 2 : i32
      %swap3A_81 = arith.index_cast %swap3A_80 : i32 to index
      %swap3A_82 = arith.index_cast %mul3A_19 : i32 to index
      %swap3A_83 = tpu.vector_load %arg7[%swap3A_81, %swap3A_82] {strides = array<i32>} : memref<8x768xf32, #tpu.memory_space<vmem>>, vector<16xf32>,
      tpu.vector_store %arg7[%swap3A_81, %swap3A_82], %bitcast3A_79 {strides = array<i32>} : memref<8x768xf32, #tpu.memory_space<vmem>>, vector<16xf32>,
      %get3A_84 = arith.constant 3 : i32
      %get3A_85 = arith.index_cast %get3A_84 : i32 to index
      %get3A_86 = arith.index_cast %mul3A_19 : i32 to index
      %get3A_87 = tpu.vector_load %arg7[%get3A_85, %get3A_86] {strides = array<i32>} : memref<8x768xf32, #tpu.memory_space<vmem>>, vector<16xf32>,
      %bitcast3A_88 = vector.bitcast %get3A_87 : vector<16xf32> to vector<16xi32>
      %shift_right_logical3A_89 = arith.constant 16 : i32
      %shift_right_logical3A_90 = vector.broadcast %shift_right_logical3A_89 : i32 to vector<16xi32>
      %shift_right_logical3A_91 = arith.shrui %bitcast3A_88, %shift_right_logical3A_90 : vector<16xi32>
      %and3A_92 = arith.constant 1 : i32
      %and3A_93 = vector.broadcast %and3A_92 : i32 to vector<16xi32>
      %and3A_94 = arith.andi %shift_right_logical3A_91, %and3A_93 : vector<16xi32>
      %add3A_95 = arith.constant 32767 : i32
      %add3A_96 = vector.broadcast %add3A_95 : i32 to vector<16xi32>
      %add3A_97 = arith.addi %bitcast3A_88, %add3A_96 : vector<16xi32>
      %add3A_98 = arith.addi %add3A_97, %and3A_94 : vector<16xi32>
      %and3A_99 = arith.constant -65536 : i32
      %and3A_100 = vector.broadcast %and3A_99 : i32 to vector<16xi32>
      %and3A_101 = arith.andi %add3A_98, %and3A_100 : vector<16xi32>
      %bitcast3A_102 = vector.bitcast %and3A_101 : vector<16xi32> to vector<16xf32>
      %swap3A_103 = arith.constant 3 : i32
      %swap3A_104 = arith.index_cast %swap3A_103 : i32 to index
      %swap3A_105 = arith.index_cast %mul3A_19 : i32 to index
      %swap3A_106 = tpu.vector_load %arg7[%swap3A_104, %swap3A_105] {strides = array<i32>} : memref<8x768xf32, #tpu.memory_space<vmem>>, vector<16xf32>,
      tpu.vector_store %arg7[%swap3A_104, %swap3A_105], %bitcast3A_102 {strides = array<i32>} : memref<8x768xf32, #tpu.memory_space<vmem>>, vector<16xf32>,
      %get3A_107 = arith.constant 4 : i32
      %get3A_108 = arith.index_cast %get3A_107 : i32 to index
      %get3A_109 = arith.index_cast %mul3A_19 : i32 to index
      %get3A_110 = tpu.vector_load %arg7[%get3A_108, %get3A_109] {strides = array<i32>} : memref<8x768xf32, #tpu.memory_space<vmem>>, vector<16xf32>,
      %bitcast3A_111 = vector.bitcast %get3A_110 : vector<16xf32> to vector<16xi32>
      %shift_right_logical3A_112 = arith.constant 16 : i32
      %shift_right_logical3A_113 = vector.broadcast %shift_right_logical3A_112 : i32 to vector<16xi32>
      %shift_right_logical3A_114 = arith.shrui %bitcast3A_111, %shift_right_logical3A_113 : vector<16xi32>
      %and3A_115 = arith.constant 1 : i32
      %and3A_116 = vector.broadcast %and3A_115 : i32 to vector<16xi32>
      %and3A_117 = arith.andi %shift_right_logical3A_114, %and3A_116 : vector<16xi32>
      %add3A_118 = arith.constant 32767 : i32
      %add3A_119 = vector.broadcast %add3A_118 : i32 to vector<16xi32>
      %add3A_120 = arith.addi %bitcast3A_111, %add3A_119 : vector<16xi32>
      %add3A_121 = arith.addi %add3A_120, %and3A_117 : vector<16xi32>
      %and3A_122 = arith.constant -65536 : i32
      %and3A_123 = vector.broadcast %and3A_122 : i32 to vector<16xi32>
      %and3A_124 = arith.andi %add3A_121, %and3A_123 : vector<16xi32>
      %bitcast3A_125 = vector.bitcast %and3A_124 : vector<16xi32> to vector<16xf32>
      %swap3A_126 = arith.constant 4 : i32
      %swap3A_127 = arith.index_cast %swap3A_126 : i32 to index
      %swap3A_128 = arith.index_cast %mul3A_19 : i32 to index
      %swap3A_129 = tpu.vector_load %arg7[%swap3A_127, %swap3A_128] {strides = array<i32>} : memref<8x768xf32, #tpu.memory_space<vmem>>, vector<16xf32>,
      tpu.vector_store %arg7[%swap3A_127, %swap3A_128], %bitcast3A_125 {strides = array<i32>} : memref<8x768xf32, #tpu.memory_space<vmem>>, vector<16xf32>,
      %get3A_130 = arith.constant 5 : i32
      %get3A_131 = arith.index_cast %get3A_130 : i32 to index
      %get3A_132 = arith.index_cast %mul3A_19 : i32 to index
      %get3A_133 = tpu.vector_load %arg7[%get3A_131, %get3A_132] {strides = array<i32>} : memref<8x768xf32, #tpu.memory_space<vmem>>, vector<16xf32>,
      %bitcast3A_134 = vector.bitcast %get3A_133 : vector<16xf32> to vector<16xi32>
      %shift_right_logical3A_135 = arith.constant 16 : i32
      %shift_right_logical3A_136 = vector.broadcast %shift_right_logical3A_135 : i32 to vector<16xi32>
      %shift_right_logical3A_137 = arith.shrui %bitcast3A_134, %shift_right_logical3A_136 : vector<16xi32>
      %and3A_138 = arith.constant 1 : i32
      %and3A_139 = vector.broadcast %and3A_138 : i32 to vector<16xi32>
      %and3A_140 = arith.andi %shift_right_logical3A_137, %and3A_139 : vector<16xi32>
      %add3A_141 = arith.constant 32767 : i32
      %add3A_142 = vector.broadcast %add3A_141 : i32 to vector<16xi32>
      %add3A_143 = arith.addi %bitcast3A_134, %add3A_142 : vector<16xi32>
      %add3A_144 = arith.addi %add3A_143, %and3A_140 : vector<16xi32>
      %and3A_145 = arith.constant -65536 : i32
      %and3A_146 = vector.broadcast %and3A_145 : i32 to vector<16xi32>
      %and3A_147 = arith.andi %add3A_144, %and3A_146 : vector<16xi32>
      %bitcast3A_148 = vector.bitcast %and3A_147 : vector<16xi32> to vector<16xf32>
      %swap3A_149 = arith.constant 5 : i32
      %swap3A_150 = arith.index_cast %swap3A_149 : i32 to index
      %swap3A_151 = arith.index_cast %mul3A_19 : i32 to index
      %swap3A_152 = tpu.vector_load %arg7[%swap3A_150, %swap3A_151] {strides = array<i32>} : memref<8x768xf32, #tpu.memory_space<vmem>>, vector<16xf32>,
      tpu.vector_store %arg7[%swap3A_150, %swap3A_151], %bitcast3A_148 {strides = array<i32>} : memref<8x768xf32, #tpu.memory_space<vmem>>, vector<16xf32>,
      %get3A_153 = arith.constant 6 : i32
      %get3A_154 = arith.index_cast %get3A_153 : i32 to index
      %get3A_155 = arith.index_cast %mul3A_19 : i32 to index
      %get3A_156 = tpu.vector_load %arg7[%get3A_154, %get3A_155] {strides = array<i32>} : memref<8x768xf32, #tpu.memory_space<vmem>>, vector<16xf32>,
      %bitcast3A_157 = vector.bitcast %get3A_156 : vector<16xf32> to vector<16xi32>
      %shift_right_logical3A_158 = arith.constant 16 : i32
      %shift_right_logical3A_159 = vector.broadcast %shift_right_logical3A_158 : i32 to vector<16xi32>
      %shift_right_logical3A_160 = arith.shrui %bitcast3A_157, %shift_right_logical3A_159 : vector<16xi32>
      %and3A_161 = arith.constant 1 : i32
      %and3A_162 = vector.broadcast %and3A_161 : i32 to vector<16xi32>
      %and3A_163 = arith.andi %shift_right_logical3A_160, %and3A_162 : vector<16xi32>
      %add3A_164 = arith.constant 32767 : i32
      %add3A_165 = vector.broadcast %add3A_164 : i32 to vector<16xi32>
      %add3A_166 = arith.addi %bitcast3A_157, %add3A_165 : vector<16xi32>
      %add3A_167 = arith.addi %add3A_166, %and3A_163 : vector<16xi32>
      %and3A_168 = arith.constant -65536 : i32
      %and3A_169 = vector.broadcast %and3A_168 : i32 to vector<16xi32>
      %and3A_170 = arith.andi %add3A_167, %and3A_169 : vector<16xi32>
      %bitcast3A_171 = vector.bitcast %and3A_170 : vector<16xi32> to vector<16xf32>
      %swap3A_172 = arith.constant 6 : i32
      %swap3A_173 = arith.index_cast %swap3A_172 : i32 to index
      %swap3A_174 = arith.index_cast %mul3A_19 : i32 to index
      %swap3A_175 = tpu.vector_load %arg7[%swap3A_173, %swap3A_174] {strides = array<i32>} : memref<8x768xf32, #tpu.memory_space<vmem>>, vector<16xf32>,
      tpu.vector_store %arg7[%swap3A_173, %swap3A_174], %bitcast3A_171 {strides = array<i32>} : memref<8x768xf32, #tpu.memory_space<vmem>>, vector<16xf32>,
      %get3A_176 = arith.constant 7 : i32
      %get3A_177 = arith.index_cast %get3A_176 : i32 to index
      %get3A_178 = arith.index_cast %mul3A_19 : i32 to index
      %get3A_179 = tpu.vector_load %arg7[%get3A_177, %get3A_178] {strides = array<i32>} : memref<8x768xf32, #tpu.memory_space<vmem>>, vector<16xf32>,
      %bitcast3A_180 = vector.bitcast %get3A_179 : vector<16xf32> to vector<16xi32>
      %shift_right_logical3A_181 = arith.constant 16 : i32
      %shift_right_logical3A_182 = vector.broadcast %shift_right_logical3A_181 : i32 to vector<16xi32>
      %shift_right_logical3A_183 = arith.shrui %bitcast3A_180, %shift_right_logical3A_182 : vector<16xi32>
      %and3A_184 = arith.constant 1 : i32
      %and3A_185 = vector.broadcast %and3A_184 : i32 to vector<16xi32>
      %and3A_186 = arith.andi %shift_right_logical3A_183, %and3A_185 : vector<16xi32>
      %add3A_187 = arith.constant 32767 : i32
      %add3A_188 = vector.broadcast %add3A_187 : i32 to vector<16xi32>
      %add3A_189 = arith.addi %bitcast3A_180, %add3A_188 : vector<16xi32>
      %add3A_190 = arith.addi %add3A_189, %and3A_186 : vector<16xi32>
      %and3A_191 = arith.constant -65536 : i32
      %and3A_192 = vector.broadcast %and3A_191 : i32 to vector<16xi32>
      %and3A_193 = arith.andi %add3A_190, %and3A_192 : vector<16xi32>
      %bitcast3A_194 = vector.bitcast %and3A_193 : vector<16xi32> to vector<16xf32>
      %swap3A_195 = arith.constant 7 : i32
      %swap3A_196 = arith.index_cast %swap3A_195 : i32 to index
      %swap3A_197 = arith.index_cast %mul3A_19 : i32 to index
      %swap3A_198 = tpu.vector_load %arg7[%swap3A_196, %swap3A_197] {strides = array<i32>} : memref<8x768xf32, #tpu.memory_space<vmem>>, vector<16xf32>,
      tpu.vector_store %arg7[%swap3A_196, %swap3A_197], %bitcast3A_194 {strides = array<i32>} : memref<8x768xf32, #tpu.memory_space<vmem>>, vector<16xf32>,
    }
    %scan3A_10 = arith.constant 48 : i32
    %scan3A_11 = arith.constant 0 : i32
    %scan3A_12 = arith.constant 0 : i32
    %scan3A_13 = arith.constant 16 : i32
    %scan3A_14 = arith.addi %scan3A_12, %scan3A_13 : i32
    %scan3A_15 = arith.constant 1 : i32
    scf.for %scan3A_17 = %scan3A_12 to %scan3A_14 step %scan3A_15  : i32 {
      %add3A_18 = arith.constant 24576 : i32
      %add3A_19 = arith.addi %add3A_18, %mul3A_2 : i32
      %mul3A_20 = arith.constant 16 : i32
      %mul3A_21 = arith.muli %scan3A_17, %mul3A_20 : i32
      %add3A_22 = arith.addi %add3A_19, %mul3A_21 : i32
      "tpu.region"() ({
        %run_scoped3A = tpu.sem_alloc : memref<!tpu.dma_semaphore, #tpu.memory_space<semaphore_mem>>
        %dma_start3A = arith.constant 0 : i32
        %dma_start3A_1229 = tpu.memref_slice %arg2[%add3A_22, %dma_start3A] : memref<32768x768xf32, #tpu.memory_space<hbm>> -> memref<16x768xf32, #tpu.memory_space<hbm>>
        %dma_start3A_1230 = arith.constant 0 : i32
        %dma_start3A_1231 = tpu.memref_slice %arg2[%add3A_22, %dma_start3A_1230] : memref<32768x768xf32, #tpu.memory_space<hbm>> -> memref<16x768xf32, #tpu.memory_space<hbm>>
        tpu.enqueue_dma source(%dma_start3A_1231 : memref<16x768xf32, #tpu.memory_space<hbm>>) target(%arg8 : memref<16x768xf32, #tpu.memory_space<vmem>>) target_semaphore(%run_scoped3A : memref<!tpu.dma_semaphore, #tpu.memory_space<semaphore_mem>>)
        %dma_wait3A = arith.constant 0 : i32
        %dma_wait3A_1232 = tpu.memref_slice %arg2[%add3A_22, %dma_wait3A] : memref<32768x768xf32, #tpu.memory_space<hbm>> -> memref<16x768xf32, #tpu.memory_space<hbm>>
        %dma_wait3A_1233 = arith.constant 0 : i32
        %dma_wait3A_1234 = tpu.memref_slice %arg2[%add3A_22, %dma_wait3A_1233] : memref<32768x768xf32, #tpu.memory_space<hbm>> -> memref<16x768xf32, #tpu.memory_space<hbm>>
        tpu.wait_dma2 semaphore(%run_scoped3A : memref<!tpu.dma_semaphore, #tpu.memory_space<semaphore_mem>>) src(%dma_wait3A_1234 : memref<16x768xf32, #tpu.memory_space<hbm>>) dst(%arg8 : memref<16x768xf32, #tpu.memory_space<vmem>>)
        tpu.yield
      }) : () -> ()
      %broadcast_in_dim3A = arith.constant 0.000000e+00 : f32
      %broadcast_in_dim3A_23 = vector.broadcast %broadcast_in_dim3A : f32 to vector<16xf32>
      %broadcast_in_dim3A_24 = arith.constant 0.000000e+00 : f32
      %broadcast_in_dim3A_25 = vector.broadcast %broadcast_in_dim3A_24 : f32 to vector<16xf32>
      %broadcast_in_dim3A_26 = arith.constant 0.000000e+00 : f32
      %broadcast_in_dim3A_27 = vector.broadcast %broadcast_in_dim3A_26 : f32 to vector<16xf32>
      %broadcast_in_dim3A_28 = arith.constant 0.000000e+00 : f32
      %broadcast_in_dim3A_29 = vector.broadcast %broadcast_in_dim3A_28 : f32 to vector<16xf32>
      %broadcast_in_dim3A_30 = arith.constant 0.000000e+00 : f32
      %broadcast_in_dim3A_31 = vector.broadcast %broadcast_in_dim3A_30 : f32 to vector<16xf32>
      %broadcast_in_dim3A_32 = arith.constant 0.000000e+00 : f32
      %broadcast_in_dim3A_33 = vector.broadcast %broadcast_in_dim3A_32 : f32 to vector<16xf32>
      %broadcast_in_dim3A_34 = arith.constant 0.000000e+00 : f32
      %broadcast_in_dim3A_35 = vector.broadcast %broadcast_in_dim3A_34 : f32 to vector<16xf32>
      %broadcast_in_dim3A_36 = arith.constant 0.000000e+00 : f32
      %broadcast_in_dim3A_37 = vector.broadcast %broadcast_in_dim3A_36 : f32 to vector<16xf32>
      %broadcast_in_dim3A_38 = arith.constant 0.000000e+00 : f32
      %broadcast_in_dim3A_39 = vector.broadcast %broadcast_in_dim3A_38 : f32 to vector<16xf32>
      %broadcast_in_dim3A_40 = arith.constant 0.000000e+00 : f32
      %broadcast_in_dim3A_41 = vector.broadcast %broadcast_in_dim3A_40 : f32 to vector<16xf32>
      %broadcast_in_dim3A_42 = arith.constant 0.000000e+00 : f32
      %broadcast_in_dim3A_43 = vector.broadcast %broadcast_in_dim3A_42 : f32 to vector<16xf32>
      %broadcast_in_dim3A_44 = arith.constant 0.000000e+00 : f32
      %broadcast_in_dim3A_45 = vector.broadcast %broadcast_in_dim3A_44 : f32 to vector<16xf32>
      %broadcast_in_dim3A_46 = arith.constant 0.000000e+00 : f32
      %broadcast_in_dim3A_47 = vector.broadcast %broadcast_in_dim3A_46 : f32 to vector<16xf32>
      %broadcast_in_dim3A_48 = arith.constant 0.000000e+00 : f32
      %broadcast_in_dim3A_49 = vector.broadcast %broadcast_in_dim3A_48 : f32 to vector<16xf32>
      %broadcast_in_dim3A_50 = arith.constant 0.000000e+00 : f32
      %broadcast_in_dim3A_51 = vector.broadcast %broadcast_in_dim3A_50 : f32 to vector<16xf32>
      %broadcast_in_dim3A_52 = arith.constant 0.000000e+00 : f32
      %broadcast_in_dim3A_53 = vector.broadcast %broadcast_in_dim3A_52 : f32 to vector<16xf32>
      %broadcast_in_dim3A_54 = arith.constant 0.000000e+00 : f32
      %broadcast_in_dim3A_55 = vector.broadcast %broadcast_in_dim3A_54 : f32 to vector<16xf32>
      %broadcast_in_dim3A_56 = arith.constant 0.000000e+00 : f32
      %broadcast_in_dim3A_57 = vector.broadcast %broadcast_in_dim3A_56 : f32 to vector<16xf32>
      %broadcast_in_dim3A_58 = arith.constant 0.000000e+00 : f32
      %broadcast_in_dim3A_59 = vector.broadcast %broadcast_in_dim3A_58 : f32 to vector<16xf32>
      %broadcast_in_dim3A_60 = arith.constant 0.000000e+00 : f32
      %broadcast_in_dim3A_61 = vector.broadcast %broadcast_in_dim3A_60 : f32 to vector<16xf32>
      %broadcast_in_dim3A_62 = arith.constant 0.000000e+00 : f32
      %broadcast_in_dim3A_63 = vector.broadcast %broadcast_in_dim3A_62 : f32 to vector<16xf32>
      %broadcast_in_dim3A_64 = arith.constant 0.000000e+00 : f32
      %broadcast_in_dim3A_65 = vector.broadcast %broadcast_in_dim3A_64 : f32 to vector<16xf32>
      %broadcast_in_dim3A_66 = arith.constant 0.000000e+00 : f32
      %broadcast_in_dim3A_67 = vector.broadcast %broadcast_in_dim3A_66 : f32 to vector<16xf32>
      %broadcast_in_dim3A_68 = arith.constant 0.000000e+00 : f32
      %broadcast_in_dim3A_69 = vector.broadcast %broadcast_in_dim3A_68 : f32 to vector<16xf32>
      %broadcast_in_dim3A_70 = arith.constant 0.000000e+00 : f32
      %broadcast_in_dim3A_71 = vector.broadcast %broadcast_in_dim3A_70 : f32 to vector<16xf32>
      %broadcast_in_dim3A_72 = arith.constant 0.000000e+00 : f32
      %broadcast_in_dim3A_73 = vector.broadcast %broadcast_in_dim3A_72 : f32 to vector<16xf32>
      %broadcast_in_dim3A_74 = arith.constant 0.000000e+00 : f32
      %broadcast_in_dim3A_75 = vector.broadcast %broadcast_in_dim3A_74 : f32 to vector<16xf32>
      %broadcast_in_dim3A_76 = arith.constant 0.000000e+00 : f32
      %broadcast_in_dim3A_77 = vector.broadcast %broadcast_in_dim3A_76 : f32 to vector<16xf32>
      %broadcast_in_dim3A_78 = arith.constant 0.000000e+00 : f32
      %broadcast_in_dim3A_79 = vector.broadcast %broadcast_in_dim3A_78 : f32 to vector<16xf32>
      %broadcast_in_dim3A_80 = arith.constant 0.000000e+00 : f32
      %broadcast_in_dim3A_81 = vector.broadcast %broadcast_in_dim3A_80 : f32 to vector<16xf32>
      %broadcast_in_dim3A_82 = arith.constant 0.000000e+00 : f32
      %broadcast_in_dim3A_83 = vector.broadcast %broadcast_in_dim3A_82 : f32 to vector<16xf32>
      %broadcast_in_dim3A_84 = arith.constant 0.000000e+00 : f32
      %broadcast_in_dim3A_85 = vector.broadcast %broadcast_in_dim3A_84 : f32 to vector<16xf32>
      %scan3A_86 = arith.constant 0 : i32
      %scan3A_87 = arith.constant 48 : i32
      %scan3A_88 = arith.addi %scan3A_86, %scan3A_87 : i32
      %scan3A_89 = arith.constant 1 : i32
      %scan3A_90:32 = scf.for %scan3A_1229 = %scan3A_86 to %scan3A_88 step %scan3A_89 iter_args(%scan3A_1230 = %broadcast_in_dim3A_23, %scan3A_1231 = %broadcast_in_dim3A_25, %scan3A_1232 = %broadcast_in_dim3A_27, %scan3A_1233 = %broadcast_in_dim3A_29, %scan3A_1234 = %broadcast_in_dim3A_31, %scan3A_1235 = %broadcast_in_dim3A_33, %scan3A_1236 = %broadcast_in_dim3A_35, %scan3A_1237 = %broadcast_in_dim3A_37, %scan3A_1238 = %broadcast_in_dim3A_39, %scan3A_1239 = %broadcast_in_dim3A_41, %scan3A_1240 = %broadcast_in_dim3A_43, %scan3A_1241 = %broadcast_in_dim3A_45, %scan3A_1242 = %broadcast_in_dim3A_47, %scan3A_1243 = %broadcast_in_dim3A_49, %scan3A_1244 = %broadcast_in_dim3A_51, %scan3A_1245 = %broadcast_in_dim3A_53, %scan3A_1246 = %broadcast_in_dim3A_55, %scan3A_1247 = %broadcast_in_dim3A_57, %scan3A_1248 = %broadcast_in_dim3A_59, %scan3A_1249 = %broadcast_in_dim3A_61, %scan3A_1250 = %broadcast_in_dim3A_63, %scan3A_1251 = %broadcast_in_dim3A_65, %scan3A_1252 = %broadcast_in_dim3A_67, %scan3A_1253 = %broadcast_in_dim3A_69, %scan3A_1254 = %broadcast_in_dim3A_71, %scan3A_1255 = %broadcast_in_dim3A_73, %scan3A_1256 = %broadcast_in_dim3A_75, %scan3A_1257 = %broadcast_in_dim3A_77, %scan3A_1258 = %broadcast_in_dim3A_79, %scan3A_1259 = %broadcast_in_dim3A_81, %scan3A_1260 = %broadcast_in_dim3A_83, %scan3A_1261 = %broadcast_in_dim3A_85) -> (vector<16xf32>, vector<16xf32>, vector<16xf32>, vector<16xf32>, vector<16xf32>, vector<16xf32>, vector<16xf32>, vector<16xf32>, vector<16xf32>, vector<16xf32>, vector<16xf32>, vector<16xf32>, vector<16xf32>, vector<16xf32>, vector<16xf32>, vector<16xf32>, vector<16xf32>, vector<16xf32>, vector<16xf32>, vector<16xf32>, vector<16xf32>, vector<16xf32>, vector<16xf32>, vector<16xf32>, vector<16xf32>, vector<16xf32>, vector<16xf32>, vector<16xf32>, vector<16xf32>, vector<16xf32>, vector<16xf32>, vector<16xf32>)  : i32 {
        %mul3A_1262 = arith.constant 16 : i32
        %mul3A_1263 = arith.muli %scan3A_1229, %mul3A_1262 : i32
        %get3A_1264 = arith.constant 0 : i32
        %get3A_1265 = arith.index_cast %get3A_1264 : i32 to index
        %get3A_1266 = arith.index_cast %mul3A_1263 : i32 to index
        %get3A_1267 = tpu.vector_load %arg8[%get3A_1265, %get3A_1266] {strides = array<i32>} : memref<16x768xf32, #tpu.memory_space<vmem>>, vector<16xf32>,
        %bitcast3A = vector.bitcast %get3A_1267 : vector<16xf32> to vector<16xi32>
        %shift_right_logical3A = arith.constant 16 : i32
        %shift_right_logical3A_1268 = vector.broadcast %shift_right_logical3A : i32 to vector<16xi32>
        %shift_right_logical3A_1269 = arith.shrui %bitcast3A, %shift_right_logical3A_1268 : vector<16xi32>
        %and3A_1270 = arith.constant 1 : i32
        %and3A_1271 = vector.broadcast %and3A_1270 : i32 to vector<16xi32>
        %and3A_1272 = arith.andi %shift_right_logical3A_1269, %and3A_1271 : vector<16xi32>
        %add3A_1273 = arith.constant 32767 : i32
        %add3A_1274 = vector.broadcast %add3A_1273 : i32 to vector<16xi32>
        %add3A_1275 = arith.addi %bitcast3A, %add3A_1274 : vector<16xi32>
        %add3A_1276 = arith.addi %add3A_1275, %and3A_1272 : vector<16xi32>
        %and3A_1277 = arith.constant -65536 : i32
        %and3A_1278 = vector.broadcast %and3A_1277 : i32 to vector<16xi32>
        %and3A_1279 = arith.andi %add3A_1276, %and3A_1278 : vector<16xi32>
        %bitcast3A_1280 = vector.bitcast %and3A_1279 : vector<16xi32> to vector<16xf32>
        %get3A_1281 = arith.constant 1 : i32
        %get3A_1282 = arith.index_cast %get3A_1281 : i32 to index
        %get3A_1283 = arith.index_cast %mul3A_1263 : i32 to index
        %get3A_1284 = tpu.vector_load %arg8[%get3A_1282, %get3A_1283] {strides = array<i32>} : memref<16x768xf32, #tpu.memory_space<vmem>>, vector<16xf32>,
        %bitcast3A_1285 = vector.bitcast %get3A_1284 : vector<16xf32> to vector<16xi32>
        %shift_right_logical3A_1286 = arith.constant 16 : i32
        %shift_right_logical3A_1287 = vector.broadcast %shift_right_logical3A_1286 : i32 to vector<16xi32>
        %shift_right_logical3A_1288 = arith.shrui %bitcast3A_1285, %shift_right_logical3A_1287 : vector<16xi32>
        %and3A_1289 = arith.constant 1 : i32
        %and3A_1290 = vector.broadcast %and3A_1289 : i32 to vector<16xi32>
        %and3A_1291 = arith.andi %shift_right_logical3A_1288, %and3A_1290 : vector<16xi32>
        %add3A_1292 = arith.constant 32767 : i32
        %add3A_1293 = vector.broadcast %add3A_1292 : i32 to vector<16xi32>
        %add3A_1294 = arith.addi %bitcast3A_1285, %add3A_1293 : vector<16xi32>
        %add3A_1295 = arith.addi %add3A_1294, %and3A_1291 : vector<16xi32>
        %and3A_1296 = arith.constant -65536 : i32
        %and3A_1297 = vector.broadcast %and3A_1296 : i32 to vector<16xi32>
        %and3A_1298 = arith.andi %add3A_1295, %and3A_1297 : vector<16xi32>
        %bitcast3A_1299 = vector.bitcast %and3A_1298 : vector<16xi32> to vector<16xf32>
        %get3A_1300 = arith.constant 2 : i32
        %get3A_1301 = arith.index_cast %get3A_1300 : i32 to index
        %get3A_1302 = arith.index_cast %mul3A_1263 : i32 to index
        %get3A_1303 = tpu.vector_load %arg8[%get3A_1301, %get3A_1302] {strides = array<i32>} : memref<16x768xf32, #tpu.memory_space<vmem>>, vector<16xf32>,
        %bitcast3A_1304 = vector.bitcast %get3A_1303 : vector<16xf32> to vector<16xi32>
        %shift_right_logical3A_1305 = arith.constant 16 : i32
        %shift_right_logical3A_1306 = vector.broadcast %shift_right_logical3A_1305 : i32 to vector<16xi32>
        %shift_right_logical3A_1307 = arith.shrui %bitcast3A_1304, %shift_right_logical3A_1306 : vector<16xi32>
        %and3A_1308 = arith.constant 1 : i32
        %and3A_1309 = vector.broadcast %and3A_1308 : i32 to vector<16xi32>
        %and3A_1310 = arith.andi %shift_right_logical3A_1307, %and3A_1309 : vector<16xi32>
        %add3A_1311 = arith.constant 32767 : i32
        %add3A_1312 = vector.broadcast %add3A_1311 : i32 to vector<16xi32>
        %add3A_1313 = arith.addi %bitcast3A_1304, %add3A_1312 : vector<16xi32>
        %add3A_1314 = arith.addi %add3A_1313, %and3A_1310 : vector<16xi32>
        %and3A_1315 = arith.constant -65536 : i32
        %and3A_1316 = vector.broadcast %and3A_1315 : i32 to vector<16xi32>
        %and3A_1317 = arith.andi %add3A_1314, %and3A_1316 : vector<16xi32>
        %bitcast3A_1318 = vector.bitcast %and3A_1317 : vector<16xi32> to vector<16xf32>
        %get3A_1319 = arith.constant 3 : i32
        %get3A_1320 = arith.index_cast %get3A_1319 : i32 to index
        %get3A_1321 = arith.index_cast %mul3A_1263 : i32 to index
        %get3A_1322 = tpu.vector_load %arg8[%get3A_1320, %get3A_1321] {strides = array<i32>} : memref<16x768xf32, #tpu.memory_space<vmem>>, vector<16xf32>,
        %bitcast3A_1323 = vector.bitcast %get3A_1322 : vector<16xf32> to vector<16xi32>
        %shift_right_logical3A_1324 = arith.constant 16 : i32
        %shift_right_logical3A_1325 = vector.broadcast %shift_right_logical3A_1324 : i32 to vector<16xi32>
        %shift_right_logical3A_1326 = arith.shrui %bitcast3A_1323, %shift_right_logical3A_1325 : vector<16xi32>
        %and3A_1327 = arith.constant 1 : i32
        %and3A_1328 = vector.broadcast %and3A_1327 : i32 to vector<16xi32>
        %and3A_1329 = arith.andi %shift_right_logical3A_1326, %and3A_1328 : vector<16xi32>
        %add3A_1330 = arith.constant 32767 : i32
        %add3A_1331 = vector.broadcast %add3A_1330 : i32 to vector<16xi32>
        %add3A_1332 = arith.addi %bitcast3A_1323, %add3A_1331 : vector<16xi32>
        %add3A_1333 = arith.addi %add3A_1332, %and3A_1329 : vector<16xi32>
        %and3A_1334 = arith.constant -65536 : i32
        %and3A_1335 = vector.broadcast %and3A_1334 : i32 to vector<16xi32>
        %and3A_1336 = arith.andi %add3A_1333, %and3A_1335 : vector<16xi32>
        %bitcast3A_1337 = vector.bitcast %and3A_1336 : vector<16xi32> to vector<16xf32>
        %get3A_1338 = arith.constant 0 : i32
        %get3A_1339 = arith.index_cast %get3A_1338 : i32 to index
        %get3A_1340 = arith.index_cast %mul3A_1263 : i32 to index
        %get3A_1341 = tpu.vector_load %arg7[%get3A_1339, %get3A_1340] {strides = array<i32>} : memref<8x768xf32, #tpu.memory_space<vmem>>, vector<16xf32>,
        %get3A_1342 = arith.constant 1 : i32
        %get3A_1343 = arith.index_cast %get3A_1342 : i32 to index
        %get3A_1344 = arith.index_cast %mul3A_1263 : i32 to index
        %get3A_1345 = tpu.vector_load %arg7[%get3A_1343, %get3A_1344] {strides = array<i32>} : memref<8x768xf32, #tpu.memory_space<vmem>>, vector<16xf32>,
        %get3A_1346 = arith.constant 2 : i32
        %get3A_1347 = arith.index_cast %get3A_1346 : i32 to index
        %get3A_1348 = arith.index_cast %mul3A_1263 : i32 to index
        %get3A_1349 = tpu.vector_load %arg7[%get3A_1347, %get3A_1348] {strides = array<i32>} : memref<8x768xf32, #tpu.memory_space<vmem>>, vector<16xf32>,
        %get3A_1350 = arith.constant 3 : i32
        %get3A_1351 = arith.index_cast %get3A_1350 : i32 to index
        %get3A_1352 = arith.index_cast %mul3A_1263 : i32 to index
        %get3A_1353 = tpu.vector_load %arg7[%get3A_1351, %get3A_1352] {strides = array<i32>} : memref<8x768xf32, #tpu.memory_space<vmem>>, vector<16xf32>,
        %get3A_1354 = arith.constant 4 : i32
        %get3A_1355 = arith.index_cast %get3A_1354 : i32 to index
        %get3A_1356 = arith.index_cast %mul3A_1263 : i32 to index
        %get3A_1357 = tpu.vector_load %arg7[%get3A_1355, %get3A_1356] {strides = array<i32>} : memref<8x768xf32, #tpu.memory_space<vmem>>, vector<16xf32>,
        %get3A_1358 = arith.constant 5 : i32
        %get3A_1359 = arith.index_cast %get3A_1358 : i32 to index
        %get3A_1360 = arith.index_cast %mul3A_1263 : i32 to index
        %get3A_1361 = tpu.vector_load %arg7[%get3A_1359, %get3A_1360] {strides = array<i32>} : memref<8x768xf32, #tpu.memory_space<vmem>>, vector<16xf32>,
        %get3A_1362 = arith.constant 6 : i32
        %get3A_1363 = arith.index_cast %get3A_1362 : i32 to index
        %get3A_1364 = arith.index_cast %mul3A_1263 : i32 to index
        %get3A_1365 = tpu.vector_load %arg7[%get3A_1363, %get3A_1364] {strides = array<i32>} : memref<8x768xf32, #tpu.memory_space<vmem>>, vector<16xf32>,
        %get3A_1366 = arith.constant 7 : i32
        %get3A_1367 = arith.index_cast %get3A_1366 : i32 to index
        %get3A_1368 = arith.index_cast %mul3A_1263 : i32 to index
        %get3A_1369 = tpu.vector_load %arg7[%get3A_1367, %get3A_1368] {strides = array<i32>} : memref<8x768xf32, #tpu.memory_space<vmem>>, vector<16xf32>,
        %mul3A_1370 = arith.mulf %bitcast3A_1280, %get3A_1341 : vector<16xf32>
        %add3A_1371 = arith.addf %scan3A_1230, %mul3A_1370 : vector<16xf32>
        %mul3A_1372 = arith.mulf %bitcast3A_1280, %get3A_1345 : vector<16xf32>
        %add3A_1373 = arith.addf %scan3A_1231, %mul3A_1372 : vector<16xf32>
        %mul3A_1374 = arith.mulf %bitcast3A_1280, %get3A_1349 : vector<16xf32>
        %add3A_1375 = arith.addf %scan3A_1232, %mul3A_1374 : vector<16xf32>
        %mul3A_1376 = arith.mulf %bitcast3A_1280, %get3A_1353 : vector<16xf32>
        %add3A_1377 = arith.addf %scan3A_1233, %mul3A_1376 : vector<16xf32>
        %mul3A_1378 = arith.mulf %bitcast3A_1280, %get3A_1357 : vector<16xf32>
        %add3A_1379 = arith.addf %scan3A_1234, %mul3A_1378 : vector<16xf32>
        %mul3A_1380 = arith.mulf %bitcast3A_1280, %get3A_1361 : vector<16xf32>
        %add3A_1381 = arith.addf %scan3A_1235, %mul3A_1380 : vector<16xf32>
        %mul3A_1382 = arith.mulf %bitcast3A_1280, %get3A_1365 : vector<16xf32>
        %add3A_1383 = arith.addf %scan3A_1236, %mul3A_1382 : vector<16xf32>
        %mul3A_1384 = arith.mulf %bitcast3A_1280, %get3A_1369 : vector<16xf32>
        %add3A_1385 = arith.addf %scan3A_1237, %mul3A_1384 : vector<16xf32>
        %mul3A_1386 = arith.mulf %bitcast3A_1299, %get3A_1341 : vector<16xf32>
        %add3A_1387 = arith.addf %scan3A_1238, %mul3A_1386 : vector<16xf32>
        %mul3A_1388 = arith.mulf %bitcast3A_1299, %get3A_1345 : vector<16xf32>
        %add3A_1389 = arith.addf %scan3A_1239, %mul3A_1388 : vector<16xf32>
        %mul3A_1390 = arith.mulf %bitcast3A_1299, %get3A_1349 : vector<16xf32>
        %add3A_1391 = arith.addf %scan3A_1240, %mul3A_1390 : vector<16xf32>
        %mul3A_1392 = arith.mulf %bitcast3A_1299, %get3A_1353 : vector<16xf32>
        %add3A_1393 = arith.addf %scan3A_1241, %mul3A_1392 : vector<16xf32>
        %mul3A_1394 = arith.mulf %bitcast3A_1299, %get3A_1357 : vector<16xf32>
        %add3A_1395 = arith.addf %scan3A_1242, %mul3A_1394 : vector<16xf32>
        %mul3A_1396 = arith.mulf %bitcast3A_1299, %get3A_1361 : vector<16xf32>
        %add3A_1397 = arith.addf %scan3A_1243, %mul3A_1396 : vector<16xf32>
        %mul3A_1398 = arith.mulf %bitcast3A_1299, %get3A_1365 : vector<16xf32>
        %add3A_1399 = arith.addf %scan3A_1244, %mul3A_1398 : vector<16xf32>
        %mul3A_1400 = arith.mulf %bitcast3A_1299, %get3A_1369 : vector<16xf32>
        %add3A_1401 = arith.addf %scan3A_1245, %mul3A_1400 : vector<16xf32>
        %mul3A_1402 = arith.mulf %bitcast3A_1318, %get3A_1341 : vector<16xf32>
        %add3A_1403 = arith.addf %scan3A_1246, %mul3A_1402 : vector<16xf32>
        %mul3A_1404 = arith.mulf %bitcast3A_1318, %get3A_1345 : vector<16xf32>
        %add3A_1405 = arith.addf %scan3A_1247, %mul3A_1404 : vector<16xf32>
        %mul3A_1406 = arith.mulf %bitcast3A_1318, %get3A_1349 : vector<16xf32>
        %add3A_1407 = arith.addf %scan3A_1248, %mul3A_1406 : vector<16xf32>
        %mul3A_1408 = arith.mulf %bitcast3A_1318, %get3A_1353 : vector<16xf32>
        %add3A_1409 = arith.addf %scan3A_1249, %mul3A_1408 : vector<16xf32>
        %mul3A_1410 = arith.mulf %bitcast3A_1318, %get3A_1357 : vector<16xf32>
        %add3A_1411 = arith.addf %scan3A_1250, %mul3A_1410 : vector<16xf32>
        %mul3A_1412 = arith.mulf %bitcast3A_1318, %get3A_1361 : vector<16xf32>
        %add3A_1413 = arith.addf %scan3A_1251, %mul3A_1412 : vector<16xf32>
        %mul3A_1414 = arith.mulf %bitcast3A_1318, %get3A_1365 : vector<16xf32>
        %add3A_1415 = arith.addf %scan3A_1252, %mul3A_1414 : vector<16xf32>
        %mul3A_1416 = arith.mulf %bitcast3A_1318, %get3A_1369 : vector<16xf32>
        %add3A_1417 = arith.addf %scan3A_1253, %mul3A_1416 : vector<16xf32>
        %mul3A_1418 = arith.mulf %bitcast3A_1337, %get3A_1341 : vector<16xf32>
        %add3A_1419 = arith.addf %scan3A_1254, %mul3A_1418 : vector<16xf32>
        %mul3A_1420 = arith.mulf %bitcast3A_1337, %get3A_1345 : vector<16xf32>
        %add3A_1421 = arith.addf %scan3A_1255, %mul3A_1420 : vector<16xf32>
        %mul3A_1422 = arith.mulf %bitcast3A_1337, %get3A_1349 : vector<16xf32>
        %add3A_1423 = arith.addf %scan3A_1256, %mul3A_1422 : vector<16xf32>
        %mul3A_1424 = arith.mulf %bitcast3A_1337, %get3A_1353 : vector<16xf32>
        %add3A_1425 = arith.addf %scan3A_1257, %mul3A_1424 : vector<16xf32>
        %mul3A_1426 = arith.mulf %bitcast3A_1337, %get3A_1357 : vector<16xf32>
        %add3A_1427 = arith.addf %scan3A_1258, %mul3A_1426 : vector<16xf32>
        %mul3A_1428 = arith.mulf %bitcast3A_1337, %get3A_1361 : vector<16xf32>
        %add3A_1429 = arith.addf %scan3A_1259, %mul3A_1428 : vector<16xf32>
        %mul3A_1430 = arith.mulf %bitcast3A_1337, %get3A_1365 : vector<16xf32>
        %add3A_1431 = arith.addf %scan3A_1260, %mul3A_1430 : vector<16xf32>
        %mul3A_1432 = arith.mulf %bitcast3A_1337, %get3A_1369 : vector<16xf32>
        %add3A_1433 = arith.addf %scan3A_1261, %mul3A_1432 : vector<16xf32>
        scf.yield %add3A_1371, %add3A_1373, %add3A_1375, %add3A_1377, %add3A_1379, %add3A_1381, %add3A_1383, %add3A_1385, %add3A_1387, %add3A_1389, %add3A_1391, %add3A_1393, %add3A_1395, %add3A_1397, %add3A_1399, %add3A_1401, %add3A_1403, %add3A_1405, %add3A_1407, %add3A_1409, %add3A_1411, %add3A_1413, %add3A_1415, %add3A_1417, %add3A_1419, %add3A_1421, %add3A_1423, %add3A_1425, %add3A_1427, %add3A_1429, %add3A_1431, %add3A_1433 : vector<16xf32>, vector<16xf32>, vector<16xf32>, vector<16xf32>, vector<16xf32>, vector<16xf32>, vector<16xf32>, vector<16xf32>, vector<16xf32>, vector<16xf32>, vector<16xf32>, vector<16xf32>, vector<16xf32>, vector<16xf32>, vector<16xf32>, vector<16xf32>, vector<16xf32>, vector<16xf32>, vector<16xf32>, vector<16xf32>, vector<16xf32>, vector<16xf32>, vector<16xf32>, vector<16xf32>, vector<16xf32>, vector<16xf32>, vector<16xf32>, vector<16xf32>, vector<16xf32>, vector<16xf32>, vector<16xf32>, vector<16xf32>
      }
      %scan3A_91 = arith.constant 48 : i32
      %add3A_92 = arith.constant 0 : i32
      %add3A_93 = vector.broadcast %add3A_92 : i32 to vector<16xi32>
      %add3A_94 = arith.addi %mul3A_5, %add3A_93 : vector<16xi32>
      tpu.vector_store_idx %arg9[%add3A_94], %scan3A_90#0 : memref<2048xf32, #tpu.memory_space<vmem>>[vector<16xi32>], vector<16xf32>,
      %add3A_95 = arith.constant 256 : i32
      %add3A_96 = vector.broadcast %add3A_95 : i32 to vector<16xi32>
      %add3A_97 = arith.addi %mul3A_5, %add3A_96 : vector<16xi32>
      tpu.vector_store_idx %arg9[%add3A_97], %scan3A_90#1 : memref<2048xf32, #tpu.memory_space<vmem>>[vector<16xi32>], vector<16xf32>,
      %add3A_98 = arith.constant 512 : i32
      %add3A_99 = vector.broadcast %add3A_98 : i32 to vector<16xi32>
      %add3A_100 = arith.addi %mul3A_5, %add3A_99 : vector<16xi32>
      tpu.vector_store_idx %arg9[%add3A_100], %scan3A_90#2 : memref<2048xf32, #tpu.memory_space<vmem>>[vector<16xi32>], vector<16xf32>,
      %add3A_101 = arith.constant 768 : i32
      %add3A_102 = vector.broadcast %add3A_101 : i32 to vector<16xi32>
      %add3A_103 = arith.addi %mul3A_5, %add3A_102 : vector<16xi32>
      tpu.vector_store_idx %arg9[%add3A_103], %scan3A_90#3 : memref<2048xf32, #tpu.memory_space<vmem>>[vector<16xi32>], vector<16xf32>,
      %add3A_104 = arith.constant 1024 : i32
      %add3A_105 = vector.broadcast %add3A_104 : i32 to vector<16xi32>
      %add3A_106 = arith.addi %mul3A_5, %add3A_105 : vector<16xi32>
      tpu.vector_store_idx %arg9[%add3A_106], %scan3A_90#4 : memref<2048xf32, #tpu.memory_space<vmem>>[vector<16xi32>], vector<16xf32>,
      %add3A_107 = arith.constant 1280 : i32
      %add3A_108 = vector.broadcast %add3A_107 : i32 to vector<16xi32>
      %add3A_109 = arith.addi %mul3A_5, %add3A_108 : vector<16xi32>
      tpu.vector_store_idx %arg9[%add3A_109], %scan3A_90#5 : memref<2048xf32, #tpu.memory_space<vmem>>[vector<16xi32>], vector<16xf32>,
      %add3A_110 = arith.constant 1536 : i32
      %add3A_111 = vector.broadcast %add3A_110 : i32 to vector<16xi32>
      %add3A_112 = arith.addi %mul3A_5, %add3A_111 : vector<16xi32>
      tpu.vector_store_idx %arg9[%add3A_112], %scan3A_90#6 : memref<2048xf32, #tpu.memory_space<vmem>>[vector<16xi32>], vector<16xf32>,
      %add3A_113 = arith.constant 1792 : i32
      %add3A_114 = vector.broadcast %add3A_113 : i32 to vector<16xi32>
      %add3A_115 = arith.addi %mul3A_5, %add3A_114 : vector<16xi32>
      tpu.vector_store_idx %arg9[%add3A_115], %scan3A_90#7 : memref<2048xf32, #tpu.memory_space<vmem>>[vector<16xi32>], vector<16xf32>,
      %add3A_116 = arith.constant 1 : i32
      %add3A_117 = vector.broadcast %add3A_116 : i32 to vector<16xi32>
      %add3A_118 = arith.addi %mul3A_5, %add3A_117 : vector<16xi32>
      tpu.vector_store_idx %arg9[%add3A_118], %scan3A_90#8 : memref<2048xf32, #tpu.memory_space<vmem>>[vector<16xi32>], vector<16xf32>,
      %add3A_119 = arith.constant 257 : i32
      %add3A_120 = vector.broadcast %add3A_119 : i32 to vector<16xi32>
      %add3A_121 = arith.addi %mul3A_5, %add3A_120 : vector<16xi32>
      tpu.vector_store_idx %arg9[%add3A_121], %scan3A_90#9 : memref<2048xf32, #tpu.memory_space<vmem>>[vector<16xi32>], vector<16xf32>,
      %add3A_122 = arith.constant 513 : i32
      %add3A_123 = vector.broadcast %add3A_122 : i32 to vector<16xi32>
      %add3A_124 = arith.addi %mul3A_5, %add3A_123 : vector<16xi32>
      tpu.vector_store_idx %arg9[%add3A_124], %scan3A_90#10 : memref<2048xf32, #tpu.memory_space<vmem>>[vector<16xi32>], vector<16xf32>,
      %add3A_125 = arith.constant 769 : i32
      %add3A_126 = vector.broadcast %add3A_125 : i32 to vector<16xi32>
      %add3A_127 = arith.addi %mul3A_5, %add3A_126 : vector<16xi32>
      tpu.vector_store_idx %arg9[%add3A_127], %scan3A_90#11 : memref<2048xf32, #tpu.memory_space<vmem>>[vector<16xi32>], vector<16xf32>,
      %add3A_128 = arith.constant 1025 : i32
      %add3A_129 = vector.broadcast %add3A_128 : i32 to vector<16xi32>
      %add3A_130 = arith.addi %mul3A_5, %add3A_129 : vector<16xi32>
      tpu.vector_store_idx %arg9[%add3A_130], %scan3A_90#12 : memref<2048xf32, #tpu.memory_space<vmem>>[vector<16xi32>], vector<16xf32>,
      %add3A_131 = arith.constant 1281 : i32
      %add3A_132 = vector.broadcast %add3A_131 : i32 to vector<16xi32>
      %add3A_133 = arith.addi %mul3A_5, %add3A_132 : vector<16xi32>
      tpu.vector_store_idx %arg9[%add3A_133], %scan3A_90#13 : memref<2048xf32, #tpu.memory_space<vmem>>[vector<16xi32>], vector<16xf32>,
      %add3A_134 = arith.constant 1537 : i32
      %add3A_135 = vector.broadcast %add3A_134 : i32 to vector<16xi32>
      %add3A_136 = arith.addi %mul3A_5, %add3A_135 : vector<16xi32>
      tpu.vector_store_idx %arg9[%add3A_136], %scan3A_90#14 : memref<2048xf32, #tpu.memory_space<vmem>>[vector<16xi32>], vector<16xf32>,
      %add3A_137 = arith.constant 1793 : i32
      %add3A_138 = vector.broadcast %add3A_137 : i32 to vector<16xi32>
      %add3A_139 = arith.addi %mul3A_5, %add3A_138 : vector<16xi32>
      tpu.vector_store_idx %arg9[%add3A_139], %scan3A_90#15 : memref<2048xf32, #tpu.memory_space<vmem>>[vector<16xi32>], vector<16xf32>,
      %add3A_140 = arith.constant 2 : i32
      %add3A_141 = vector.broadcast %add3A_140 : i32 to vector<16xi32>
      %add3A_142 = arith.addi %mul3A_5, %add3A_141 : vector<16xi32>
      tpu.vector_store_idx %arg9[%add3A_142], %scan3A_90#16 : memref<2048xf32, #tpu.memory_space<vmem>>[vector<16xi32>], vector<16xf32>,
      %add3A_143 = arith.constant 258 : i32
      %add3A_144 = vector.broadcast %add3A_143 : i32 to vector<16xi32>
      %add3A_145 = arith.addi %mul3A_5, %add3A_144 : vector<16xi32>
      tpu.vector_store_idx %arg9[%add3A_145], %scan3A_90#17 : memref<2048xf32, #tpu.memory_space<vmem>>[vector<16xi32>], vector<16xf32>,
      %add3A_146 = arith.constant 514 : i32
      %add3A_147 = vector.broadcast %add3A_146 : i32 to vector<16xi32>
      %add3A_148 = arith.addi %mul3A_5, %add3A_147 : vector<16xi32>
      tpu.vector_store_idx %arg9[%add3A_148], %scan3A_90#18 : memref<2048xf32, #tpu.memory_space<vmem>>[vector<16xi32>], vector<16xf32>,
      %add3A_149 = arith.constant 770 : i32
      %add3A_150 = vector.broadcast %add3A_149 : i32 to vector<16xi32>
      %add3A_151 = arith.addi %mul3A_5, %add3A_150 : vector<16xi32>
      tpu.vector_store_idx %arg9[%add3A_151], %scan3A_90#19 : memref<2048xf32, #tpu.memory_space<vmem>>[vector<16xi32>], vector<16xf32>,
      %add3A_152 = arith.constant 1026 : i32
      %add3A_153 = vector.broadcast %add3A_152 : i32 to vector<16xi32>
      %add3A_154 = arith.addi %mul3A_5, %add3A_153 : vector<16xi32>
      tpu.vector_store_idx %arg9[%add3A_154], %scan3A_90#20 : memref<2048xf32, #tpu.memory_space<vmem>>[vector<16xi32>], vector<16xf32>,
      %add3A_155 = arith.constant 1282 : i32
      %add3A_156 = vector.broadcast %add3A_155 : i32 to vector<16xi32>
      %add3A_157 = arith.addi %mul3A_5, %add3A_156 : vector<16xi32>
      tpu.vector_store_idx %arg9[%add3A_157], %scan3A_90#21 : memref<2048xf32, #tpu.memory_space<vmem>>[vector<16xi32>], vector<16xf32>,
      %add3A_158 = arith.constant 1538 : i32
      %add3A_159 = vector.broadcast %add3A_158 : i32 to vector<16xi32>
      %add3A_160 = arith.addi %mul3A_5, %add3A_159 : vector<16xi32>
      tpu.vector_store_idx %arg9[%add3A_160], %scan3A_90#22 : memref<2048xf32, #tpu.memory_space<vmem>>[vector<16xi32>], vector<16xf32>,
      %add3A_161 = arith.constant 1794 : i32
      %add3A_162 = vector.broadcast %add3A_161 : i32 to vector<16xi32>
      %add3A_163 = arith.addi %mul3A_5, %add3A_162 : vector<16xi32>
      tpu.vector_store_idx %arg9[%add3A_163], %scan3A_90#23 : memref<2048xf32, #tpu.memory_space<vmem>>[vector<16xi32>], vector<16xf32>,
      %add3A_164 = arith.constant 3 : i32
      %add3A_165 = vector.broadcast %add3A_164 : i32 to vector<16xi32>
      %add3A_166 = arith.addi %mul3A_5, %add3A_165 : vector<16xi32>
      tpu.vector_store_idx %arg9[%add3A_166], %scan3A_90#24 : memref<2048xf32, #tpu.memory_space<vmem>>[vector<16xi32>], vector<16xf32>,
      %add3A_167 = arith.constant 259 : i32
      %add3A_168 = vector.broadcast %add3A_167 : i32 to vector<16xi32>
      %add3A_169 = arith.addi %mul3A_5, %add3A_168 : vector<16xi32>
      tpu.vector_store_idx %arg9[%add3A_169], %scan3A_90#25 : memref<2048xf32, #tpu.memory_space<vmem>>[vector<16xi32>], vector<16xf32>,
      %add3A_170 = arith.constant 515 : i32
      %add3A_171 = vector.broadcast %add3A_170 : i32 to vector<16xi32>
      %add3A_172 = arith.addi %mul3A_5, %add3A_171 : vector<16xi32>
      tpu.vector_store_idx %arg9[%add3A_172], %scan3A_90#26 : memref<2048xf32, #tpu.memory_space<vmem>>[vector<16xi32>], vector<16xf32>,
      %add3A_173 = arith.constant 771 : i32
      %add3A_174 = vector.broadcast %add3A_173 : i32 to vector<16xi32>
      %add3A_175 = arith.addi %mul3A_5, %add3A_174 : vector<16xi32>
      tpu.vector_store_idx %arg9[%add3A_175], %scan3A_90#27 : memref<2048xf32, #tpu.memory_space<vmem>>[vector<16xi32>], vector<16xf32>,
      %add3A_176 = arith.constant 1027 : i32
      %add3A_177 = vector.broadcast %add3A_176 : i32 to vector<16xi32>
      %add3A_178 = arith.addi %mul3A_5, %add3A_177 : vector<16xi32>
      tpu.vector_store_idx %arg9[%add3A_178], %scan3A_90#28 : memref<2048xf32, #tpu.memory_space<vmem>>[vector<16xi32>], vector<16xf32>,
      %add3A_179 = arith.constant 1283 : i32
      %add3A_180 = vector.broadcast %add3A_179 : i32 to vector<16xi32>
      %add3A_181 = arith.addi %mul3A_5, %add3A_180 : vector<16xi32>
      tpu.vector_store_idx %arg9[%add3A_181], %scan3A_90#29 : memref<2048xf32, #tpu.memory_space<vmem>>[vector<16xi32>], vector<16xf32>,
      %add3A_182 = arith.constant 1539 : i32
      %add3A_183 = vector.broadcast %add3A_182 : i32 to vector<16xi32>
      %add3A_184 = arith.addi %mul3A_5, %add3A_183 : vector<16xi32>
      tpu.vector_store_idx %arg9[%add3A_184], %scan3A_90#30 : memref<2048xf32, #tpu.memory_space<vmem>>[vector<16xi32>], vector<16xf32>,
      %add3A_185 = arith.constant 1795 : i32
      %add3A_186 = vector.broadcast %add3A_185 : i32 to vector<16xi32>
      %add3A_187 = arith.addi %mul3A_5, %add3A_186 : vector<16xi32>
      tpu.vector_store_idx %arg9[%add3A_187], %scan3A_90#31 : memref<2048xf32, #tpu.memory_space<vmem>>[vector<16xi32>], vector<16xf32>,
      %broadcast_in_dim3A_188 = arith.constant 0.000000e+00 : f32
      %broadcast_in_dim3A_189 = vector.broadcast %broadcast_in_dim3A_188 : f32 to vector<16xf32>
      %broadcast_in_dim3A_190 = arith.constant 0.000000e+00 : f32
      %broadcast_in_dim3A_191 = vector.broadcast %broadcast_in_dim3A_190 : f32 to vector<16xf32>
      %broadcast_in_dim3A_192 = arith.constant 0.000000e+00 : f32
      %broadcast_in_dim3A_193 = vector.broadcast %broadcast_in_dim3A_192 : f32 to vector<16xf32>
      %broadcast_in_dim3A_194 = arith.constant 0.000000e+00 : f32
      %broadcast_in_dim3A_195 = vector.broadcast %broadcast_in_dim3A_194 : f32 to vector<16xf32>
      %broadcast_in_dim3A_196 = arith.constant 0.000000e+00 : f32
      %broadcast_in_dim3A_197 = vector.broadcast %broadcast_in_dim3A_196 : f32 to vector<16xf32>
      %broadcast_in_dim3A_198 = arith.constant 0.000000e+00 : f32
      %broadcast_in_dim3A_199 = vector.broadcast %broadcast_in_dim3A_198 : f32 to vector<16xf32>
      %broadcast_in_dim3A_200 = arith.constant 0.000000e+00 : f32
      %broadcast_in_dim3A_201 = vector.broadcast %broadcast_in_dim3A_200 : f32 to vector<16xf32>
      %broadcast_in_dim3A_202 = arith.constant 0.000000e+00 : f32
      %broadcast_in_dim3A_203 = vector.broadcast %broadcast_in_dim3A_202 : f32 to vector<16xf32>
      %broadcast_in_dim3A_204 = arith.constant 0.000000e+00 : f32
      %broadcast_in_dim3A_205 = vector.broadcast %broadcast_in_dim3A_204 : f32 to vector<16xf32>
      %broadcast_in_dim3A_206 = arith.constant 0.000000e+00 : f32
      %broadcast_in_dim3A_207 = vector.broadcast %broadcast_in_dim3A_206 : f32 to vector<16xf32>
      %broadcast_in_dim3A_208 = arith.constant 0.000000e+00 : f32
      %broadcast_in_dim3A_209 = vector.broadcast %broadcast_in_dim3A_208 : f32 to vector<16xf32>
      %broadcast_in_dim3A_210 = arith.constant 0.000000e+00 : f32
      %broadcast_in_dim3A_211 = vector.broadcast %broadcast_in_dim3A_210 : f32 to vector<16xf32>
      %broadcast_in_dim3A_212 = arith.constant 0.000000e+00 : f32
      %broadcast_in_dim3A_213 = vector.broadcast %broadcast_in_dim3A_212 : f32 to vector<16xf32>
      %broadcast_in_dim3A_214 = arith.constant 0.000000e+00 : f32
      %broadcast_in_dim3A_215 = vector.broadcast %broadcast_in_dim3A_214 : f32 to vector<16xf32>
      %broadcast_in_dim3A_216 = arith.constant 0.000000e+00 : f32
      %broadcast_in_dim3A_217 = vector.broadcast %broadcast_in_dim3A_216 : f32 to vector<16xf32>
      %broadcast_in_dim3A_218 = arith.constant 0.000000e+00 : f32
      %broadcast_in_dim3A_219 = vector.broadcast %broadcast_in_dim3A_218 : f32 to vector<16xf32>
      %broadcast_in_dim3A_220 = arith.constant 0.000000e+00 : f32
      %broadcast_in_dim3A_221 = vector.broadcast %broadcast_in_dim3A_220 : f32 to vector<16xf32>
      %broadcast_in_dim3A_222 = arith.constant 0.000000e+00 : f32
      %broadcast_in_dim3A_223 = vector.broadcast %broadcast_in_dim3A_222 : f32 to vector<16xf32>
      %broadcast_in_dim3A_224 = arith.constant 0.000000e+00 : f32
      %broadcast_in_dim3A_225 = vector.broadcast %broadcast_in_dim3A_224 : f32 to vector<16xf32>
      %broadcast_in_dim3A_226 = arith.constant 0.000000e+00 : f32
      %broadcast_in_dim3A_227 = vector.broadcast %broadcast_in_dim3A_226 : f32 to vector<16xf32>
      %broadcast_in_dim3A_228 = arith.constant 0.000000e+00 : f32
      %broadcast_in_dim3A_229 = vector.broadcast %broadcast_in_dim3A_228 : f32 to vector<16xf32>
      %broadcast_in_dim3A_230 = arith.constant 0.000000e+00 : f32
      %broadcast_in_dim3A_231 = vector.broadcast %broadcast_in_dim3A_230 : f32 to vector<16xf32>
      %broadcast_in_dim3A_232 = arith.constant 0.000000e+00 : f32
      %broadcast_in_dim3A_233 = vector.broadcast %broadcast_in_dim3A_232 : f32 to vector<16xf32>
      %broadcast_in_dim3A_234 = arith.constant 0.000000e+00 : f32
      %broadcast_in_dim3A_235 = vector.broadcast %broadcast_in_dim3A_234 : f32 to vector<16xf32>
      %broadcast_in_dim3A_236 = arith.constant 0.000000e+00 : f32
      %broadcast_in_dim3A_237 = vector.broadcast %broadcast_in_dim3A_236 : f32 to vector<16xf32>
      %broadcast_in_dim3A_238 = arith.constant 0.000000e+00 : f32
      %broadcast_in_dim3A_239 = vector.broadcast %broadcast_in_dim3A_238 : f32 to vector<16xf32>
      %broadcast_in_dim3A_240 = arith.constant 0.000000e+00 : f32
      %broadcast_in_dim3A_241 = vector.broadcast %broadcast_in_dim3A_240 : f32 to vector<16xf32>
      %broadcast_in_dim3A_242 = arith.constant 0.000000e+00 : f32
      %broadcast_in_dim3A_243 = vector.broadcast %broadcast_in_dim3A_242 : f32 to vector<16xf32>
      %broadcast_in_dim3A_244 = arith.constant 0.000000e+00 : f32
      %broadcast_in_dim3A_245 = vector.broadcast %broadcast_in_dim3A_244 : f32 to vector<16xf32>
      %broadcast_in_dim3A_246 = arith.constant 0.000000e+00 : f32
      %broadcast_in_dim3A_247 = vector.broadcast %broadcast_in_dim3A_246 : f32 to vector<16xf32>
      %broadcast_in_dim3A_248 = arith.constant 0.000000e+00 : f32
      %broadcast_in_dim3A_249 = vector.broadcast %broadcast_in_dim3A_248 : f32 to vector<16xf32>
      %broadcast_in_dim3A_250 = arith.constant 0.000000e+00 : f32
      %broadcast_in_dim3A_251 = vector.broadcast %broadcast_in_dim3A_250 : f32 to vector<16xf32>
      %scan3A_252 = arith.constant 0 : i32
      %scan3A_253 = arith.constant 48 : i32
      %scan3A_254 = arith.addi %scan3A_252, %scan3A_253 : i32
      %scan3A_255 = arith.constant 1 : i32
      %scan3A_256:32 = scf.for %scan3A_1229 = %scan3A_252 to %scan3A_254 step %scan3A_255 iter_args(%scan3A_1230 = %broadcast_in_dim3A_189, %scan3A_1231 = %broadcast_in_dim3A_191, %scan3A_1232 = %broadcast_in_dim3A_193, %scan3A_1233 = %broadcast_in_dim3A_195, %scan3A_1234 = %broadcast_in_dim3A_197, %scan3A_1235 = %broadcast_in_dim3A_199, %scan3A_1236 = %broadcast_in_dim3A_201, %scan3A_1237 = %broadcast_in_dim3A_203, %scan3A_1238 = %broadcast_in_dim3A_205, %scan3A_1239 = %broadcast_in_dim3A_207, %scan3A_1240 = %broadcast_in_dim3A_209, %scan3A_1241 = %broadcast_in_dim3A_211, %scan3A_1242 = %broadcast_in_dim3A_213, %scan3A_1243 = %broadcast_in_dim3A_215, %scan3A_1244 = %broadcast_in_dim3A_217, %scan3A_1245 = %broadcast_in_dim3A_219, %scan3A_1246 = %broadcast_in_dim3A_221, %scan3A_1247 = %broadcast_in_dim3A_223, %scan3A_1248 = %broadcast_in_dim3A_225, %scan3A_1249 = %broadcast_in_dim3A_227, %scan3A_1250 = %broadcast_in_dim3A_229, %scan3A_1251 = %broadcast_in_dim3A_231, %scan3A_1252 = %broadcast_in_dim3A_233, %scan3A_1253 = %broadcast_in_dim3A_235, %scan3A_1254 = %broadcast_in_dim3A_237, %scan3A_1255 = %broadcast_in_dim3A_239, %scan3A_1256 = %broadcast_in_dim3A_241, %scan3A_1257 = %broadcast_in_dim3A_243, %scan3A_1258 = %broadcast_in_dim3A_245, %scan3A_1259 = %broadcast_in_dim3A_247, %scan3A_1260 = %broadcast_in_dim3A_249, %scan3A_1261 = %broadcast_in_dim3A_251) -> (vector<16xf32>, vector<16xf32>, vector<16xf32>, vector<16xf32>, vector<16xf32>, vector<16xf32>, vector<16xf32>, vector<16xf32>, vector<16xf32>, vector<16xf32>, vector<16xf32>, vector<16xf32>, vector<16xf32>, vector<16xf32>, vector<16xf32>, vector<16xf32>, vector<16xf32>, vector<16xf32>, vector<16xf32>, vector<16xf32>, vector<16xf32>, vector<16xf32>, vector<16xf32>, vector<16xf32>, vector<16xf32>, vector<16xf32>, vector<16xf32>, vector<16xf32>, vector<16xf32>, vector<16xf32>, vector<16xf32>, vector<16xf32>)  : i32 {
        %mul3A_1262 = arith.constant 16 : i32
        %mul3A_1263 = arith.muli %scan3A_1229, %mul3A_1262 : i32
        %get3A_1264 = arith.constant 4 : i32
        %get3A_1265 = arith.index_cast %get3A_1264 : i32 to index
        %get3A_1266 = arith.index_cast %mul3A_1263 : i32 to index
        %get3A_1267 = tpu.vector_load %arg8[%get3A_1265, %get3A_1266] {strides = array<i32>} : memref<16x768xf32, #tpu.memory_space<vmem>>, vector<16xf32>,
        %bitcast3A = vector.bitcast %get3A_1267 : vector<16xf32> to vector<16xi32>
        %shift_right_logical3A = arith.constant 16 : i32
        %shift_right_logical3A_1268 = vector.broadcast %shift_right_logical3A : i32 to vector<16xi32>
        %shift_right_logical3A_1269 = arith.shrui %bitcast3A, %shift_right_logical3A_1268 : vector<16xi32>
        %and3A_1270 = arith.constant 1 : i32
        %and3A_1271 = vector.broadcast %and3A_1270 : i32 to vector<16xi32>
        %and3A_1272 = arith.andi %shift_right_logical3A_1269, %and3A_1271 : vector<16xi32>
        %add3A_1273 = arith.constant 32767 : i32
        %add3A_1274 = vector.broadcast %add3A_1273 : i32 to vector<16xi32>
        %add3A_1275 = arith.addi %bitcast3A, %add3A_1274 : vector<16xi32>
        %add3A_1276 = arith.addi %add3A_1275, %and3A_1272 : vector<16xi32>
        %and3A_1277 = arith.constant -65536 : i32
        %and3A_1278 = vector.broadcast %and3A_1277 : i32 to vector<16xi32>
        %and3A_1279 = arith.andi %add3A_1276, %and3A_1278 : vector<16xi32>
        %bitcast3A_1280 = vector.bitcast %and3A_1279 : vector<16xi32> to vector<16xf32>
        %get3A_1281 = arith.constant 5 : i32
        %get3A_1282 = arith.index_cast %get3A_1281 : i32 to index
        %get3A_1283 = arith.index_cast %mul3A_1263 : i32 to index
        %get3A_1284 = tpu.vector_load %arg8[%get3A_1282, %get3A_1283] {strides = array<i32>} : memref<16x768xf32, #tpu.memory_space<vmem>>, vector<16xf32>,
        %bitcast3A_1285 = vector.bitcast %get3A_1284 : vector<16xf32> to vector<16xi32>
        %shift_right_logical3A_1286 = arith.constant 16 : i32
        %shift_right_logical3A_1287 = vector.broadcast %shift_right_logical3A_1286 : i32 to vector<16xi32>
        %shift_right_logical3A_1288 = arith.shrui %bitcast3A_1285, %shift_right_logical3A_1287 : vector<16xi32>
        %and3A_1289 = arith.constant 1 : i32
        %and3A_1290 = vector.broadcast %and3A_1289 : i32 to vector<16xi32>
        %and3A_1291 = arith.andi %shift_right_logical3A_1288, %and3A_1290 : vector<16xi32>
        %add3A_1292 = arith.constant 32767 : i32
        %add3A_1293 = vector.broadcast %add3A_1292 : i32 to vector<16xi32>
        %add3A_1294 = arith.addi %bitcast3A_1285, %add3A_1293 : vector<16xi32>
        %add3A_1295 = arith.addi %add3A_1294, %and3A_1291 : vector<16xi32>
        %and3A_1296 = arith.constant -65536 : i32
        %and3A_1297 = vector.broadcast %and3A_1296 : i32 to vector<16xi32>
        %and3A_1298 = arith.andi %add3A_1295, %and3A_1297 : vector<16xi32>
        %bitcast3A_1299 = vector.bitcast %and3A_1298 : vector<16xi32> to vector<16xf32>
        %get3A_1300 = arith.constant 6 : i32
        %get3A_1301 = arith.index_cast %get3A_1300 : i32 to index
        %get3A_1302 = arith.index_cast %mul3A_1263 : i32 to index
        %get3A_1303 = tpu.vector_load %arg8[%get3A_1301, %get3A_1302] {strides = array<i32>} : memref<16x768xf32, #tpu.memory_space<vmem>>, vector<16xf32>,
        %bitcast3A_1304 = vector.bitcast %get3A_1303 : vector<16xf32> to vector<16xi32>
        %shift_right_logical3A_1305 = arith.constant 16 : i32
        %shift_right_logical3A_1306 = vector.broadcast %shift_right_logical3A_1305 : i32 to vector<16xi32>
        %shift_right_logical3A_1307 = arith.shrui %bitcast3A_1304, %shift_right_logical3A_1306 : vector<16xi32>
        %and3A_1308 = arith.constant 1 : i32
        %and3A_1309 = vector.broadcast %and3A_1308 : i32 to vector<16xi32>
        %and3A_1310 = arith.andi %shift_right_logical3A_1307, %and3A_1309 : vector<16xi32>
        %add3A_1311 = arith.constant 32767 : i32
        %add3A_1312 = vector.broadcast %add3A_1311 : i32 to vector<16xi32>
        %add3A_1313 = arith.addi %bitcast3A_1304, %add3A_1312 : vector<16xi32>
        %add3A_1314 = arith.addi %add3A_1313, %and3A_1310 : vector<16xi32>
        %and3A_1315 = arith.constant -65536 : i32
        %and3A_1316 = vector.broadcast %and3A_1315 : i32 to vector<16xi32>
        %and3A_1317 = arith.andi %add3A_1314, %and3A_1316 : vector<16xi32>
        %bitcast3A_1318 = vector.bitcast %and3A_1317 : vector<16xi32> to vector<16xf32>
        %get3A_1319 = arith.constant 7 : i32
        %get3A_1320 = arith.index_cast %get3A_1319 : i32 to index
        %get3A_1321 = arith.index_cast %mul3A_1263 : i32 to index
        %get3A_1322 = tpu.vector_load %arg8[%get3A_1320, %get3A_1321] {strides = array<i32>} : memref<16x768xf32, #tpu.memory_space<vmem>>, vector<16xf32>,
        %bitcast3A_1323 = vector.bitcast %get3A_1322 : vector<16xf32> to vector<16xi32>
        %shift_right_logical3A_1324 = arith.constant 16 : i32
        %shift_right_logical3A_1325 = vector.broadcast %shift_right_logical3A_1324 : i32 to vector<16xi32>
        %shift_right_logical3A_1326 = arith.shrui %bitcast3A_1323, %shift_right_logical3A_1325 : vector<16xi32>
        %and3A_1327 = arith.constant 1 : i32
        %and3A_1328 = vector.broadcast %and3A_1327 : i32 to vector<16xi32>
        %and3A_1329 = arith.andi %shift_right_logical3A_1326, %and3A_1328 : vector<16xi32>
        %add3A_1330 = arith.constant 32767 : i32
        %add3A_1331 = vector.broadcast %add3A_1330 : i32 to vector<16xi32>
        %add3A_1332 = arith.addi %bitcast3A_1323, %add3A_1331 : vector<16xi32>
        %add3A_1333 = arith.addi %add3A_1332, %and3A_1329 : vector<16xi32>
        %and3A_1334 = arith.constant -65536 : i32
        %and3A_1335 = vector.broadcast %and3A_1334 : i32 to vector<16xi32>
        %and3A_1336 = arith.andi %add3A_1333, %and3A_1335 : vector<16xi32>
        %bitcast3A_1337 = vector.bitcast %and3A_1336 : vector<16xi32> to vector<16xf32>
        %get3A_1338 = arith.constant 0 : i32
        %get3A_1339 = arith.index_cast %get3A_1338 : i32 to index
        %get3A_1340 = arith.index_cast %mul3A_1263 : i32 to index
        %get3A_1341 = tpu.vector_load %arg7[%get3A_1339, %get3A_1340] {strides = array<i32>} : memref<8x768xf32, #tpu.memory_space<vmem>>, vector<16xf32>,
        %get3A_1342 = arith.constant 1 : i32
        %get3A_1343 = arith.index_cast %get3A_1342 : i32 to index
        %get3A_1344 = arith.index_cast %mul3A_1263 : i32 to index
        %get3A_1345 = tpu.vector_load %arg7[%get3A_1343, %get3A_1344] {strides = array<i32>} : memref<8x768xf32, #tpu.memory_space<vmem>>, vector<16xf32>,
        %get3A_1346 = arith.constant 2 : i32
        %get3A_1347 = arith.index_cast %get3A_1346 : i32 to index
        %get3A_1348 = arith.index_cast %mul3A_1263 : i32 to index
        %get3A_1349 = tpu.vector_load %arg7[%get3A_1347, %get3A_1348] {strides = array<i32>} : memref<8x768xf32, #tpu.memory_space<vmem>>, vector<16xf32>,
        %get3A_1350 = arith.constant 3 : i32
        %get3A_1351 = arith.index_cast %get3A_1350 : i32 to index
        %get3A_1352 = arith.index_cast %mul3A_1263 : i32 to index
        %get3A_1353 = tpu.vector_load %arg7[%get3A_1351, %get3A_1352] {strides = array<i32>} : memref<8x768xf32, #tpu.memory_space<vmem>>, vector<16xf32>,
        %get3A_1354 = arith.constant 4 : i32
        %get3A_1355 = arith.index_cast %get3A_1354 : i32 to index
        %get3A_1356 = arith.index_cast %mul3A_1263 : i32 to index
        %get3A_1357 = tpu.vector_load %arg7[%get3A_1355, %get3A_1356] {strides = array<i32>} : memref<8x768xf32, #tpu.memory_space<vmem>>, vector<16xf32>,
        %get3A_1358 = arith.constant 5 : i32
        %get3A_1359 = arith.index_cast %get3A_1358 : i32 to index
        %get3A_1360 = arith.index_cast %mul3A_1263 : i32 to index
        %get3A_1361 = tpu.vector_load %arg7[%get3A_1359, %get3A_1360] {strides = array<i32>} : memref<8x768xf32, #tpu.memory_space<vmem>>, vector<16xf32>,
        %get3A_1362 = arith.constant 6 : i32
        %get3A_1363 = arith.index_cast %get3A_1362 : i32 to index
        %get3A_1364 = arith.index_cast %mul3A_1263 : i32 to index
        %get3A_1365 = tpu.vector_load %arg7[%get3A_1363, %get3A_1364] {strides = array<i32>} : memref<8x768xf32, #tpu.memory_space<vmem>>, vector<16xf32>,
        %get3A_1366 = arith.constant 7 : i32
        %get3A_1367 = arith.index_cast %get3A_1366 : i32 to index
        %get3A_1368 = arith.index_cast %mul3A_1263 : i32 to index
        %get3A_1369 = tpu.vector_load %arg7[%get3A_1367, %get3A_1368] {strides = array<i32>} : memref<8x768xf32, #tpu.memory_space<vmem>>, vector<16xf32>,
        %mul3A_1370 = arith.mulf %bitcast3A_1280, %get3A_1341 : vector<16xf32>
        %add3A_1371 = arith.addf %scan3A_1230, %mul3A_1370 : vector<16xf32>
        %mul3A_1372 = arith.mulf %bitcast3A_1280, %get3A_1345 : vector<16xf32>
        %add3A_1373 = arith.addf %scan3A_1231, %mul3A_1372 : vector<16xf32>
        %mul3A_1374 = arith.mulf %bitcast3A_1280, %get3A_1349 : vector<16xf32>
        %add3A_1375 = arith.addf %scan3A_1232, %mul3A_1374 : vector<16xf32>
        %mul3A_1376 = arith.mulf %bitcast3A_1280, %get3A_1353 : vector<16xf32>
        %add3A_1377 = arith.addf %scan3A_1233, %mul3A_1376 : vector<16xf32>
        %mul3A_1378 = arith.mulf %bitcast3A_1280, %get3A_1357 : vector<16xf32>
        %add3A_1379 = arith.addf %scan3A_1234, %mul3A_1378 : vector<16xf32>
        %mul3A_1380 = arith.mulf %bitcast3A_1280, %get3A_1361 : vector<16xf32>
        %add3A_1381 = arith.addf %scan3A_1235, %mul3A_1380 : vector<16xf32>
        %mul3A_1382 = arith.mulf %bitcast3A_1280, %get3A_1365 : vector<16xf32>
        %add3A_1383 = arith.addf %scan3A_1236, %mul3A_1382 : vector<16xf32>
        %mul3A_1384 = arith.mulf %bitcast3A_1280, %get3A_1369 : vector<16xf32>
        %add3A_1385 = arith.addf %scan3A_1237, %mul3A_1384 : vector<16xf32>
        %mul3A_1386 = arith.mulf %bitcast3A_1299, %get3A_1341 : vector<16xf32>
        %add3A_1387 = arith.addf %scan3A_1238, %mul3A_1386 : vector<16xf32>
        %mul3A_1388 = arith.mulf %bitcast3A_1299, %get3A_1345 : vector<16xf32>
        %add3A_1389 = arith.addf %scan3A_1239, %mul3A_1388 : vector<16xf32>
        %mul3A_1390 = arith.mulf %bitcast3A_1299, %get3A_1349 : vector<16xf32>
        %add3A_1391 = arith.addf %scan3A_1240, %mul3A_1390 : vector<16xf32>
        %mul3A_1392 = arith.mulf %bitcast3A_1299, %get3A_1353 : vector<16xf32>
        %add3A_1393 = arith.addf %scan3A_1241, %mul3A_1392 : vector<16xf32>
        %mul3A_1394 = arith.mulf %bitcast3A_1299, %get3A_1357 : vector<16xf32>
        %add3A_1395 = arith.addf %scan3A_1242, %mul3A_1394 : vector<16xf32>
        %mul3A_1396 = arith.mulf %bitcast3A_1299, %get3A_1361 : vector<16xf32>
        %add3A_1397 = arith.addf %scan3A_1243, %mul3A_1396 : vector<16xf32>
        %mul3A_1398 = arith.mulf %bitcast3A_1299, %get3A_1365 : vector<16xf32>
        %add3A_1399 = arith.addf %scan3A_1244, %mul3A_1398 : vector<16xf32>
        %mul3A_1400 = arith.mulf %bitcast3A_1299, %get3A_1369 : vector<16xf32>
        %add3A_1401 = arith.addf %scan3A_1245, %mul3A_1400 : vector<16xf32>
        %mul3A_1402 = arith.mulf %bitcast3A_1318, %get3A_1341 : vector<16xf32>
        %add3A_1403 = arith.addf %scan3A_1246, %mul3A_1402 : vector<16xf32>
        %mul3A_1404 = arith.mulf %bitcast3A_1318, %get3A_1345 : vector<16xf32>
        %add3A_1405 = arith.addf %scan3A_1247, %mul3A_1404 : vector<16xf32>
        %mul3A_1406 = arith.mulf %bitcast3A_1318, %get3A_1349 : vector<16xf32>
        %add3A_1407 = arith.addf %scan3A_1248, %mul3A_1406 : vector<16xf32>
        %mul3A_1408 = arith.mulf %bitcast3A_1318, %get3A_1353 : vector<16xf32>
        %add3A_1409 = arith.addf %scan3A_1249, %mul3A_1408 : vector<16xf32>
        %mul3A_1410 = arith.mulf %bitcast3A_1318, %get3A_1357 : vector<16xf32>
        %add3A_1411 = arith.addf %scan3A_1250, %mul3A_1410 : vector<16xf32>
        %mul3A_1412 = arith.mulf %bitcast3A_1318, %get3A_1361 : vector<16xf32>
        %add3A_1413 = arith.addf %scan3A_1251, %mul3A_1412 : vector<16xf32>
        %mul3A_1414 = arith.mulf %bitcast3A_1318, %get3A_1365 : vector<16xf32>
        %add3A_1415 = arith.addf %scan3A_1252, %mul3A_1414 : vector<16xf32>
        %mul3A_1416 = arith.mulf %bitcast3A_1318, %get3A_1369 : vector<16xf32>
        %add3A_1417 = arith.addf %scan3A_1253, %mul3A_1416 : vector<16xf32>
        %mul3A_1418 = arith.mulf %bitcast3A_1337, %get3A_1341 : vector<16xf32>
        %add3A_1419 = arith.addf %scan3A_1254, %mul3A_1418 : vector<16xf32>
        %mul3A_1420 = arith.mulf %bitcast3A_1337, %get3A_1345 : vector<16xf32>
        %add3A_1421 = arith.addf %scan3A_1255, %mul3A_1420 : vector<16xf32>
        %mul3A_1422 = arith.mulf %bitcast3A_1337, %get3A_1349 : vector<16xf32>
        %add3A_1423 = arith.addf %scan3A_1256, %mul3A_1422 : vector<16xf32>
        %mul3A_1424 = arith.mulf %bitcast3A_1337, %get3A_1353 : vector<16xf32>
        %add3A_1425 = arith.addf %scan3A_1257, %mul3A_1424 : vector<16xf32>
        %mul3A_1426 = arith.mulf %bitcast3A_1337, %get3A_1357 : vector<16xf32>
        %add3A_1427 = arith.addf %scan3A_1258, %mul3A_1426 : vector<16xf32>
        %mul3A_1428 = arith.mulf %bitcast3A_1337, %get3A_1361 : vector<16xf32>
        %add3A_1429 = arith.addf %scan3A_1259, %mul3A_1428 : vector<16xf32>
        %mul3A_1430 = arith.mulf %bitcast3A_1337, %get3A_1365 : vector<16xf32>
        %add3A_1431 = arith.addf %scan3A_1260, %mul3A_1430 : vector<16xf32>
        %mul3A_1432 = arith.mulf %bitcast3A_1337, %get3A_1369 : vector<16xf32>
        %add3A_1433 = arith.addf %scan3A_1261, %mul3A_1432 : vector<16xf32>
        scf.yield %add3A_1371, %add3A_1373, %add3A_1375, %add3A_1377, %add3A_1379, %add3A_1381, %add3A_1383, %add3A_1385, %add3A_1387, %add3A_1389, %add3A_1391, %add3A_1393, %add3A_1395, %add3A_1397, %add3A_1399, %add3A_1401, %add3A_1403, %add3A_1405, %add3A_1407, %add3A_1409, %add3A_1411, %add3A_1413, %add3A_1415, %add3A_1417, %add3A_1419, %add3A_1421, %add3A_1423, %add3A_1425, %add3A_1427, %add3A_1429, %add3A_1431, %add3A_1433 : vector<16xf32>, vector<16xf32>, vector<16xf32>, vector<16xf32>, vector<16xf32>, vector<16xf32>, vector<16xf32>, vector<16xf32>, vector<16xf32>, vector<16xf32>, vector<16xf32>, vector<16xf32>, vector<16xf32>, vector<16xf32>, vector<16xf32>, vector<16xf32>, vector<16xf32>, vector<16xf32>, vector<16xf32>, vector<16xf32>, vector<16xf32>, vector<16xf32>, vector<16xf32>, vector<16xf32>, vector<16xf32>, vector<16xf32>, vector<16xf32>, vector<16xf32>, vector<16xf32>, vector<16xf32>, vector<16xf32>, vector<16xf32>
      }
      %scan3A_257 = arith.constant 48 : i32
      %add3A_258 = arith.constant 4 : i32
      %add3A_259 = vector.broadcast %add3A_258 : i32 to vector<16xi32>
      %add3A_260 = arith.addi %mul3A_5, %add3A_259 : vector<16xi32>
      tpu.vector_store_idx %arg9[%add3A_260], %scan3A_256#0 : memref<2048xf32, #tpu.memory_space<vmem>>[vector<16xi32>], vector<16xf32>,
      %add3A_261 = arith.constant 260 : i32
      %add3A_262 = vector.broadcast %add3A_261 : i32 to vector<16xi32>
      %add3A_263 = arith.addi %mul3A_5, %add3A_262 : vector<16xi32>
      tpu.vector_store_idx %arg9[%add3A_263], %scan3A_256#1 : memref<2048xf32, #tpu.memory_space<vmem>>[vector<16xi32>], vector<16xf32>,
      %add3A_264 = arith.constant 516 : i32
      %add3A_265 = vector.broadcast %add3A_264 : i32 to vector<16xi32>
      %add3A_266 = arith.addi %mul3A_5, %add3A_265 : vector<16xi32>
      tpu.vector_store_idx %arg9[%add3A_266], %scan3A_256#2 : memref<2048xf32, #tpu.memory_space<vmem>>[vector<16xi32>], vector<16xf32>,
      %add3A_267 = arith.constant 772 : i32
      %add3A_268 = vector.broadcast %add3A_267 : i32 to vector<16xi32>
      %add3A_269 = arith.addi %mul3A_5, %add3A_268 : vector<16xi32>
      tpu.vector_store_idx %arg9[%add3A_269], %scan3A_256#3 : memref<2048xf32, #tpu.memory_space<vmem>>[vector<16xi32>], vector<16xf32>,
      %add3A_270 = arith.constant 1028 : i32
      %add3A_271 = vector.broadcast %add3A_270 : i32 to vector<16xi32>
      %add3A_272 = arith.addi %mul3A_5, %add3A_271 : vector<16xi32>
      tpu.vector_store_idx %arg9[%add3A_272], %scan3A_256#4 : memref<2048xf32, #tpu.memory_space<vmem>>[vector<16xi32>], vector<16xf32>,
      %add3A_273 = arith.constant 1284 : i32
      %add3A_274 = vector.broadcast %add3A_273 : i32 to vector<16xi32>
      %add3A_275 = arith.addi %mul3A_5, %add3A_274 : vector<16xi32>
      tpu.vector_store_idx %arg9[%add3A_275], %scan3A_256#5 : memref<2048xf32, #tpu.memory_space<vmem>>[vector<16xi32>], vector<16xf32>,
      %add3A_276 = arith.constant 1540 : i32
      %add3A_277 = vector.broadcast %add3A_276 : i32 to vector<16xi32>
      %add3A_278 = arith.addi %mul3A_5, %add3A_277 : vector<16xi32>
      tpu.vector_store_idx %arg9[%add3A_278], %scan3A_256#6 : memref<2048xf32, #tpu.memory_space<vmem>>[vector<16xi32>], vector<16xf32>,
      %add3A_279 = arith.constant 1796 : i32
      %add3A_280 = vector.broadcast %add3A_279 : i32 to vector<16xi32>
      %add3A_281 = arith.addi %mul3A_5, %add3A_280 : vector<16xi32>
      tpu.vector_store_idx %arg9[%add3A_281], %scan3A_256#7 : memref<2048xf32, #tpu.memory_space<vmem>>[vector<16xi32>], vector<16xf32>,
      %add3A_282 = arith.constant 5 : i32
      %add3A_283 = vector.broadcast %add3A_282 : i32 to vector<16xi32>
      %add3A_284 = arith.addi %mul3A_5, %add3A_283 : vector<16xi32>
      tpu.vector_store_idx %arg9[%add3A_284], %scan3A_256#8 : memref<2048xf32, #tpu.memory_space<vmem>>[vector<16xi32>], vector<16xf32>,
      %add3A_285 = arith.constant 261 : i32
      %add3A_286 = vector.broadcast %add3A_285 : i32 to vector<16xi32>
      %add3A_287 = arith.addi %mul3A_5, %add3A_286 : vector<16xi32>
      tpu.vector_store_idx %arg9[%add3A_287], %scan3A_256#9 : memref<2048xf32, #tpu.memory_space<vmem>>[vector<16xi32>], vector<16xf32>,
      %add3A_288 = arith.constant 517 : i32
      %add3A_289 = vector.broadcast %add3A_288 : i32 to vector<16xi32>
      %add3A_290 = arith.addi %mul3A_5, %add3A_289 : vector<16xi32>
      tpu.vector_store_idx %arg9[%add3A_290], %scan3A_256#10 : memref<2048xf32, #tpu.memory_space<vmem>>[vector<16xi32>], vector<16xf32>,
      %add3A_291 = arith.constant 773 : i32
      %add3A_292 = vector.broadcast %add3A_291 : i32 to vector<16xi32>
      %add3A_293 = arith.addi %mul3A_5, %add3A_292 : vector<16xi32>
      tpu.vector_store_idx %arg9[%add3A_293], %scan3A_256#11 : memref<2048xf32, #tpu.memory_space<vmem>>[vector<16xi32>], vector<16xf32>,
      %add3A_294 = arith.constant 1029 : i32
      %add3A_295 = vector.broadcast %add3A_294 : i32 to vector<16xi32>
      %add3A_296 = arith.addi %mul3A_5, %add3A_295 : vector<16xi32>
      tpu.vector_store_idx %arg9[%add3A_296], %scan3A_256#12 : memref<2048xf32, #tpu.memory_space<vmem>>[vector<16xi32>], vector<16xf32>,
      %add3A_297 = arith.constant 1285 : i32
      %add3A_298 = vector.broadcast %add3A_297 : i32 to vector<16xi32>
      %add3A_299 = arith.addi %mul3A_5, %add3A_298 : vector<16xi32>
      tpu.vector_store_idx %arg9[%add3A_299], %scan3A_256#13 : memref<2048xf32, #tpu.memory_space<vmem>>[vector<16xi32>], vector<16xf32>,
      %add3A_300 = arith.constant 1541 : i32
      %add3A_301 = vector.broadcast %add3A_300 : i32 to vector<16xi32>
      %add3A_302 = arith.addi %mul3A_5, %add3A_301 : vector<16xi32>
      tpu.vector_store_idx %arg9[%add3A_302], %scan3A_256#14 : memref<2048xf32, #tpu.memory_space<vmem>>[vector<16xi32>], vector<16xf32>,
      %add3A_303 = arith.constant 1797 : i32
      %add3A_304 = vector.broadcast %add3A_303 : i32 to vector<16xi32>
      %add3A_305 = arith.addi %mul3A_5, %add3A_304 : vector<16xi32>
      tpu.vector_store_idx %arg9[%add3A_305], %scan3A_256#15 : memref<2048xf32, #tpu.memory_space<vmem>>[vector<16xi32>], vector<16xf32>,
      %add3A_306 = arith.constant 6 : i32
      %add3A_307 = vector.broadcast %add3A_306 : i32 to vector<16xi32>
      %add3A_308 = arith.addi %mul3A_5, %add3A_307 : vector<16xi32>
      tpu.vector_store_idx %arg9[%add3A_308], %scan3A_256#16 : memref<2048xf32, #tpu.memory_space<vmem>>[vector<16xi32>], vector<16xf32>,
      %add3A_309 = arith.constant 262 : i32
      %add3A_310 = vector.broadcast %add3A_309 : i32 to vector<16xi32>
      %add3A_311 = arith.addi %mul3A_5, %add3A_310 : vector<16xi32>
      tpu.vector_store_idx %arg9[%add3A_311], %scan3A_256#17 : memref<2048xf32, #tpu.memory_space<vmem>>[vector<16xi32>], vector<16xf32>,
      %add3A_312 = arith.constant 518 : i32
      %add3A_313 = vector.broadcast %add3A_312 : i32 to vector<16xi32>
      %add3A_314 = arith.addi %mul3A_5, %add3A_313 : vector<16xi32>
      tpu.vector_store_idx %arg9[%add3A_314], %scan3A_256#18 : memref<2048xf32, #tpu.memory_space<vmem>>[vector<16xi32>], vector<16xf32>,
      %add3A_315 = arith.constant 774 : i32
      %add3A_316 = vector.broadcast %add3A_315 : i32 to vector<16xi32>
      %add3A_317 = arith.addi %mul3A_5, %add3A_316 : vector<16xi32>
      tpu.vector_store_idx %arg9[%add3A_317], %scan3A_256#19 : memref<2048xf32, #tpu.memory_space<vmem>>[vector<16xi32>], vector<16xf32>,
      %add3A_318 = arith.constant 1030 : i32
      %add3A_319 = vector.broadcast %add3A_318 : i32 to vector<16xi32>
      %add3A_320 = arith.addi %mul3A_5, %add3A_319 : vector<16xi32>
      tpu.vector_store_idx %arg9[%add3A_320], %scan3A_256#20 : memref<2048xf32, #tpu.memory_space<vmem>>[vector<16xi32>], vector<16xf32>,
      %add3A_321 = arith.constant 1286 : i32
      %add3A_322 = vector.broadcast %add3A_321 : i32 to vector<16xi32>
      %add3A_323 = arith.addi %mul3A_5, %add3A_322 : vector<16xi32>
      tpu.vector_store_idx %arg9[%add3A_323], %scan3A_256#21 : memref<2048xf32, #tpu.memory_space<vmem>>[vector<16xi32>], vector<16xf32>,
      %add3A_324 = arith.constant 1542 : i32
      %add3A_325 = vector.broadcast %add3A_324 : i32 to vector<16xi32>
      %add3A_326 = arith.addi %mul3A_5, %add3A_325 : vector<16xi32>
      tpu.vector_store_idx %arg9[%add3A_326], %scan3A_256#22 : memref<2048xf32, #tpu.memory_space<vmem>>[vector<16xi32>], vector<16xf32>,
      %add3A_327 = arith.constant 1798 : i32
      %add3A_328 = vector.broadcast %add3A_327 : i32 to vector<16xi32>
      %add3A_329 = arith.addi %mul3A_5, %add3A_328 : vector<16xi32>
      tpu.vector_store_idx %arg9[%add3A_329], %scan3A_256#23 : memref<2048xf32, #tpu.memory_space<vmem>>[vector<16xi32>], vector<16xf32>,
      %add3A_330 = arith.constant 7 : i32
      %add3A_331 = vector.broadcast %add3A_330 : i32 to vector<16xi32>
      %add3A_332 = arith.addi %mul3A_5, %add3A_331 : vector<16xi32>
      tpu.vector_store_idx %arg9[%add3A_332], %scan3A_256#24 : memref<2048xf32, #tpu.memory_space<vmem>>[vector<16xi32>], vector<16xf32>,
      %add3A_333 = arith.constant 263 : i32
      %add3A_334 = vector.broadcast %add3A_333 : i32 to vector<16xi32>
      %add3A_335 = arith.addi %mul3A_5, %add3A_334 : vector<16xi32>
      tpu.vector_store_idx %arg9[%add3A_335], %scan3A_256#25 : memref<2048xf32, #tpu.memory_space<vmem>>[vector<16xi32>], vector<16xf32>,
      %add3A_336 = arith.constant 519 : i32
      %add3A_337 = vector.broadcast %add3A_336 : i32 to vector<16xi32>
      %add3A_338 = arith.addi %mul3A_5, %add3A_337 : vector<16xi32>
      tpu.vector_store_idx %arg9[%add3A_338], %scan3A_256#26 : memref<2048xf32, #tpu.memory_space<vmem>>[vector<16xi32>], vector<16xf32>,
      %add3A_339 = arith.constant 775 : i32
      %add3A_340 = vector.broadcast %add3A_339 : i32 to vector<16xi32>
      %add3A_341 = arith.addi %mul3A_5, %add3A_340 : vector<16xi32>
      tpu.vector_store_idx %arg9[%add3A_341], %scan3A_256#27 : memref<2048xf32, #tpu.memory_space<vmem>>[vector<16xi32>], vector<16xf32>,
      %add3A_342 = arith.constant 1031 : i32
      %add3A_343 = vector.broadcast %add3A_342 : i32 to vector<16xi32>
      %add3A_344 = arith.addi %mul3A_5, %add3A_343 : vector<16xi32>
      tpu.vector_store_idx %arg9[%add3A_344], %scan3A_256#28 : memref<2048xf32, #tpu.memory_space<vmem>>[vector<16xi32>], vector<16xf32>,
      %add3A_345 = arith.constant 1287 : i32
      %add3A_346 = vector.broadcast %add3A_345 : i32 to vector<16xi32>
      %add3A_347 = arith.addi %mul3A_5, %add3A_346 : vector<16xi32>
      tpu.vector_store_idx %arg9[%add3A_347], %scan3A_256#29 : memref<2048xf32, #tpu.memory_space<vmem>>[vector<16xi32>], vector<16xf32>,
      %add3A_348 = arith.constant 1543 : i32
      %add3A_349 = vector.broadcast %add3A_348 : i32 to vector<16xi32>
      %add3A_350 = arith.addi %mul3A_5, %add3A_349 : vector<16xi32>
      tpu.vector_store_idx %arg9[%add3A_350], %scan3A_256#30 : memref<2048xf32, #tpu.memory_space<vmem>>[vector<16xi32>], vector<16xf32>,
      %add3A_351 = arith.constant 1799 : i32
      %add3A_352 = vector.broadcast %add3A_351 : i32 to vector<16xi32>
      %add3A_353 = arith.addi %mul3A_5, %add3A_352 : vector<16xi32>
      tpu.vector_store_idx %arg9[%add3A_353], %scan3A_256#31 : memref<2048xf32, #tpu.memory_space<vmem>>[vector<16xi32>], vector<16xf32>,
      %broadcast_in_dim3A_354 = arith.constant 0.000000e+00 : f32
      %broadcast_in_dim3A_355 = vector.broadcast %broadcast_in_dim3A_354 : f32 to vector<16xf32>
      %broadcast_in_dim3A_356 = arith.constant 0.000000e+00 : f32
      %broadcast_in_dim3A_357 = vector.broadcast %broadcast_in_dim3A_356 : f32 to vector<16xf32>
      %broadcast_in_dim3A_358 = arith.constant 0.000000e+00 : f32
      %broadcast_in_dim3A_359 = vector.broadcast %broadcast_in_dim3A_358 : f32 to vector<16xf32>
      %broadcast_in_dim3A_360 = arith.constant 0.000000e+00 : f32
      %broadcast_in_dim3A_361 = vector.broadcast %broadcast_in_dim3A_360 : f32 to vector<16xf32>
      %broadcast_in_dim3A_362 = arith.constant 0.000000e+00 : f32
      %broadcast_in_dim3A_363 = vector.broadcast %broadcast_in_dim3A_362 : f32 to vector<16xf32>
      %broadcast_in_dim3A_364 = arith.constant 0.000000e+00 : f32
      %broadcast_in_dim3A_365 = vector.broadcast %broadcast_in_dim3A_364 : f32 to vector<16xf32>
      %broadcast_in_dim3A_366 = arith.constant 0.000000e+00 : f32
      %broadcast_in_dim3A_367 = vector.broadcast %broadcast_in_dim3A_366 : f32 to vector<16xf32>
      %broadcast_in_dim3A_368 = arith.constant 0.000000e+00 : f32
      %broadcast_in_dim3A_369 = vector.broadcast %broadcast_in_dim3A_368 : f32 to vector<16xf32>
      %broadcast_in_dim3A_370 = arith.constant 0.000000e+00 : f32
      %broadcast_in_dim3A_371 = vector.broadcast %broadcast_in_dim3A_370 : f32 to vector<16xf32>
      %broadcast_in_dim3A_372 = arith.constant 0.000000e+00 : f32
      %broadcast_in_dim3A_373 = vector.broadcast %broadcast_in_dim3A_372 : f32 to vector<16xf32>
      %broadcast_in_dim3A_374 = arith.constant 0.000000e+00 : f32
      %broadcast_in_dim3A_375 = vector.broadcast %broadcast_in_dim3A_374 : f32 to vector<16xf32>
      %broadcast_in_dim3A_376 = arith.constant 0.000000e+00 : f32
      %broadcast_in_dim3A_377 = vector.broadcast %broadcast_in_dim3A_376 : f32 to vector<16xf32>
      %broadcast_in_dim3A_378 = arith.constant 0.000000e+00 : f32
      %broadcast_in_dim3A_379 = vector.broadcast %broadcast_in_dim3A_378 : f32 to vector<16xf32>
      %broadcast_in_dim3A_380 = arith.constant 0.000000e+00 : f32
      %broadcast_in_dim3A_381 = vector.broadcast %broadcast_in_dim3A_380 : f32 to vector<16xf32>
      %broadcast_in_dim3A_382 = arith.constant 0.000000e+00 : f32
      %broadcast_in_dim3A_383 = vector.broadcast %broadcast_in_dim3A_382 : f32 to vector<16xf32>
      %broadcast_in_dim3A_384 = arith.constant 0.000000e+00 : f32
      %broadcast_in_dim3A_385 = vector.broadcast %broadcast_in_dim3A_384 : f32 to vector<16xf32>
      %broadcast_in_dim3A_386 = arith.constant 0.000000e+00 : f32
      %broadcast_in_dim3A_387 = vector.broadcast %broadcast_in_dim3A_386 : f32 to vector<16xf32>
      %broadcast_in_dim3A_388 = arith.constant 0.000000e+00 : f32
      %broadcast_in_dim3A_389 = vector.broadcast %broadcast_in_dim3A_388 : f32 to vector<16xf32>
      %broadcast_in_dim3A_390 = arith.constant 0.000000e+00 : f32
      %broadcast_in_dim3A_391 = vector.broadcast %broadcast_in_dim3A_390 : f32 to vector<16xf32>
      %broadcast_in_dim3A_392 = arith.constant 0.000000e+00 : f32
      %broadcast_in_dim3A_393 = vector.broadcast %broadcast_in_dim3A_392 : f32 to vector<16xf32>
      %broadcast_in_dim3A_394 = arith.constant 0.000000e+00 : f32
      %broadcast_in_dim3A_395 = vector.broadcast %broadcast_in_dim3A_394 : f32 to vector<16xf32>
      %broadcast_in_dim3A_396 = arith.constant 0.000000e+00 : f32
      %broadcast_in_dim3A_397 = vector.broadcast %broadcast_in_dim3A_396 : f32 to vector<16xf32>
      %broadcast_in_dim3A_398 = arith.constant 0.000000e+00 : f32
      %broadcast_in_dim3A_399 = vector.broadcast %broadcast_in_dim3A_398 : f32 to vector<16xf32>
      %broadcast_in_dim3A_400 = arith.constant 0.000000e+00 : f32
      %broadcast_in_dim3A_401 = vector.broadcast %broadcast_in_dim3A_400 : f32 to vector<16xf32>
      %broadcast_in_dim3A_402 = arith.constant 0.000000e+00 : f32
      %broadcast_in_dim3A_403 = vector.broadcast %broadcast_in_dim3A_402 : f32 to vector<16xf32>
      %broadcast_in_dim3A_404 = arith.constant 0.000000e+00 : f32
      %broadcast_in_dim3A_405 = vector.broadcast %broadcast_in_dim3A_404 : f32 to vector<16xf32>
      %broadcast_in_dim3A_406 = arith.constant 0.000000e+00 : f32
      %broadcast_in_dim3A_407 = vector.broadcast %broadcast_in_dim3A_406 : f32 to vector<16xf32>
      %broadcast_in_dim3A_408 = arith.constant 0.000000e+00 : f32
      %broadcast_in_dim3A_409 = vector.broadcast %broadcast_in_dim3A_408 : f32 to vector<16xf32>
      %broadcast_in_dim3A_410 = arith.constant 0.000000e+00 : f32
      %broadcast_in_dim3A_411 = vector.broadcast %broadcast_in_dim3A_410 : f32 to vector<16xf32>
      %broadcast_in_dim3A_412 = arith.constant 0.000000e+00 : f32
      %broadcast_in_dim3A_413 = vector.broadcast %broadcast_in_dim3A_412 : f32 to vector<16xf32>
      %broadcast_in_dim3A_414 = arith.constant 0.000000e+00 : f32
      %broadcast_in_dim3A_415 = vector.broadcast %broadcast_in_dim3A_414 : f32 to vector<16xf32>
      %broadcast_in_dim3A_416 = arith.constant 0.000000e+00 : f32
      %broadcast_in_dim3A_417 = vector.broadcast %broadcast_in_dim3A_416 : f32 to vector<16xf32>
      %scan3A_418 = arith.constant 0 : i32
      %scan3A_419 = arith.constant 48 : i32
      %scan3A_420 = arith.addi %scan3A_418, %scan3A_419 : i32
      %scan3A_421 = arith.constant 1 : i32
      %scan3A_422:32 = scf.for %scan3A_1229 = %scan3A_418 to %scan3A_420 step %scan3A_421 iter_args(%scan3A_1230 = %broadcast_in_dim3A_355, %scan3A_1231 = %broadcast_in_dim3A_357, %scan3A_1232 = %broadcast_in_dim3A_359, %scan3A_1233 = %broadcast_in_dim3A_361, %scan3A_1234 = %broadcast_in_dim3A_363, %scan3A_1235 = %broadcast_in_dim3A_365, %scan3A_1236 = %broadcast_in_dim3A_367, %scan3A_1237 = %broadcast_in_dim3A_369, %scan3A_1238 = %broadcast_in_dim3A_371, %scan3A_1239 = %broadcast_in_dim3A_373, %scan3A_1240 = %broadcast_in_dim3A_375, %scan3A_1241 = %broadcast_in_dim3A_377, %scan3A_1242 = %broadcast_in_dim3A_379, %scan3A_1243 = %broadcast_in_dim3A_381, %scan3A_1244 = %broadcast_in_dim3A_383, %scan3A_1245 = %broadcast_in_dim3A_385, %scan3A_1246 = %broadcast_in_dim3A_387, %scan3A_1247 = %broadcast_in_dim3A_389, %scan3A_1248 = %broadcast_in_dim3A_391, %scan3A_1249 = %broadcast_in_dim3A_393, %scan3A_1250 = %broadcast_in_dim3A_395, %scan3A_1251 = %broadcast_in_dim3A_397, %scan3A_1252 = %broadcast_in_dim3A_399, %scan3A_1253 = %broadcast_in_dim3A_401, %scan3A_1254 = %broadcast_in_dim3A_403, %scan3A_1255 = %broadcast_in_dim3A_405, %scan3A_1256 = %broadcast_in_dim3A_407, %scan3A_1257 = %broadcast_in_dim3A_409, %scan3A_1258 = %broadcast_in_dim3A_411, %scan3A_1259 = %broadcast_in_dim3A_413, %scan3A_1260 = %broadcast_in_dim3A_415, %scan3A_1261 = %broadcast_in_dim3A_417) -> (vector<16xf32>, vector<16xf32>, vector<16xf32>, vector<16xf32>, vector<16xf32>, vector<16xf32>, vector<16xf32>, vector<16xf32>, vector<16xf32>, vector<16xf32>, vector<16xf32>, vector<16xf32>, vector<16xf32>, vector<16xf32>, vector<16xf32>, vector<16xf32>, vector<16xf32>, vector<16xf32>, vector<16xf32>, vector<16xf32>, vector<16xf32>, vector<16xf32>, vector<16xf32>, vector<16xf32>, vector<16xf32>, vector<16xf32>, vector<16xf32>, vector<16xf32>, vector<16xf32>, vector<16xf32>, vector<16xf32>, vector<16xf32>)  : i32 {
        %mul3A_1262 = arith.constant 16 : i32
        %mul3A_1263 = arith.muli %scan3A_1229, %mul3A_1262 : i32
        %get3A_1264 = arith.constant 8 : i32
        %get3A_1265 = arith.index_cast %get3A_1264 : i32 to index
        %get3A_1266 = arith.index_cast %mul3A_1263 : i32 to index
        %get3A_1267 = tpu.vector_load %arg8[%get3A_1265, %get3A_1266] {strides = array<i32>} : memref<16x768xf32, #tpu.memory_space<vmem>>, vector<16xf32>,
        %bitcast3A = vector.bitcast %get3A_1267 : vector<16xf32> to vector<16xi32>
        %shift_right_logical3A = arith.constant 16 : i32
        %shift_right_logical3A_1268 = vector.broadcast %shift_right_logical3A : i32 to vector<16xi32>
        %shift_right_logical3A_1269 = arith.shrui %bitcast3A, %shift_right_logical3A_1268 : vector<16xi32>
        %and3A_1270 = arith.constant 1 : i32
        %and3A_1271 = vector.broadcast %and3A_1270 : i32 to vector<16xi32>
        %and3A_1272 = arith.andi %shift_right_logical3A_1269, %and3A_1271 : vector<16xi32>
        %add3A_1273 = arith.constant 32767 : i32
        %add3A_1274 = vector.broadcast %add3A_1273 : i32 to vector<16xi32>
        %add3A_1275 = arith.addi %bitcast3A, %add3A_1274 : vector<16xi32>
        %add3A_1276 = arith.addi %add3A_1275, %and3A_1272 : vector<16xi32>
        %and3A_1277 = arith.constant -65536 : i32
        %and3A_1278 = vector.broadcast %and3A_1277 : i32 to vector<16xi32>
        %and3A_1279 = arith.andi %add3A_1276, %and3A_1278 : vector<16xi32>
        %bitcast3A_1280 = vector.bitcast %and3A_1279 : vector<16xi32> to vector<16xf32>
        %get3A_1281 = arith.constant 9 : i32
        %get3A_1282 = arith.index_cast %get3A_1281 : i32 to index
        %get3A_1283 = arith.index_cast %mul3A_1263 : i32 to index
        %get3A_1284 = tpu.vector_load %arg8[%get3A_1282, %get3A_1283] {strides = array<i32>} : memref<16x768xf32, #tpu.memory_space<vmem>>, vector<16xf32>,
        %bitcast3A_1285 = vector.bitcast %get3A_1284 : vector<16xf32> to vector<16xi32>
        %shift_right_logical3A_1286 = arith.constant 16 : i32
        %shift_right_logical3A_1287 = vector.broadcast %shift_right_logical3A_1286 : i32 to vector<16xi32>
        %shift_right_logical3A_1288 = arith.shrui %bitcast3A_1285, %shift_right_logical3A_1287 : vector<16xi32>
        %and3A_1289 = arith.constant 1 : i32
        %and3A_1290 = vector.broadcast %and3A_1289 : i32 to vector<16xi32>
        %and3A_1291 = arith.andi %shift_right_logical3A_1288, %and3A_1290 : vector<16xi32>
        %add3A_1292 = arith.constant 32767 : i32
        %add3A_1293 = vector.broadcast %add3A_1292 : i32 to vector<16xi32>
        %add3A_1294 = arith.addi %bitcast3A_1285, %add3A_1293 : vector<16xi32>
        %add3A_1295 = arith.addi %add3A_1294, %and3A_1291 : vector<16xi32>
        %and3A_1296 = arith.constant -65536 : i32
        %and3A_1297 = vector.broadcast %and3A_1296 : i32 to vector<16xi32>
        %and3A_1298 = arith.andi %add3A_1295, %and3A_1297 : vector<16xi32>
        %bitcast3A_1299 = vector.bitcast %and3A_1298 : vector<16xi32> to vector<16xf32>
        %get3A_1300 = arith.constant 10 : i32
        %get3A_1301 = arith.index_cast %get3A_1300 : i32 to index
        %get3A_1302 = arith.index_cast %mul3A_1263 : i32 to index
        %get3A_1303 = tpu.vector_load %arg8[%get3A_1301, %get3A_1302] {strides = array<i32>} : memref<16x768xf32, #tpu.memory_space<vmem>>, vector<16xf32>,
        %bitcast3A_1304 = vector.bitcast %get3A_1303 : vector<16xf32> to vector<16xi32>
        %shift_right_logical3A_1305 = arith.constant 16 : i32
        %shift_right_logical3A_1306 = vector.broadcast %shift_right_logical3A_1305 : i32 to vector<16xi32>
        %shift_right_logical3A_1307 = arith.shrui %bitcast3A_1304, %shift_right_logical3A_1306 : vector<16xi32>
        %and3A_1308 = arith.constant 1 : i32
        %and3A_1309 = vector.broadcast %and3A_1308 : i32 to vector<16xi32>
        %and3A_1310 = arith.andi %shift_right_logical3A_1307, %and3A_1309 : vector<16xi32>
        %add3A_1311 = arith.constant 32767 : i32
        %add3A_1312 = vector.broadcast %add3A_1311 : i32 to vector<16xi32>
        %add3A_1313 = arith.addi %bitcast3A_1304, %add3A_1312 : vector<16xi32>
        %add3A_1314 = arith.addi %add3A_1313, %and3A_1310 : vector<16xi32>
        %and3A_1315 = arith.constant -65536 : i32
        %and3A_1316 = vector.broadcast %and3A_1315 : i32 to vector<16xi32>
        %and3A_1317 = arith.andi %add3A_1314, %and3A_1316 : vector<16xi32>
        %bitcast3A_1318 = vector.bitcast %and3A_1317 : vector<16xi32> to vector<16xf32>
        %get3A_1319 = arith.constant 11 : i32
        %get3A_1320 = arith.index_cast %get3A_1319 : i32 to index
        %get3A_1321 = arith.index_cast %mul3A_1263 : i32 to index
        %get3A_1322 = tpu.vector_load %arg8[%get3A_1320, %get3A_1321] {strides = array<i32>} : memref<16x768xf32, #tpu.memory_space<vmem>>, vector<16xf32>,
        %bitcast3A_1323 = vector.bitcast %get3A_1322 : vector<16xf32> to vector<16xi32>
        %shift_right_logical3A_1324 = arith.constant 16 : i32
        %shift_right_logical3A_1325 = vector.broadcast %shift_right_logical3A_1324 : i32 to vector<16xi32>
        %shift_right_logical3A_1326 = arith.shrui %bitcast3A_1323, %shift_right_logical3A_1325 : vector<16xi32>
        %and3A_1327 = arith.constant 1 : i32
        %and3A_1328 = vector.broadcast %and3A_1327 : i32 to vector<16xi32>
        %and3A_1329 = arith.andi %shift_right_logical3A_1326, %and3A_1328 : vector<16xi32>
        %add3A_1330 = arith.constant 32767 : i32
        %add3A_1331 = vector.broadcast %add3A_1330 : i32 to vector<16xi32>
        %add3A_1332 = arith.addi %bitcast3A_1323, %add3A_1331 : vector<16xi32>
        %add3A_1333 = arith.addi %add3A_1332, %and3A_1329 : vector<16xi32>
        %and3A_1334 = arith.constant -65536 : i32
        %and3A_1335 = vector.broadcast %and3A_1334 : i32 to vector<16xi32>
        %and3A_1336 = arith.andi %add3A_1333, %and3A_1335 : vector<16xi32>
        %bitcast3A_1337 = vector.bitcast %and3A_1336 : vector<16xi32> to vector<16xf32>
        %get3A_1338 = arith.constant 0 : i32
        %get3A_1339 = arith.index_cast %get3A_1338 : i32 to index
        %get3A_1340 = arith.index_cast %mul3A_1263 : i32 to index
        %get3A_1341 = tpu.vector_load %arg7[%get3A_1339, %get3A_1340] {strides = array<i32>} : memref<8x768xf32, #tpu.memory_space<vmem>>, vector<16xf32>,
        %get3A_1342 = arith.constant 1 : i32
        %get3A_1343 = arith.index_cast %get3A_1342 : i32 to index
        %get3A_1344 = arith.index_cast %mul3A_1263 : i32 to index
        %get3A_1345 = tpu.vector_load %arg7[%get3A_1343, %get3A_1344] {strides = array<i32>} : memref<8x768xf32, #tpu.memory_space<vmem>>, vector<16xf32>,
        %get3A_1346 = arith.constant 2 : i32
        %get3A_1347 = arith.index_cast %get3A_1346 : i32 to index
        %get3A_1348 = arith.index_cast %mul3A_1263 : i32 to index
        %get3A_1349 = tpu.vector_load %arg7[%get3A_1347, %get3A_1348] {strides = array<i32>} : memref<8x768xf32, #tpu.memory_space<vmem>>, vector<16xf32>,
        %get3A_1350 = arith.constant 3 : i32
        %get3A_1351 = arith.index_cast %get3A_1350 : i32 to index
        %get3A_1352 = arith.index_cast %mul3A_1263 : i32 to index
        %get3A_1353 = tpu.vector_load %arg7[%get3A_1351, %get3A_1352] {strides = array<i32>} : memref<8x768xf32, #tpu.memory_space<vmem>>, vector<16xf32>,
        %get3A_1354 = arith.constant 4 : i32
        %get3A_1355 = arith.index_cast %get3A_1354 : i32 to index
        %get3A_1356 = arith.index_cast %mul3A_1263 : i32 to index
        %get3A_1357 = tpu.vector_load %arg7[%get3A_1355, %get3A_1356] {strides = array<i32>} : memref<8x768xf32, #tpu.memory_space<vmem>>, vector<16xf32>,
        %get3A_1358 = arith.constant 5 : i32
        %get3A_1359 = arith.index_cast %get3A_1358 : i32 to index
        %get3A_1360 = arith.index_cast %mul3A_1263 : i32 to index
        %get3A_1361 = tpu.vector_load %arg7[%get3A_1359, %get3A_1360] {strides = array<i32>} : memref<8x768xf32, #tpu.memory_space<vmem>>, vector<16xf32>,
        %get3A_1362 = arith.constant 6 : i32
        %get3A_1363 = arith.index_cast %get3A_1362 : i32 to index
        %get3A_1364 = arith.index_cast %mul3A_1263 : i32 to index
        %get3A_1365 = tpu.vector_load %arg7[%get3A_1363, %get3A_1364] {strides = array<i32>} : memref<8x768xf32, #tpu.memory_space<vmem>>, vector<16xf32>,
        %get3A_1366 = arith.constant 7 : i32
        %get3A_1367 = arith.index_cast %get3A_1366 : i32 to index
        %get3A_1368 = arith.index_cast %mul3A_1263 : i32 to index
        %get3A_1369 = tpu.vector_load %arg7[%get3A_1367, %get3A_1368] {strides = array<i32>} : memref<8x768xf32, #tpu.memory_space<vmem>>, vector<16xf32>,
        %mul3A_1370 = arith.mulf %bitcast3A_1280, %get3A_1341 : vector<16xf32>
        %add3A_1371 = arith.addf %scan3A_1230, %mul3A_1370 : vector<16xf32>
        %mul3A_1372 = arith.mulf %bitcast3A_1280, %get3A_1345 : vector<16xf32>
        %add3A_1373 = arith.addf %scan3A_1231, %mul3A_1372 : vector<16xf32>
        %mul3A_1374 = arith.mulf %bitcast3A_1280, %get3A_1349 : vector<16xf32>
        %add3A_1375 = arith.addf %scan3A_1232, %mul3A_1374 : vector<16xf32>
        %mul3A_1376 = arith.mulf %bitcast3A_1280, %get3A_1353 : vector<16xf32>
        %add3A_1377 = arith.addf %scan3A_1233, %mul3A_1376 : vector<16xf32>
        %mul3A_1378 = arith.mulf %bitcast3A_1280, %get3A_1357 : vector<16xf32>
        %add3A_1379 = arith.addf %scan3A_1234, %mul3A_1378 : vector<16xf32>
        %mul3A_1380 = arith.mulf %bitcast3A_1280, %get3A_1361 : vector<16xf32>
        %add3A_1381 = arith.addf %scan3A_1235, %mul3A_1380 : vector<16xf32>
        %mul3A_1382 = arith.mulf %bitcast3A_1280, %get3A_1365 : vector<16xf32>
        %add3A_1383 = arith.addf %scan3A_1236, %mul3A_1382 : vector<16xf32>
        %mul3A_1384 = arith.mulf %bitcast3A_1280, %get3A_1369 : vector<16xf32>
        %add3A_1385 = arith.addf %scan3A_1237, %mul3A_1384 : vector<16xf32>
        %mul3A_1386 = arith.mulf %bitcast3A_1299, %get3A_1341 : vector<16xf32>
        %add3A_1387 = arith.addf %scan3A_1238, %mul3A_1386 : vector<16xf32>
        %mul3A_1388 = arith.mulf %bitcast3A_1299, %get3A_1345 : vector<16xf32>
        %add3A_1389 = arith.addf %scan3A_1239, %mul3A_1388 : vector<16xf32>
        %mul3A_1390 = arith.mulf %bitcast3A_1299, %get3A_1349 : vector<16xf32>
        %add3A_1391 = arith.addf %scan3A_1240, %mul3A_1390 : vector<16xf32>
        %mul3A_1392 = arith.mulf %bitcast3A_1299, %get3A_1353 : vector<16xf32>
        %add3A_1393 = arith.addf %scan3A_1241, %mul3A_1392 : vector<16xf32>
        %mul3A_1394 = arith.mulf %bitcast3A_1299, %get3A_1357 : vector<16xf32>
        %add3A_1395 = arith.addf %scan3A_1242, %mul3A_1394 : vector<16xf32>
        %mul3A_1396 = arith.mulf %bitcast3A_1299, %get3A_1361 : vector<16xf32>
        %add3A_1397 = arith.addf %scan3A_1243, %mul3A_1396 : vector<16xf32>
        %mul3A_1398 = arith.mulf %bitcast3A_1299, %get3A_1365 : vector<16xf32>
        %add3A_1399 = arith.addf %scan3A_1244, %mul3A_1398 : vector<16xf32>
        %mul3A_1400 = arith.mulf %bitcast3A_1299, %get3A_1369 : vector<16xf32>
        %add3A_1401 = arith.addf %scan3A_1245, %mul3A_1400 : vector<16xf32>
        %mul3A_1402 = arith.mulf %bitcast3A_1318, %get3A_1341 : vector<16xf32>
        %add3A_1403 = arith.addf %scan3A_1246, %mul3A_1402 : vector<16xf32>
        %mul3A_1404 = arith.mulf %bitcast3A_1318, %get3A_1345 : vector<16xf32>
        %add3A_1405 = arith.addf %scan3A_1247, %mul3A_1404 : vector<16xf32>
        %mul3A_1406 = arith.mulf %bitcast3A_1318, %get3A_1349 : vector<16xf32>
        %add3A_1407 = arith.addf %scan3A_1248, %mul3A_1406 : vector<16xf32>
        %mul3A_1408 = arith.mulf %bitcast3A_1318, %get3A_1353 : vector<16xf32>
        %add3A_1409 = arith.addf %scan3A_1249, %mul3A_1408 : vector<16xf32>
        %mul3A_1410 = arith.mulf %bitcast3A_1318, %get3A_1357 : vector<16xf32>
        %add3A_1411 = arith.addf %scan3A_1250, %mul3A_1410 : vector<16xf32>
        %mul3A_1412 = arith.mulf %bitcast3A_1318, %get3A_1361 : vector<16xf32>
        %add3A_1413 = arith.addf %scan3A_1251, %mul3A_1412 : vector<16xf32>
        %mul3A_1414 = arith.mulf %bitcast3A_1318, %get3A_1365 : vector<16xf32>
        %add3A_1415 = arith.addf %scan3A_1252, %mul3A_1414 : vector<16xf32>
        %mul3A_1416 = arith.mulf %bitcast3A_1318, %get3A_1369 : vector<16xf32>
        %add3A_1417 = arith.addf %scan3A_1253, %mul3A_1416 : vector<16xf32>
        %mul3A_1418 = arith.mulf %bitcast3A_1337, %get3A_1341 : vector<16xf32>
        %add3A_1419 = arith.addf %scan3A_1254, %mul3A_1418 : vector<16xf32>
        %mul3A_1420 = arith.mulf %bitcast3A_1337, %get3A_1345 : vector<16xf32>
        %add3A_1421 = arith.addf %scan3A_1255, %mul3A_1420 : vector<16xf32>
        %mul3A_1422 = arith.mulf %bitcast3A_1337, %get3A_1349 : vector<16xf32>
        %add3A_1423 = arith.addf %scan3A_1256, %mul3A_1422 : vector<16xf32>
        %mul3A_1424 = arith.mulf %bitcast3A_1337, %get3A_1353 : vector<16xf32>
        %add3A_1425 = arith.addf %scan3A_1257, %mul3A_1424 : vector<16xf32>
        %mul3A_1426 = arith.mulf %bitcast3A_1337, %get3A_1357 : vector<16xf32>
        %add3A_1427 = arith.addf %scan3A_1258, %mul3A_1426 : vector<16xf32>
        %mul3A_1428 = arith.mulf %bitcast3A_1337, %get3A_1361 : vector<16xf32>
        %add3A_1429 = arith.addf %scan3A_1259, %mul3A_1428 : vector<16xf32>
        %mul3A_1430 = arith.mulf %bitcast3A_1337, %get3A_1365 : vector<16xf32>
        %add3A_1431 = arith.addf %scan3A_1260, %mul3A_1430 : vector<16xf32>
        %mul3A_1432 = arith.mulf %bitcast3A_1337, %get3A_1369 : vector<16xf32>
        %add3A_1433 = arith.addf %scan3A_1261, %mul3A_1432 : vector<16xf32>
        scf.yield %add3A_1371, %add3A_1373, %add3A_1375, %add3A_1377, %add3A_1379, %add3A_1381, %add3A_1383, %add3A_1385, %add3A_1387, %add3A_1389, %add3A_1391, %add3A_1393, %add3A_1395, %add3A_1397, %add3A_1399, %add3A_1401, %add3A_1403, %add3A_1405, %add3A_1407, %add3A_1409, %add3A_1411, %add3A_1413, %add3A_1415, %add3A_1417, %add3A_1419, %add3A_1421, %add3A_1423, %add3A_1425, %add3A_1427, %add3A_1429, %add3A_1431, %add3A_1433 : vector<16xf32>, vector<16xf32>, vector<16xf32>, vector<16xf32>, vector<16xf32>, vector<16xf32>, vector<16xf32>, vector<16xf32>, vector<16xf32>, vector<16xf32>, vector<16xf32>, vector<16xf32>, vector<16xf32>, vector<16xf32>, vector<16xf32>, vector<16xf32>, vector<16xf32>, vector<16xf32>, vector<16xf32>, vector<16xf32>, vector<16xf32>, vector<16xf32>, vector<16xf32>, vector<16xf32>, vector<16xf32>, vector<16xf32>, vector<16xf32>, vector<16xf32>, vector<16xf32>, vector<16xf32>, vector<16xf32>, vector<16xf32>
      }
      %scan3A_423 = arith.constant 48 : i32
      %add3A_424 = arith.constant 8 : i32
      %add3A_425 = vector.broadcast %add3A_424 : i32 to vector<16xi32>
      %add3A_426 = arith.addi %mul3A_5, %add3A_425 : vector<16xi32>
      tpu.vector_store_idx %arg9[%add3A_426], %scan3A_422#0 : memref<2048xf32, #tpu.memory_space<vmem>>[vector<16xi32>], vector<16xf32>,
      %add3A_427 = arith.constant 264 : i32
      %add3A_428 = vector.broadcast %add3A_427 : i32 to vector<16xi32>
      %add3A_429 = arith.addi %mul3A_5, %add3A_428 : vector<16xi32>
      tpu.vector_store_idx %arg9[%add3A_429], %scan3A_422#1 : memref<2048xf32, #tpu.memory_space<vmem>>[vector<16xi32>], vector<16xf32>,
      %add3A_430 = arith.constant 520 : i32
      %add3A_431 = vector.broadcast %add3A_430 : i32 to vector<16xi32>
      %add3A_432 = arith.addi %mul3A_5, %add3A_431 : vector<16xi32>
      tpu.vector_store_idx %arg9[%add3A_432], %scan3A_422#2 : memref<2048xf32, #tpu.memory_space<vmem>>[vector<16xi32>], vector<16xf32>,
      %add3A_433 = arith.constant 776 : i32
      %add3A_434 = vector.broadcast %add3A_433 : i32 to vector<16xi32>
      %add3A_435 = arith.addi %mul3A_5, %add3A_434 : vector<16xi32>
      tpu.vector_store_idx %arg9[%add3A_435], %scan3A_422#3 : memref<2048xf32, #tpu.memory_space<vmem>>[vector<16xi32>], vector<16xf32>,
      %add3A_436 = arith.constant 1032 : i32
      %add3A_437 = vector.broadcast %add3A_436 : i32 to vector<16xi32>
      %add3A_438 = arith.addi %mul3A_5, %add3A_437 : vector<16xi32>
      tpu.vector_store_idx %arg9[%add3A_438], %scan3A_422#4 : memref<2048xf32, #tpu.memory_space<vmem>>[vector<16xi32>], vector<16xf32>,
      %add3A_439 = arith.constant 1288 : i32
      %add3A_440 = vector.broadcast %add3A_439 : i32 to vector<16xi32>
      %add3A_441 = arith.addi %mul3A_5, %add3A_440 : vector<16xi32>
      tpu.vector_store_idx %arg9[%add3A_441], %scan3A_422#5 : memref<2048xf32, #tpu.memory_space<vmem>>[vector<16xi32>], vector<16xf32>,
      %add3A_442 = arith.constant 1544 : i32
      %add3A_443 = vector.broadcast %add3A_442 : i32 to vector<16xi32>
      %add3A_444 = arith.addi %mul3A_5, %add3A_443 : vector<16xi32>
      tpu.vector_store_idx %arg9[%add3A_444], %scan3A_422#6 : memref<2048xf32, #tpu.memory_space<vmem>>[vector<16xi32>], vector<16xf32>,
      %add3A_445 = arith.constant 1800 : i32
      %add3A_446 = vector.broadcast %add3A_445 : i32 to vector<16xi32>
      %add3A_447 = arith.addi %mul3A_5, %add3A_446 : vector<16xi32>
      tpu.vector_store_idx %arg9[%add3A_447], %scan3A_422#7 : memref<2048xf32, #tpu.memory_space<vmem>>[vector<16xi32>], vector<16xf32>,
      %add3A_448 = arith.constant 9 : i32
      %add3A_449 = vector.broadcast %add3A_448 : i32 to vector<16xi32>
      %add3A_450 = arith.addi %mul3A_5, %add3A_449 : vector<16xi32>
      tpu.vector_store_idx %arg9[%add3A_450], %scan3A_422#8 : memref<2048xf32, #tpu.memory_space<vmem>>[vector<16xi32>], vector<16xf32>,
      %add3A_451 = arith.constant 265 : i32
      %add3A_452 = vector.broadcast %add3A_451 : i32 to vector<16xi32>
      %add3A_453 = arith.addi %mul3A_5, %add3A_452 : vector<16xi32>
      tpu.vector_store_idx %arg9[%add3A_453], %scan3A_422#9 : memref<2048xf32, #tpu.memory_space<vmem>>[vector<16xi32>], vector<16xf32>,
      %add3A_454 = arith.constant 521 : i32
      %add3A_455 = vector.broadcast %add3A_454 : i32 to vector<16xi32>
      %add3A_456 = arith.addi %mul3A_5, %add3A_455 : vector<16xi32>
      tpu.vector_store_idx %arg9[%add3A_456], %scan3A_422#10 : memref<2048xf32, #tpu.memory_space<vmem>>[vector<16xi32>], vector<16xf32>,
      %add3A_457 = arith.constant 777 : i32
      %add3A_458 = vector.broadcast %add3A_457 : i32 to vector<16xi32>
      %add3A_459 = arith.addi %mul3A_5, %add3A_458 : vector<16xi32>
      tpu.vector_store_idx %arg9[%add3A_459], %scan3A_422#11 : memref<2048xf32, #tpu.memory_space<vmem>>[vector<16xi32>], vector<16xf32>,
      %add3A_460 = arith.constant 1033 : i32
      %add3A_461 = vector.broadcast %add3A_460 : i32 to vector<16xi32>
      %add3A_462 = arith.addi %mul3A_5, %add3A_461 : vector<16xi32>
      tpu.vector_store_idx %arg9[%add3A_462], %scan3A_422#12 : memref<2048xf32, #tpu.memory_space<vmem>>[vector<16xi32>], vector<16xf32>,
      %add3A_463 = arith.constant 1289 : i32
      %add3A_464 = vector.broadcast %add3A_463 : i32 to vector<16xi32>
      %add3A_465 = arith.addi %mul3A_5, %add3A_464 : vector<16xi32>
      tpu.vector_store_idx %arg9[%add3A_465], %scan3A_422#13 : memref<2048xf32, #tpu.memory_space<vmem>>[vector<16xi32>], vector<16xf32>,
      %add3A_466 = arith.constant 1545 : i32
      %add3A_467 = vector.broadcast %add3A_466 : i32 to vector<16xi32>
      %add3A_468 = arith.addi %mul3A_5, %add3A_467 : vector<16xi32>
      tpu.vector_store_idx %arg9[%add3A_468], %scan3A_422#14 : memref<2048xf32, #tpu.memory_space<vmem>>[vector<16xi32>], vector<16xf32>,
      %add3A_469 = arith.constant 1801 : i32
      %add3A_470 = vector.broadcast %add3A_469 : i32 to vector<16xi32>
      %add3A_471 = arith.addi %mul3A_5, %add3A_470 : vector<16xi32>
      tpu.vector_store_idx %arg9[%add3A_471], %scan3A_422#15 : memref<2048xf32, #tpu.memory_space<vmem>>[vector<16xi32>], vector<16xf32>,
      %add3A_472 = arith.constant 10 : i32
      %add3A_473 = vector.broadcast %add3A_472 : i32 to vector<16xi32>
      %add3A_474 = arith.addi %mul3A_5, %add3A_473 : vector<16xi32>
      tpu.vector_store_idx %arg9[%add3A_474], %scan3A_422#16 : memref<2048xf32, #tpu.memory_space<vmem>>[vector<16xi32>], vector<16xf32>,
      %add3A_475 = arith.constant 266 : i32
      %add3A_476 = vector.broadcast %add3A_475 : i32 to vector<16xi32>
      %add3A_477 = arith.addi %mul3A_5, %add3A_476 : vector<16xi32>
      tpu.vector_store_idx %arg9[%add3A_477], %scan3A_422#17 : memref<2048xf32, #tpu.memory_space<vmem>>[vector<16xi32>], vector<16xf32>,
      %add3A_478 = arith.constant 522 : i32
      %add3A_479 = vector.broadcast %add3A_478 : i32 to vector<16xi32>
      %add3A_480 = arith.addi %mul3A_5, %add3A_479 : vector<16xi32>
      tpu.vector_store_idx %arg9[%add3A_480], %scan3A_422#18 : memref<2048xf32, #tpu.memory_space<vmem>>[vector<16xi32>], vector<16xf32>,
      %add3A_481 = arith.constant 778 : i32
      %add3A_482 = vector.broadcast %add3A_481 : i32 to vector<16xi32>
      %add3A_483 = arith.addi %mul3A_5, %add3A_482 : vector<16xi32>
      tpu.vector_store_idx %arg9[%add3A_483], %scan3A_422#19 : memref<2048xf32, #tpu.memory_space<vmem>>[vector<16xi32>], vector<16xf32>,
      %add3A_484 = arith.constant 1034 : i32
      %add3A_485 = vector.broadcast %add3A_484 : i32 to vector<16xi32>
      %add3A_486 = arith.addi %mul3A_5, %add3A_485 : vector<16xi32>
      tpu.vector_store_idx %arg9[%add3A_486], %scan3A_422#20 : memref<2048xf32, #tpu.memory_space<vmem>>[vector<16xi32>], vector<16xf32>,
      %add3A_487 = arith.constant 1290 : i32
      %add3A_488 = vector.broadcast %add3A_487 : i32 to vector<16xi32>
      %add3A_489 = arith.addi %mul3A_5, %add3A_488 : vector<16xi32>
      tpu.vector_store_idx %arg9[%add3A_489], %scan3A_422#21 : memref<2048xf32, #tpu.memory_space<vmem>>[vector<16xi32>], vector<16xf32>,
      %add3A_490 = arith.constant 1546 : i32
      %add3A_491 = vector.broadcast %add3A_490 : i32 to vector<16xi32>
      %add3A_492 = arith.addi %mul3A_5, %add3A_491 : vector<16xi32>
      tpu.vector_store_idx %arg9[%add3A_492], %scan3A_422#22 : memref<2048xf32, #tpu.memory_space<vmem>>[vector<16xi32>], vector<16xf32>,
      %add3A_493 = arith.constant 1802 : i32
      %add3A_494 = vector.broadcast %add3A_493 : i32 to vector<16xi32>
      %add3A_495 = arith.addi %mul3A_5, %add3A_494 : vector<16xi32>
      tpu.vector_store_idx %arg9[%add3A_495], %scan3A_422#23 : memref<2048xf32, #tpu.memory_space<vmem>>[vector<16xi32>], vector<16xf32>,
      %add3A_496 = arith.constant 11 : i32
      %add3A_497 = vector.broadcast %add3A_496 : i32 to vector<16xi32>
      %add3A_498 = arith.addi %mul3A_5, %add3A_497 : vector<16xi32>
      tpu.vector_store_idx %arg9[%add3A_498], %scan3A_422#24 : memref<2048xf32, #tpu.memory_space<vmem>>[vector<16xi32>], vector<16xf32>,
      %add3A_499 = arith.constant 267 : i32
      %add3A_500 = vector.broadcast %add3A_499 : i32 to vector<16xi32>
      %add3A_501 = arith.addi %mul3A_5, %add3A_500 : vector<16xi32>
      tpu.vector_store_idx %arg9[%add3A_501], %scan3A_422#25 : memref<2048xf32, #tpu.memory_space<vmem>>[vector<16xi32>], vector<16xf32>,
      %add3A_502 = arith.constant 523 : i32
      %add3A_503 = vector.broadcast %add3A_502 : i32 to vector<16xi32>
      %add3A_504 = arith.addi %mul3A_5, %add3A_503 : vector<16xi32>
      tpu.vector_store_idx %arg9[%add3A_504], %scan3A_422#26 : memref<2048xf32, #tpu.memory_space<vmem>>[vector<16xi32>], vector<16xf32>,
      %add3A_505 = arith.constant 779 : i32
      %add3A_506 = vector.broadcast %add3A_505 : i32 to vector<16xi32>
      %add3A_507 = arith.addi %mul3A_5, %add3A_506 : vector<16xi32>
      tpu.vector_store_idx %arg9[%add3A_507], %scan3A_422#27 : memref<2048xf32, #tpu.memory_space<vmem>>[vector<16xi32>], vector<16xf32>,
      %add3A_508 = arith.constant 1035 : i32
      %add3A_509 = vector.broadcast %add3A_508 : i32 to vector<16xi32>
      %add3A_510 = arith.addi %mul3A_5, %add3A_509 : vector<16xi32>
      tpu.vector_store_idx %arg9[%add3A_510], %scan3A_422#28 : memref<2048xf32, #tpu.memory_space<vmem>>[vector<16xi32>], vector<16xf32>,
      %add3A_511 = arith.constant 1291 : i32
      %add3A_512 = vector.broadcast %add3A_511 : i32 to vector<16xi32>
      %add3A_513 = arith.addi %mul3A_5, %add3A_512 : vector<16xi32>
      tpu.vector_store_idx %arg9[%add3A_513], %scan3A_422#29 : memref<2048xf32, #tpu.memory_space<vmem>>[vector<16xi32>], vector<16xf32>,
      %add3A_514 = arith.constant 1547 : i32
      %add3A_515 = vector.broadcast %add3A_514 : i32 to vector<16xi32>
      %add3A_516 = arith.addi %mul3A_5, %add3A_515 : vector<16xi32>
      tpu.vector_store_idx %arg9[%add3A_516], %scan3A_422#30 : memref<2048xf32, #tpu.memory_space<vmem>>[vector<16xi32>], vector<16xf32>,
      %add3A_517 = arith.constant 1803 : i32
      %add3A_518 = vector.broadcast %add3A_517 : i32 to vector<16xi32>
      %add3A_519 = arith.addi %mul3A_5, %add3A_518 : vector<16xi32>
      tpu.vector_store_idx %arg9[%add3A_519], %scan3A_422#31 : memref<2048xf32, #tpu.memory_space<vmem>>[vector<16xi32>], vector<16xf32>,
      %broadcast_in_dim3A_520 = arith.constant 0.000000e+00 : f32
      %broadcast_in_dim3A_521 = vector.broadcast %broadcast_in_dim3A_520 : f32 to vector<16xf32>
      %broadcast_in_dim3A_522 = arith.constant 0.000000e+00 : f32
      %broadcast_in_dim3A_523 = vector.broadcast %broadcast_in_dim3A_522 : f32 to vector<16xf32>
      %broadcast_in_dim3A_524 = arith.constant 0.000000e+00 : f32
      %broadcast_in_dim3A_525 = vector.broadcast %broadcast_in_dim3A_524 : f32 to vector<16xf32>
      %broadcast_in_dim3A_526 = arith.constant 0.000000e+00 : f32
      %broadcast_in_dim3A_527 = vector.broadcast %broadcast_in_dim3A_526 : f32 to vector<16xf32>
      %broadcast_in_dim3A_528 = arith.constant 0.000000e+00 : f32
      %broadcast_in_dim3A_529 = vector.broadcast %broadcast_in_dim3A_528 : f32 to vector<16xf32>
      %broadcast_in_dim3A_530 = arith.constant 0.000000e+00 : f32
      %broadcast_in_dim3A_531 = vector.broadcast %broadcast_in_dim3A_530 : f32 to vector<16xf32>
      %broadcast_in_dim3A_532 = arith.constant 0.000000e+00 : f32
      %broadcast_in_dim3A_533 = vector.broadcast %broadcast_in_dim3A_532 : f32 to vector<16xf32>
      %broadcast_in_dim3A_534 = arith.constant 0.000000e+00 : f32
      %broadcast_in_dim3A_535 = vector.broadcast %broadcast_in_dim3A_534 : f32 to vector<16xf32>
      %broadcast_in_dim3A_536 = arith.constant 0.000000e+00 : f32
      %broadcast_in_dim3A_537 = vector.broadcast %broadcast_in_dim3A_536 : f32 to vector<16xf32>
      %broadcast_in_dim3A_538 = arith.constant 0.000000e+00 : f32
      %broadcast_in_dim3A_539 = vector.broadcast %broadcast_in_dim3A_538 : f32 to vector<16xf32>
      %broadcast_in_dim3A_540 = arith.constant 0.000000e+00 : f32
      %broadcast_in_dim3A_541 = vector.broadcast %broadcast_in_dim3A_540 : f32 to vector<16xf32>
      %broadcast_in_dim3A_542 = arith.constant 0.000000e+00 : f32
      %broadcast_in_dim3A_543 = vector.broadcast %broadcast_in_dim3A_542 : f32 to vector<16xf32>
      %broadcast_in_dim3A_544 = arith.constant 0.000000e+00 : f32
      %broadcast_in_dim3A_545 = vector.broadcast %broadcast_in_dim3A_544 : f32 to vector<16xf32>
      %broadcast_in_dim3A_546 = arith.constant 0.000000e+00 : f32
      %broadcast_in_dim3A_547 = vector.broadcast %broadcast_in_dim3A_546 : f32 to vector<16xf32>
      %broadcast_in_dim3A_548 = arith.constant 0.000000e+00 : f32
      %broadcast_in_dim3A_549 = vector.broadcast %broadcast_in_dim3A_548 : f32 to vector<16xf32>
      %broadcast_in_dim3A_550 = arith.constant 0.000000e+00 : f32
      %broadcast_in_dim3A_551 = vector.broadcast %broadcast_in_dim3A_550 : f32 to vector<16xf32>
      %broadcast_in_dim3A_552 = arith.constant 0.000000e+00 : f32
      %broadcast_in_dim3A_553 = vector.broadcast %broadcast_in_dim3A_552 : f32 to vector<16xf32>
      %broadcast_in_dim3A_554 = arith.constant 0.000000e+00 : f32
      %broadcast_in_dim3A_555 = vector.broadcast %broadcast_in_dim3A_554 : f32 to vector<16xf32>
      %broadcast_in_dim3A_556 = arith.constant 0.000000e+00 : f32
      %broadcast_in_dim3A_557 = vector.broadcast %broadcast_in_dim3A_556 : f32 to vector<16xf32>
      %broadcast_in_dim3A_558 = arith.constant 0.000000e+00 : f32
      %broadcast_in_dim3A_559 = vector.broadcast %broadcast_in_dim3A_558 : f32 to vector<16xf32>
      %broadcast_in_dim3A_560 = arith.constant 0.000000e+00 : f32
      %broadcast_in_dim3A_561 = vector.broadcast %broadcast_in_dim3A_560 : f32 to vector<16xf32>
      %broadcast_in_dim3A_562 = arith.constant 0.000000e+00 : f32
      %broadcast_in_dim3A_563 = vector.broadcast %broadcast_in_dim3A_562 : f32 to vector<16xf32>
      %broadcast_in_dim3A_564 = arith.constant 0.000000e+00 : f32
      %broadcast_in_dim3A_565 = vector.broadcast %broadcast_in_dim3A_564 : f32 to vector<16xf32>
      %broadcast_in_dim3A_566 = arith.constant 0.000000e+00 : f32
      %broadcast_in_dim3A_567 = vector.broadcast %broadcast_in_dim3A_566 : f32 to vector<16xf32>
      %broadcast_in_dim3A_568 = arith.constant 0.000000e+00 : f32
      %broadcast_in_dim3A_569 = vector.broadcast %broadcast_in_dim3A_568 : f32 to vector<16xf32>
      %broadcast_in_dim3A_570 = arith.constant 0.000000e+00 : f32
      %broadcast_in_dim3A_571 = vector.broadcast %broadcast_in_dim3A_570 : f32 to vector<16xf32>
      %broadcast_in_dim3A_572 = arith.constant 0.000000e+00 : f32
      %broadcast_in_dim3A_573 = vector.broadcast %broadcast_in_dim3A_572 : f32 to vector<16xf32>
      %broadcast_in_dim3A_574 = arith.constant 0.000000e+00 : f32
      %broadcast_in_dim3A_575 = vector.broadcast %broadcast_in_dim3A_574 : f32 to vector<16xf32>
      %broadcast_in_dim3A_576 = arith.constant 0.000000e+00 : f32
      %broadcast_in_dim3A_577 = vector.broadcast %broadcast_in_dim3A_576 : f32 to vector<16xf32>
      %broadcast_in_dim3A_578 = arith.constant 0.000000e+00 : f32
      %broadcast_in_dim3A_579 = vector.broadcast %broadcast_in_dim3A_578 : f32 to vector<16xf32>
      %broadcast_in_dim3A_580 = arith.constant 0.000000e+00 : f32
      %broadcast_in_dim3A_581 = vector.broadcast %broadcast_in_dim3A_580 : f32 to vector<16xf32>
      %broadcast_in_dim3A_582 = arith.constant 0.000000e+00 : f32
      %broadcast_in_dim3A_583 = vector.broadcast %broadcast_in_dim3A_582 : f32 to vector<16xf32>
      %scan3A_584 = arith.constant 0 : i32
      %scan3A_585 = arith.constant 48 : i32
      %scan3A_586 = arith.addi %scan3A_584, %scan3A_585 : i32
      %scan3A_587 = arith.constant 1 : i32
      %scan3A_588:32 = scf.for %scan3A_1229 = %scan3A_584 to %scan3A_586 step %scan3A_587 iter_args(%scan3A_1230 = %broadcast_in_dim3A_521, %scan3A_1231 = %broadcast_in_dim3A_523, %scan3A_1232 = %broadcast_in_dim3A_525, %scan3A_1233 = %broadcast_in_dim3A_527, %scan3A_1234 = %broadcast_in_dim3A_529, %scan3A_1235 = %broadcast_in_dim3A_531, %scan3A_1236 = %broadcast_in_dim3A_533, %scan3A_1237 = %broadcast_in_dim3A_535, %scan3A_1238 = %broadcast_in_dim3A_537, %scan3A_1239 = %broadcast_in_dim3A_539, %scan3A_1240 = %broadcast_in_dim3A_541, %scan3A_1241 = %broadcast_in_dim3A_543, %scan3A_1242 = %broadcast_in_dim3A_545, %scan3A_1243 = %broadcast_in_dim3A_547, %scan3A_1244 = %broadcast_in_dim3A_549, %scan3A_1245 = %broadcast_in_dim3A_551, %scan3A_1246 = %broadcast_in_dim3A_553, %scan3A_1247 = %broadcast_in_dim3A_555, %scan3A_1248 = %broadcast_in_dim3A_557, %scan3A_1249 = %broadcast_in_dim3A_559, %scan3A_1250 = %broadcast_in_dim3A_561, %scan3A_1251 = %broadcast_in_dim3A_563, %scan3A_1252 = %broadcast_in_dim3A_565, %scan3A_1253 = %broadcast_in_dim3A_567, %scan3A_1254 = %broadcast_in_dim3A_569, %scan3A_1255 = %broadcast_in_dim3A_571, %scan3A_1256 = %broadcast_in_dim3A_573, %scan3A_1257 = %broadcast_in_dim3A_575, %scan3A_1258 = %broadcast_in_dim3A_577, %scan3A_1259 = %broadcast_in_dim3A_579, %scan3A_1260 = %broadcast_in_dim3A_581, %scan3A_1261 = %broadcast_in_dim3A_583) -> (vector<16xf32>, vector<16xf32>, vector<16xf32>, vector<16xf32>, vector<16xf32>, vector<16xf32>, vector<16xf32>, vector<16xf32>, vector<16xf32>, vector<16xf32>, vector<16xf32>, vector<16xf32>, vector<16xf32>, vector<16xf32>, vector<16xf32>, vector<16xf32>, vector<16xf32>, vector<16xf32>, vector<16xf32>, vector<16xf32>, vector<16xf32>, vector<16xf32>, vector<16xf32>, vector<16xf32>, vector<16xf32>, vector<16xf32>, vector<16xf32>, vector<16xf32>, vector<16xf32>, vector<16xf32>, vector<16xf32>, vector<16xf32>)  : i32 {
        %mul3A_1262 = arith.constant 16 : i32
        %mul3A_1263 = arith.muli %scan3A_1229, %mul3A_1262 : i32
        %get3A_1264 = arith.constant 12 : i32
        %get3A_1265 = arith.index_cast %get3A_1264 : i32 to index
        %get3A_1266 = arith.index_cast %mul3A_1263 : i32 to index
        %get3A_1267 = tpu.vector_load %arg8[%get3A_1265, %get3A_1266] {strides = array<i32>} : memref<16x768xf32, #tpu.memory_space<vmem>>, vector<16xf32>,
        %bitcast3A = vector.bitcast %get3A_1267 : vector<16xf32> to vector<16xi32>
        %shift_right_logical3A = arith.constant 16 : i32
        %shift_right_logical3A_1268 = vector.broadcast %shift_right_logical3A : i32 to vector<16xi32>
        %shift_right_logical3A_1269 = arith.shrui %bitcast3A, %shift_right_logical3A_1268 : vector<16xi32>
        %and3A_1270 = arith.constant 1 : i32
        %and3A_1271 = vector.broadcast %and3A_1270 : i32 to vector<16xi32>
        %and3A_1272 = arith.andi %shift_right_logical3A_1269, %and3A_1271 : vector<16xi32>
        %add3A_1273 = arith.constant 32767 : i32
        %add3A_1274 = vector.broadcast %add3A_1273 : i32 to vector<16xi32>
        %add3A_1275 = arith.addi %bitcast3A, %add3A_1274 : vector<16xi32>
        %add3A_1276 = arith.addi %add3A_1275, %and3A_1272 : vector<16xi32>
        %and3A_1277 = arith.constant -65536 : i32
        %and3A_1278 = vector.broadcast %and3A_1277 : i32 to vector<16xi32>
        %and3A_1279 = arith.andi %add3A_1276, %and3A_1278 : vector<16xi32>
        %bitcast3A_1280 = vector.bitcast %and3A_1279 : vector<16xi32> to vector<16xf32>
        %get3A_1281 = arith.constant 13 : i32
        %get3A_1282 = arith.index_cast %get3A_1281 : i32 to index
        %get3A_1283 = arith.index_cast %mul3A_1263 : i32 to index
        %get3A_1284 = tpu.vector_load %arg8[%get3A_1282, %get3A_1283] {strides = array<i32>} : memref<16x768xf32, #tpu.memory_space<vmem>>, vector<16xf32>,
        %bitcast3A_1285 = vector.bitcast %get3A_1284 : vector<16xf32> to vector<16xi32>
        %shift_right_logical3A_1286 = arith.constant 16 : i32
        %shift_right_logical3A_1287 = vector.broadcast %shift_right_logical3A_1286 : i32 to vector<16xi32>
        %shift_right_logical3A_1288 = arith.shrui %bitcast3A_1285, %shift_right_logical3A_1287 : vector<16xi32>
        %and3A_1289 = arith.constant 1 : i32
        %and3A_1290 = vector.broadcast %and3A_1289 : i32 to vector<16xi32>
        %and3A_1291 = arith.andi %shift_right_logical3A_1288, %and3A_1290 : vector<16xi32>
        %add3A_1292 = arith.constant 32767 : i32
        %add3A_1293 = vector.broadcast %add3A_1292 : i32 to vector<16xi32>
        %add3A_1294 = arith.addi %bitcast3A_1285, %add3A_1293 : vector<16xi32>
        %add3A_1295 = arith.addi %add3A_1294, %and3A_1291 : vector<16xi32>
        %and3A_1296 = arith.constant -65536 : i32
        %and3A_1297 = vector.broadcast %and3A_1296 : i32 to vector<16xi32>
        %and3A_1298 = arith.andi %add3A_1295, %and3A_1297 : vector<16xi32>
        %bitcast3A_1299 = vector.bitcast %and3A_1298 : vector<16xi32> to vector<16xf32>
        %get3A_1300 = arith.constant 14 : i32
        %get3A_1301 = arith.index_cast %get3A_1300 : i32 to index
        %get3A_1302 = arith.index_cast %mul3A_1263 : i32 to index
        %get3A_1303 = tpu.vector_load %arg8[%get3A_1301, %get3A_1302] {strides = array<i32>} : memref<16x768xf32, #tpu.memory_space<vmem>>, vector<16xf32>,
        %bitcast3A_1304 = vector.bitcast %get3A_1303 : vector<16xf32> to vector<16xi32>
        %shift_right_logical3A_1305 = arith.constant 16 : i32
        %shift_right_logical3A_1306 = vector.broadcast %shift_right_logical3A_1305 : i32 to vector<16xi32>
        %shift_right_logical3A_1307 = arith.shrui %bitcast3A_1304, %shift_right_logical3A_1306 : vector<16xi32>
        %and3A_1308 = arith.constant 1 : i32
        %and3A_1309 = vector.broadcast %and3A_1308 : i32 to vector<16xi32>
        %and3A_1310 = arith.andi %shift_right_logical3A_1307, %and3A_1309 : vector<16xi32>
        %add3A_1311 = arith.constant 32767 : i32
        %add3A_1312 = vector.broadcast %add3A_1311 : i32 to vector<16xi32>
        %add3A_1313 = arith.addi %bitcast3A_1304, %add3A_1312 : vector<16xi32>
        %add3A_1314 = arith.addi %add3A_1313, %and3A_1310 : vector<16xi32>
        %and3A_1315 = arith.constant -65536 : i32
        %and3A_1316 = vector.broadcast %and3A_1315 : i32 to vector<16xi32>
        %and3A_1317 = arith.andi %add3A_1314, %and3A_1316 : vector<16xi32>
        %bitcast3A_1318 = vector.bitcast %and3A_1317 : vector<16xi32> to vector<16xf32>
        %get3A_1319 = arith.constant 15 : i32
        %get3A_1320 = arith.index_cast %get3A_1319 : i32 to index
        %get3A_1321 = arith.index_cast %mul3A_1263 : i32 to index
        %get3A_1322 = tpu.vector_load %arg8[%get3A_1320, %get3A_1321] {strides = array<i32>} : memref<16x768xf32, #tpu.memory_space<vmem>>, vector<16xf32>,
        %bitcast3A_1323 = vector.bitcast %get3A_1322 : vector<16xf32> to vector<16xi32>
        %shift_right_logical3A_1324 = arith.constant 16 : i32
        %shift_right_logical3A_1325 = vector.broadcast %shift_right_logical3A_1324 : i32 to vector<16xi32>
        %shift_right_logical3A_1326 = arith.shrui %bitcast3A_1323, %shift_right_logical3A_1325 : vector<16xi32>
        %and3A_1327 = arith.constant 1 : i32
        %and3A_1328 = vector.broadcast %and3A_1327 : i32 to vector<16xi32>
        %and3A_1329 = arith.andi %shift_right_logical3A_1326, %and3A_1328 : vector<16xi32>
        %add3A_1330 = arith.constant 32767 : i32
        %add3A_1331 = vector.broadcast %add3A_1330 : i32 to vector<16xi32>
        %add3A_1332 = arith.addi %bitcast3A_1323, %add3A_1331 : vector<16xi32>
        %add3A_1333 = arith.addi %add3A_1332, %and3A_1329 : vector<16xi32>
        %and3A_1334 = arith.constant -65536 : i32
        %and3A_1335 = vector.broadcast %and3A_1334 : i32 to vector<16xi32>
        %and3A_1336 = arith.andi %add3A_1333, %and3A_1335 : vector<16xi32>
        %bitcast3A_1337 = vector.bitcast %and3A_1336 : vector<16xi32> to vector<16xf32>
        %get3A_1338 = arith.constant 0 : i32
        %get3A_1339 = arith.index_cast %get3A_1338 : i32 to index
        %get3A_1340 = arith.index_cast %mul3A_1263 : i32 to index
        %get3A_1341 = tpu.vector_load %arg7[%get3A_1339, %get3A_1340] {strides = array<i32>} : memref<8x768xf32, #tpu.memory_space<vmem>>, vector<16xf32>,
        %get3A_1342 = arith.constant 1 : i32
        %get3A_1343 = arith.index_cast %get3A_1342 : i32 to index
        %get3A_1344 = arith.index_cast %mul3A_1263 : i32 to index
        %get3A_1345 = tpu.vector_load %arg7[%get3A_1343, %get3A_1344] {strides = array<i32>} : memref<8x768xf32, #tpu.memory_space<vmem>>, vector<16xf32>,
        %get3A_1346 = arith.constant 2 : i32
        %get3A_1347 = arith.index_cast %get3A_1346 : i32 to index
        %get3A_1348 = arith.index_cast %mul3A_1263 : i32 to index
        %get3A_1349 = tpu.vector_load %arg7[%get3A_1347, %get3A_1348] {strides = array<i32>} : memref<8x768xf32, #tpu.memory_space<vmem>>, vector<16xf32>,
        %get3A_1350 = arith.constant 3 : i32
        %get3A_1351 = arith.index_cast %get3A_1350 : i32 to index
        %get3A_1352 = arith.index_cast %mul3A_1263 : i32 to index
        %get3A_1353 = tpu.vector_load %arg7[%get3A_1351, %get3A_1352] {strides = array<i32>} : memref<8x768xf32, #tpu.memory_space<vmem>>, vector<16xf32>,
        %get3A_1354 = arith.constant 4 : i32
        %get3A_1355 = arith.index_cast %get3A_1354 : i32 to index
        %get3A_1356 = arith.index_cast %mul3A_1263 : i32 to index
        %get3A_1357 = tpu.vector_load %arg7[%get3A_1355, %get3A_1356] {strides = array<i32>} : memref<8x768xf32, #tpu.memory_space<vmem>>, vector<16xf32>,
        %get3A_1358 = arith.constant 5 : i32
        %get3A_1359 = arith.index_cast %get3A_1358 : i32 to index
        %get3A_1360 = arith.index_cast %mul3A_1263 : i32 to index
        %get3A_1361 = tpu.vector_load %arg7[%get3A_1359, %get3A_1360] {strides = array<i32>} : memref<8x768xf32, #tpu.memory_space<vmem>>, vector<16xf32>,
        %get3A_1362 = arith.constant 6 : i32
        %get3A_1363 = arith.index_cast %get3A_1362 : i32 to index
        %get3A_1364 = arith.index_cast %mul3A_1263 : i32 to index
        %get3A_1365 = tpu.vector_load %arg7[%get3A_1363, %get3A_1364] {strides = array<i32>} : memref<8x768xf32, #tpu.memory_space<vmem>>, vector<16xf32>,
        %get3A_1366 = arith.constant 7 : i32
        %get3A_1367 = arith.index_cast %get3A_1366 : i32 to index
        %get3A_1368 = arith.index_cast %mul3A_1263 : i32 to index
        %get3A_1369 = tpu.vector_load %arg7[%get3A_1367, %get3A_1368] {strides = array<i32>} : memref<8x768xf32, #tpu.memory_space<vmem>>, vector<16xf32>,
        %mul3A_1370 = arith.mulf %bitcast3A_1280, %get3A_1341 : vector<16xf32>
        %add3A_1371 = arith.addf %scan3A_1230, %mul3A_1370 : vector<16xf32>
        %mul3A_1372 = arith.mulf %bitcast3A_1280, %get3A_1345 : vector<16xf32>
        %add3A_1373 = arith.addf %scan3A_1231, %mul3A_1372 : vector<16xf32>
        %mul3A_1374 = arith.mulf %bitcast3A_1280, %get3A_1349 : vector<16xf32>
        %add3A_1375 = arith.addf %scan3A_1232, %mul3A_1374 : vector<16xf32>
        %mul3A_1376 = arith.mulf %bitcast3A_1280, %get3A_1353 : vector<16xf32>
        %add3A_1377 = arith.addf %scan3A_1233, %mul3A_1376 : vector<16xf32>
        %mul3A_1378 = arith.mulf %bitcast3A_1280, %get3A_1357 : vector<16xf32>
        %add3A_1379 = arith.addf %scan3A_1234, %mul3A_1378 : vector<16xf32>
        %mul3A_1380 = arith.mulf %bitcast3A_1280, %get3A_1361 : vector<16xf32>
        %add3A_1381 = arith.addf %scan3A_1235, %mul3A_1380 : vector<16xf32>
        %mul3A_1382 = arith.mulf %bitcast3A_1280, %get3A_1365 : vector<16xf32>
        %add3A_1383 = arith.addf %scan3A_1236, %mul3A_1382 : vector<16xf32>
        %mul3A_1384 = arith.mulf %bitcast3A_1280, %get3A_1369 : vector<16xf32>
        %add3A_1385 = arith.addf %scan3A_1237, %mul3A_1384 : vector<16xf32>
        %mul3A_1386 = arith.mulf %bitcast3A_1299, %get3A_1341 : vector<16xf32>
        %add3A_1387 = arith.addf %scan3A_1238, %mul3A_1386 : vector<16xf32>
        %mul3A_1388 = arith.mulf %bitcast3A_1299, %get3A_1345 : vector<16xf32>
        %add3A_1389 = arith.addf %scan3A_1239, %mul3A_1388 : vector<16xf32>
        %mul3A_1390 = arith.mulf %bitcast3A_1299, %get3A_1349 : vector<16xf32>
        %add3A_1391 = arith.addf %scan3A_1240, %mul3A_1390 : vector<16xf32>
        %mul3A_1392 = arith.mulf %bitcast3A_1299, %get3A_1353 : vector<16xf32>
        %add3A_1393 = arith.addf %scan3A_1241, %mul3A_1392 : vector<16xf32>
        %mul3A_1394 = arith.mulf %bitcast3A_1299, %get3A_1357 : vector<16xf32>
        %add3A_1395 = arith.addf %scan3A_1242, %mul3A_1394 : vector<16xf32>
        %mul3A_1396 = arith.mulf %bitcast3A_1299, %get3A_1361 : vector<16xf32>
        %add3A_1397 = arith.addf %scan3A_1243, %mul3A_1396 : vector<16xf32>
        %mul3A_1398 = arith.mulf %bitcast3A_1299, %get3A_1365 : vector<16xf32>
        %add3A_1399 = arith.addf %scan3A_1244, %mul3A_1398 : vector<16xf32>
        %mul3A_1400 = arith.mulf %bitcast3A_1299, %get3A_1369 : vector<16xf32>
        %add3A_1401 = arith.addf %scan3A_1245, %mul3A_1400 : vector<16xf32>
        %mul3A_1402 = arith.mulf %bitcast3A_1318, %get3A_1341 : vector<16xf32>
        %add3A_1403 = arith.addf %scan3A_1246, %mul3A_1402 : vector<16xf32>
        %mul3A_1404 = arith.mulf %bitcast3A_1318, %get3A_1345 : vector<16xf32>
        %add3A_1405 = arith.addf %scan3A_1247, %mul3A_1404 : vector<16xf32>
        %mul3A_1406 = arith.mulf %bitcast3A_1318, %get3A_1349 : vector<16xf32>
        %add3A_1407 = arith.addf %scan3A_1248, %mul3A_1406 : vector<16xf32>
        %mul3A_1408 = arith.mulf %bitcast3A_1318, %get3A_1353 : vector<16xf32>
        %add3A_1409 = arith.addf %scan3A_1249, %mul3A_1408 : vector<16xf32>
        %mul3A_1410 = arith.mulf %bitcast3A_1318, %get3A_1357 : vector<16xf32>
        %add3A_1411 = arith.addf %scan3A_1250, %mul3A_1410 : vector<16xf32>
        %mul3A_1412 = arith.mulf %bitcast3A_1318, %get3A_1361 : vector<16xf32>
        %add3A_1413 = arith.addf %scan3A_1251, %mul3A_1412 : vector<16xf32>
        %mul3A_1414 = arith.mulf %bitcast3A_1318, %get3A_1365 : vector<16xf32>
        %add3A_1415 = arith.addf %scan3A_1252, %mul3A_1414 : vector<16xf32>
        %mul3A_1416 = arith.mulf %bitcast3A_1318, %get3A_1369 : vector<16xf32>
        %add3A_1417 = arith.addf %scan3A_1253, %mul3A_1416 : vector<16xf32>
        %mul3A_1418 = arith.mulf %bitcast3A_1337, %get3A_1341 : vector<16xf32>
        %add3A_1419 = arith.addf %scan3A_1254, %mul3A_1418 : vector<16xf32>
        %mul3A_1420 = arith.mulf %bitcast3A_1337, %get3A_1345 : vector<16xf32>
        %add3A_1421 = arith.addf %scan3A_1255, %mul3A_1420 : vector<16xf32>
        %mul3A_1422 = arith.mulf %bitcast3A_1337, %get3A_1349 : vector<16xf32>
        %add3A_1423 = arith.addf %scan3A_1256, %mul3A_1422 : vector<16xf32>
        %mul3A_1424 = arith.mulf %bitcast3A_1337, %get3A_1353 : vector<16xf32>
        %add3A_1425 = arith.addf %scan3A_1257, %mul3A_1424 : vector<16xf32>
        %mul3A_1426 = arith.mulf %bitcast3A_1337, %get3A_1357 : vector<16xf32>
        %add3A_1427 = arith.addf %scan3A_1258, %mul3A_1426 : vector<16xf32>
        %mul3A_1428 = arith.mulf %bitcast3A_1337, %get3A_1361 : vector<16xf32>
        %add3A_1429 = arith.addf %scan3A_1259, %mul3A_1428 : vector<16xf32>
        %mul3A_1430 = arith.mulf %bitcast3A_1337, %get3A_1365 : vector<16xf32>
        %add3A_1431 = arith.addf %scan3A_1260, %mul3A_1430 : vector<16xf32>
        %mul3A_1432 = arith.mulf %bitcast3A_1337, %get3A_1369 : vector<16xf32>
        %add3A_1433 = arith.addf %scan3A_1261, %mul3A_1432 : vector<16xf32>
        scf.yield %add3A_1371, %add3A_1373, %add3A_1375, %add3A_1377, %add3A_1379, %add3A_1381, %add3A_1383, %add3A_1385, %add3A_1387, %add3A_1389, %add3A_1391, %add3A_1393, %add3A_1395, %add3A_1397, %add3A_1399, %add3A_1401, %add3A_1403, %add3A_1405, %add3A_1407, %add3A_1409, %add3A_1411, %add3A_1413, %add3A_1415, %add3A_1417, %add3A_1419, %add3A_1421, %add3A_1423, %add3A_1425, %add3A_1427, %add3A_1429, %add3A_1431, %add3A_1433 : vector<16xf32>, vector<16xf32>, vector<16xf32>, vector<16xf32>, vector<16xf32>, vector<16xf32>, vector<16xf32>, vector<16xf32>, vector<16xf32>, vector<16xf32>, vector<16xf32>, vector<16xf32>, vector<16xf32>, vector<16xf32>, vector<16xf32>, vector<16xf32>, vector<16xf32>, vector<16xf32>, vector<16xf32>, vector<16xf32>, vector<16xf32>, vector<16xf32>, vector<16xf32>, vector<16xf32>, vector<16xf32>, vector<16xf32>, vector<16xf32>, vector<16xf32>, vector<16xf32>, vector<16xf32>, vector<16xf32>, vector<16xf32>
      }
      %scan3A_589 = arith.constant 48 : i32
      %add3A_590 = arith.constant 12 : i32
      %add3A_591 = vector.broadcast %add3A_590 : i32 to vector<16xi32>
      %add3A_592 = arith.addi %mul3A_5, %add3A_591 : vector<16xi32>
      tpu.vector_store_idx %arg9[%add3A_592], %scan3A_588#0 : memref<2048xf32, #tpu.memory_space<vmem>>[vector<16xi32>], vector<16xf32>,
      %add3A_593 = arith.constant 268 : i32
      %add3A_594 = vector.broadcast %add3A_593 : i32 to vector<16xi32>
      %add3A_595 = arith.addi %mul3A_5, %add3A_594 : vector<16xi32>
      tpu.vector_store_idx %arg9[%add3A_595], %scan3A_588#1 : memref<2048xf32, #tpu.memory_space<vmem>>[vector<16xi32>], vector<16xf32>,
      %add3A_596 = arith.constant 524 : i32
      %add3A_597 = vector.broadcast %add3A_596 : i32 to vector<16xi32>
      %add3A_598 = arith.addi %mul3A_5, %add3A_597 : vector<16xi32>
      tpu.vector_store_idx %arg9[%add3A_598], %scan3A_588#2 : memref<2048xf32, #tpu.memory_space<vmem>>[vector<16xi32>], vector<16xf32>,
      %add3A_599 = arith.constant 780 : i32
      %add3A_600 = vector.broadcast %add3A_599 : i32 to vector<16xi32>
      %add3A_601 = arith.addi %mul3A_5, %add3A_600 : vector<16xi32>
      tpu.vector_store_idx %arg9[%add3A_601], %scan3A_588#3 : memref<2048xf32, #tpu.memory_space<vmem>>[vector<16xi32>], vector<16xf32>,
      %add3A_602 = arith.constant 1036 : i32
      %add3A_603 = vector.broadcast %add3A_602 : i32 to vector<16xi32>
      %add3A_604 = arith.addi %mul3A_5, %add3A_603 : vector<16xi32>
      tpu.vector_store_idx %arg9[%add3A_604], %scan3A_588#4 : memref<2048xf32, #tpu.memory_space<vmem>>[vector<16xi32>], vector<16xf32>,
      %add3A_605 = arith.constant 1292 : i32
      %add3A_606 = vector.broadcast %add3A_605 : i32 to vector<16xi32>
      %add3A_607 = arith.addi %mul3A_5, %add3A_606 : vector<16xi32>
      tpu.vector_store_idx %arg9[%add3A_607], %scan3A_588#5 : memref<2048xf32, #tpu.memory_space<vmem>>[vector<16xi32>], vector<16xf32>,
      %add3A_608 = arith.constant 1548 : i32
      %add3A_609 = vector.broadcast %add3A_608 : i32 to vector<16xi32>
      %add3A_610 = arith.addi %mul3A_5, %add3A_609 : vector<16xi32>
      tpu.vector_store_idx %arg9[%add3A_610], %scan3A_588#6 : memref<2048xf32, #tpu.memory_space<vmem>>[vector<16xi32>], vector<16xf32>,
      %add3A_611 = arith.constant 1804 : i32
      %add3A_612 = vector.broadcast %add3A_611 : i32 to vector<16xi32>
      %add3A_613 = arith.addi %mul3A_5, %add3A_612 : vector<16xi32>
      tpu.vector_store_idx %arg9[%add3A_613], %scan3A_588#7 : memref<2048xf32, #tpu.memory_space<vmem>>[vector<16xi32>], vector<16xf32>,
      %add3A_614 = arith.constant 13 : i32
      %add3A_615 = vector.broadcast %add3A_614 : i32 to vector<16xi32>
      %add3A_616 = arith.addi %mul3A_5, %add3A_615 : vector<16xi32>
      tpu.vector_store_idx %arg9[%add3A_616], %scan3A_588#8 : memref<2048xf32, #tpu.memory_space<vmem>>[vector<16xi32>], vector<16xf32>,
      %add3A_617 = arith.constant 269 : i32
      %add3A_618 = vector.broadcast %add3A_617 : i32 to vector<16xi32>
      %add3A_619 = arith.addi %mul3A_5, %add3A_618 : vector<16xi32>
      tpu.vector_store_idx %arg9[%add3A_619], %scan3A_588#9 : memref<2048xf32, #tpu.memory_space<vmem>>[vector<16xi32>], vector<16xf32>,
      %add3A_620 = arith.constant 525 : i32
      %add3A_621 = vector.broadcast %add3A_620 : i32 to vector<16xi32>
      %add3A_622 = arith.addi %mul3A_5, %add3A_621 : vector<16xi32>
      tpu.vector_store_idx %arg9[%add3A_622], %scan3A_588#10 : memref<2048xf32, #tpu.memory_space<vmem>>[vector<16xi32>], vector<16xf32>,
      %add3A_623 = arith.constant 781 : i32
      %add3A_624 = vector.broadcast %add3A_623 : i32 to vector<16xi32>
      %add3A_625 = arith.addi %mul3A_5, %add3A_624 : vector<16xi32>
      tpu.vector_store_idx %arg9[%add3A_625], %scan3A_588#11 : memref<2048xf32, #tpu.memory_space<vmem>>[vector<16xi32>], vector<16xf32>,
      %add3A_626 = arith.constant 1037 : i32
      %add3A_627 = vector.broadcast %add3A_626 : i32 to vector<16xi32>
      %add3A_628 = arith.addi %mul3A_5, %add3A_627 : vector<16xi32>
      tpu.vector_store_idx %arg9[%add3A_628], %scan3A_588#12 : memref<2048xf32, #tpu.memory_space<vmem>>[vector<16xi32>], vector<16xf32>,
      %add3A_629 = arith.constant 1293 : i32
      %add3A_630 = vector.broadcast %add3A_629 : i32 to vector<16xi32>
      %add3A_631 = arith.addi %mul3A_5, %add3A_630 : vector<16xi32>
      tpu.vector_store_idx %arg9[%add3A_631], %scan3A_588#13 : memref<2048xf32, #tpu.memory_space<vmem>>[vector<16xi32>], vector<16xf32>,
      %add3A_632 = arith.constant 1549 : i32
      %add3A_633 = vector.broadcast %add3A_632 : i32 to vector<16xi32>
      %add3A_634 = arith.addi %mul3A_5, %add3A_633 : vector<16xi32>
      tpu.vector_store_idx %arg9[%add3A_634], %scan3A_588#14 : memref<2048xf32, #tpu.memory_space<vmem>>[vector<16xi32>], vector<16xf32>,
      %add3A_635 = arith.constant 1805 : i32
      %add3A_636 = vector.broadcast %add3A_635 : i32 to vector<16xi32>
      %add3A_637 = arith.addi %mul3A_5, %add3A_636 : vector<16xi32>
      tpu.vector_store_idx %arg9[%add3A_637], %scan3A_588#15 : memref<2048xf32, #tpu.memory_space<vmem>>[vector<16xi32>], vector<16xf32>,
      %add3A_638 = arith.constant 14 : i32
      %add3A_639 = vector.broadcast %add3A_638 : i32 to vector<16xi32>
      %add3A_640 = arith.addi %mul3A_5, %add3A_639 : vector<16xi32>
      tpu.vector_store_idx %arg9[%add3A_640], %scan3A_588#16 : memref<2048xf32, #tpu.memory_space<vmem>>[vector<16xi32>], vector<16xf32>,
      %add3A_641 = arith.constant 270 : i32
      %add3A_642 = vector.broadcast %add3A_641 : i32 to vector<16xi32>
      %add3A_643 = arith.addi %mul3A_5, %add3A_642 : vector<16xi32>
      tpu.vector_store_idx %arg9[%add3A_643], %scan3A_588#17 : memref<2048xf32, #tpu.memory_space<vmem>>[vector<16xi32>], vector<16xf32>,
      %add3A_644 = arith.constant 526 : i32
      %add3A_645 = vector.broadcast %add3A_644 : i32 to vector<16xi32>
      %add3A_646 = arith.addi %mul3A_5, %add3A_645 : vector<16xi32>
      tpu.vector_store_idx %arg9[%add3A_646], %scan3A_588#18 : memref<2048xf32, #tpu.memory_space<vmem>>[vector<16xi32>], vector<16xf32>,
      %add3A_647 = arith.constant 782 : i32
      %add3A_648 = vector.broadcast %add3A_647 : i32 to vector<16xi32>
      %add3A_649 = arith.addi %mul3A_5, %add3A_648 : vector<16xi32>
      tpu.vector_store_idx %arg9[%add3A_649], %scan3A_588#19 : memref<2048xf32, #tpu.memory_space<vmem>>[vector<16xi32>], vector<16xf32>,
      %add3A_650 = arith.constant 1038 : i32
      %add3A_651 = vector.broadcast %add3A_650 : i32 to vector<16xi32>
      %add3A_652 = arith.addi %mul3A_5, %add3A_651 : vector<16xi32>
      tpu.vector_store_idx %arg9[%add3A_652], %scan3A_588#20 : memref<2048xf32, #tpu.memory_space<vmem>>[vector<16xi32>], vector<16xf32>,
      %add3A_653 = arith.constant 1294 : i32
      %add3A_654 = vector.broadcast %add3A_653 : i32 to vector<16xi32>
      %add3A_655 = arith.addi %mul3A_5, %add3A_654 : vector<16xi32>
      tpu.vector_store_idx %arg9[%add3A_655], %scan3A_588#21 : memref<2048xf32, #tpu.memory_space<vmem>>[vector<16xi32>], vector<16xf32>,
      %add3A_656 = arith.constant 1550 : i32
      %add3A_657 = vector.broadcast %add3A_656 : i32 to vector<16xi32>
      %add3A_658 = arith.addi %mul3A_5, %add3A_657 : vector<16xi32>
      tpu.vector_store_idx %arg9[%add3A_658], %scan3A_588#22 : memref<2048xf32, #tpu.memory_space<vmem>>[vector<16xi32>], vector<16xf32>,
      %add3A_659 = arith.constant 1806 : i32
      %add3A_660 = vector.broadcast %add3A_659 : i32 to vector<16xi32>
      %add3A_661 = arith.addi %mul3A_5, %add3A_660 : vector<16xi32>
      tpu.vector_store_idx %arg9[%add3A_661], %scan3A_588#23 : memref<2048xf32, #tpu.memory_space<vmem>>[vector<16xi32>], vector<16xf32>,
      %add3A_662 = arith.constant 15 : i32
      %add3A_663 = vector.broadcast %add3A_662 : i32 to vector<16xi32>
      %add3A_664 = arith.addi %mul3A_5, %add3A_663 : vector<16xi32>
      tpu.vector_store_idx %arg9[%add3A_664], %scan3A_588#24 : memref<2048xf32, #tpu.memory_space<vmem>>[vector<16xi32>], vector<16xf32>,
      %add3A_665 = arith.constant 271 : i32
      %add3A_666 = vector.broadcast %add3A_665 : i32 to vector<16xi32>
      %add3A_667 = arith.addi %mul3A_5, %add3A_666 : vector<16xi32>
      tpu.vector_store_idx %arg9[%add3A_667], %scan3A_588#25 : memref<2048xf32, #tpu.memory_space<vmem>>[vector<16xi32>], vector<16xf32>,
      %add3A_668 = arith.constant 527 : i32
      %add3A_669 = vector.broadcast %add3A_668 : i32 to vector<16xi32>
      %add3A_670 = arith.addi %mul3A_5, %add3A_669 : vector<16xi32>
      tpu.vector_store_idx %arg9[%add3A_670], %scan3A_588#26 : memref<2048xf32, #tpu.memory_space<vmem>>[vector<16xi32>], vector<16xf32>,
      %add3A_671 = arith.constant 783 : i32
      %add3A_672 = vector.broadcast %add3A_671 : i32 to vector<16xi32>
      %add3A_673 = arith.addi %mul3A_5, %add3A_672 : vector<16xi32>
      tpu.vector_store_idx %arg9[%add3A_673], %scan3A_588#27 : memref<2048xf32, #tpu.memory_space<vmem>>[vector<16xi32>], vector<16xf32>,
      %add3A_674 = arith.constant 1039 : i32
      %add3A_675 = vector.broadcast %add3A_674 : i32 to vector<16xi32>
      %add3A_676 = arith.addi %mul3A_5, %add3A_675 : vector<16xi32>
      tpu.vector_store_idx %arg9[%add3A_676], %scan3A_588#28 : memref<2048xf32, #tpu.memory_space<vmem>>[vector<16xi32>], vector<16xf32>,
      %add3A_677 = arith.constant 1295 : i32
      %add3A_678 = vector.broadcast %add3A_677 : i32 to vector<16xi32>
      %add3A_679 = arith.addi %mul3A_5, %add3A_678 : vector<16xi32>
      tpu.vector_store_idx %arg9[%add3A_679], %scan3A_588#29 : memref<2048xf32, #tpu.memory_space<vmem>>[vector<16xi32>], vector<16xf32>,
      %add3A_680 = arith.constant 1551 : i32
      %add3A_681 = vector.broadcast %add3A_680 : i32 to vector<16xi32>
      %add3A_682 = arith.addi %mul3A_5, %add3A_681 : vector<16xi32>
      tpu.vector_store_idx %arg9[%add3A_682], %scan3A_588#30 : memref<2048xf32, #tpu.memory_space<vmem>>[vector<16xi32>], vector<16xf32>,
      %add3A_683 = arith.constant 1807 : i32
      %add3A_684 = vector.broadcast %add3A_683 : i32 to vector<16xi32>
      %add3A_685 = arith.addi %mul3A_5, %add3A_684 : vector<16xi32>
      tpu.vector_store_idx %arg9[%add3A_685], %scan3A_588#31 : memref<2048xf32, #tpu.memory_space<vmem>>[vector<16xi32>], vector<16xf32>,
      %get3A = arith.constant 0 : index
      %get3A_686 = tpu.vector_load %arg9[%get3A] {strides = array<i32>} : memref<2048xf32, #tpu.memory_space<vmem>>, vector<16xf32>,
      %get3A_687 = arith.constant 16 : index
      %get3A_688 = tpu.vector_load %arg9[%get3A_687] {strides = array<i32>} : memref<2048xf32, #tpu.memory_space<vmem>>, vector<16xf32>,
      %get3A_689 = arith.constant 32 : index
      %get3A_690 = tpu.vector_load %arg9[%get3A_689] {strides = array<i32>} : memref<2048xf32, #tpu.memory_space<vmem>>, vector<16xf32>,
      %get3A_691 = arith.constant 48 : index
      %get3A_692 = tpu.vector_load %arg9[%get3A_691] {strides = array<i32>} : memref<2048xf32, #tpu.memory_space<vmem>>, vector<16xf32>,
      %get3A_693 = arith.constant 64 : index
      %get3A_694 = tpu.vector_load %arg9[%get3A_693] {strides = array<i32>} : memref<2048xf32, #tpu.memory_space<vmem>>, vector<16xf32>,
      %get3A_695 = arith.constant 80 : index
      %get3A_696 = tpu.vector_load %arg9[%get3A_695] {strides = array<i32>} : memref<2048xf32, #tpu.memory_space<vmem>>, vector<16xf32>,
      %get3A_697 = arith.constant 96 : index
      %get3A_698 = tpu.vector_load %arg9[%get3A_697] {strides = array<i32>} : memref<2048xf32, #tpu.memory_space<vmem>>, vector<16xf32>,
      %get3A_699 = arith.constant 112 : index
      %get3A_700 = tpu.vector_load %arg9[%get3A_699] {strides = array<i32>} : memref<2048xf32, #tpu.memory_space<vmem>>, vector<16xf32>,
      %get3A_701 = arith.constant 128 : index
      %get3A_702 = tpu.vector_load %arg9[%get3A_701] {strides = array<i32>} : memref<2048xf32, #tpu.memory_space<vmem>>, vector<16xf32>,
      %get3A_703 = arith.constant 144 : index
      %get3A_704 = tpu.vector_load %arg9[%get3A_703] {strides = array<i32>} : memref<2048xf32, #tpu.memory_space<vmem>>, vector<16xf32>,
      %get3A_705 = arith.constant 160 : index
      %get3A_706 = tpu.vector_load %arg9[%get3A_705] {strides = array<i32>} : memref<2048xf32, #tpu.memory_space<vmem>>, vector<16xf32>,
      %get3A_707 = arith.constant 176 : index
      %get3A_708 = tpu.vector_load %arg9[%get3A_707] {strides = array<i32>} : memref<2048xf32, #tpu.memory_space<vmem>>, vector<16xf32>,
      %get3A_709 = arith.constant 192 : index
      %get3A_710 = tpu.vector_load %arg9[%get3A_709] {strides = array<i32>} : memref<2048xf32, #tpu.memory_space<vmem>>, vector<16xf32>,
      %get3A_711 = arith.constant 208 : index
      %get3A_712 = tpu.vector_load %arg9[%get3A_711] {strides = array<i32>} : memref<2048xf32, #tpu.memory_space<vmem>>, vector<16xf32>,
      %get3A_713 = arith.constant 224 : index
      %get3A_714 = tpu.vector_load %arg9[%get3A_713] {strides = array<i32>} : memref<2048xf32, #tpu.memory_space<vmem>>, vector<16xf32>,
      %get3A_715 = arith.constant 240 : index
      %get3A_716 = tpu.vector_load %arg9[%get3A_715] {strides = array<i32>} : memref<2048xf32, #tpu.memory_space<vmem>>, vector<16xf32>,
      %add3A_717 = arith.addf %get3A_686, %get3A_688 : vector<16xf32>
      %add3A_718 = arith.addf %get3A_690, %get3A_692 : vector<16xf32>
      %add3A_719 = arith.addf %add3A_717, %add3A_718 : vector<16xf32>
      %add3A_720 = arith.addf %get3A_694, %get3A_696 : vector<16xf32>
      %add3A_721 = arith.addf %get3A_698, %get3A_700 : vector<16xf32>
      %add3A_722 = arith.addf %add3A_720, %add3A_721 : vector<16xf32>
      %add3A_723 = arith.addf %add3A_719, %add3A_722 : vector<16xf32>
      %add3A_724 = arith.addf %get3A_702, %get3A_704 : vector<16xf32>
      %add3A_725 = arith.addf %get3A_706, %get3A_708 : vector<16xf32>
      %add3A_726 = arith.addf %add3A_724, %add3A_725 : vector<16xf32>
      %add3A_727 = arith.addf %get3A_710, %get3A_712 : vector<16xf32>
      %add3A_728 = arith.addf %get3A_714, %get3A_716 : vector<16xf32>
      %add3A_729 = arith.addf %add3A_727, %add3A_728 : vector<16xf32>
      %add3A_730 = arith.addf %add3A_726, %add3A_729 : vector<16xf32>
      %add3A_731 = arith.addf %add3A_723, %add3A_730 : vector<16xf32>
      %get3A_732 = arith.constant 256 : index
      %get3A_733 = tpu.vector_load %arg9[%get3A_732] {strides = array<i32>} : memref<2048xf32, #tpu.memory_space<vmem>>, vector<16xf32>,
      %get3A_734 = arith.constant 272 : index
      %get3A_735 = tpu.vector_load %arg9[%get3A_734] {strides = array<i32>} : memref<2048xf32, #tpu.memory_space<vmem>>, vector<16xf32>,
      %get3A_736 = arith.constant 288 : index
      %get3A_737 = tpu.vector_load %arg9[%get3A_736] {strides = array<i32>} : memref<2048xf32, #tpu.memory_space<vmem>>, vector<16xf32>,
      %get3A_738 = arith.constant 304 : index
      %get3A_739 = tpu.vector_load %arg9[%get3A_738] {strides = array<i32>} : memref<2048xf32, #tpu.memory_space<vmem>>, vector<16xf32>,
      %get3A_740 = arith.constant 320 : index
      %get3A_741 = tpu.vector_load %arg9[%get3A_740] {strides = array<i32>} : memref<2048xf32, #tpu.memory_space<vmem>>, vector<16xf32>,
      %get3A_742 = arith.constant 336 : index
      %get3A_743 = tpu.vector_load %arg9[%get3A_742] {strides = array<i32>} : memref<2048xf32, #tpu.memory_space<vmem>>, vector<16xf32>,
      %get3A_744 = arith.constant 352 : index
      %get3A_745 = tpu.vector_load %arg9[%get3A_744] {strides = array<i32>} : memref<2048xf32, #tpu.memory_space<vmem>>, vector<16xf32>,
      %get3A_746 = arith.constant 368 : index
      %get3A_747 = tpu.vector_load %arg9[%get3A_746] {strides = array<i32>} : memref<2048xf32, #tpu.memory_space<vmem>>, vector<16xf32>,
      %get3A_748 = arith.constant 384 : index
      %get3A_749 = tpu.vector_load %arg9[%get3A_748] {strides = array<i32>} : memref<2048xf32, #tpu.memory_space<vmem>>, vector<16xf32>,
      %get3A_750 = arith.constant 400 : index
      %get3A_751 = tpu.vector_load %arg9[%get3A_750] {strides = array<i32>} : memref<2048xf32, #tpu.memory_space<vmem>>, vector<16xf32>,
      %get3A_752 = arith.constant 416 : index
      %get3A_753 = tpu.vector_load %arg9[%get3A_752] {strides = array<i32>} : memref<2048xf32, #tpu.memory_space<vmem>>, vector<16xf32>,
      %get3A_754 = arith.constant 432 : index
      %get3A_755 = tpu.vector_load %arg9[%get3A_754] {strides = array<i32>} : memref<2048xf32, #tpu.memory_space<vmem>>, vector<16xf32>,
      %get3A_756 = arith.constant 448 : index
      %get3A_757 = tpu.vector_load %arg9[%get3A_756] {strides = array<i32>} : memref<2048xf32, #tpu.memory_space<vmem>>, vector<16xf32>,
      %get3A_758 = arith.constant 464 : index
      %get3A_759 = tpu.vector_load %arg9[%get3A_758] {strides = array<i32>} : memref<2048xf32, #tpu.memory_space<vmem>>, vector<16xf32>,
      %get3A_760 = arith.constant 480 : index
      %get3A_761 = tpu.vector_load %arg9[%get3A_760] {strides = array<i32>} : memref<2048xf32, #tpu.memory_space<vmem>>, vector<16xf32>,
      %get3A_762 = arith.constant 496 : index
      %get3A_763 = tpu.vector_load %arg9[%get3A_762] {strides = array<i32>} : memref<2048xf32, #tpu.memory_space<vmem>>, vector<16xf32>,
      %add3A_764 = arith.addf %get3A_733, %get3A_735 : vector<16xf32>
      %add3A_765 = arith.addf %get3A_737, %get3A_739 : vector<16xf32>
      %add3A_766 = arith.addf %add3A_764, %add3A_765 : vector<16xf32>
      %add3A_767 = arith.addf %get3A_741, %get3A_743 : vector<16xf32>
      %add3A_768 = arith.addf %get3A_745, %get3A_747 : vector<16xf32>
      %add3A_769 = arith.addf %add3A_767, %add3A_768 : vector<16xf32>
      %add3A_770 = arith.addf %add3A_766, %add3A_769 : vector<16xf32>
      %add3A_771 = arith.addf %get3A_749, %get3A_751 : vector<16xf32>
      %add3A_772 = arith.addf %get3A_753, %get3A_755 : vector<16xf32>
      %add3A_773 = arith.addf %add3A_771, %add3A_772 : vector<16xf32>
      %add3A_774 = arith.addf %get3A_757, %get3A_759 : vector<16xf32>
      %add3A_775 = arith.addf %get3A_761, %get3A_763 : vector<16xf32>
      %add3A_776 = arith.addf %add3A_774, %add3A_775 : vector<16xf32>
      %add3A_777 = arith.addf %add3A_773, %add3A_776 : vector<16xf32>
      %add3A_778 = arith.addf %add3A_770, %add3A_777 : vector<16xf32>
      %get3A_779 = arith.constant 512 : index
      %get3A_780 = tpu.vector_load %arg9[%get3A_779] {strides = array<i32>} : memref<2048xf32, #tpu.memory_space<vmem>>, vector<16xf32>,
      %get3A_781 = arith.constant 528 : index
      %get3A_782 = tpu.vector_load %arg9[%get3A_781] {strides = array<i32>} : memref<2048xf32, #tpu.memory_space<vmem>>, vector<16xf32>,
      %get3A_783 = arith.constant 544 : index
      %get3A_784 = tpu.vector_load %arg9[%get3A_783] {strides = array<i32>} : memref<2048xf32, #tpu.memory_space<vmem>>, vector<16xf32>,
      %get3A_785 = arith.constant 560 : index
      %get3A_786 = tpu.vector_load %arg9[%get3A_785] {strides = array<i32>} : memref<2048xf32, #tpu.memory_space<vmem>>, vector<16xf32>,
      %get3A_787 = arith.constant 576 : index
      %get3A_788 = tpu.vector_load %arg9[%get3A_787] {strides = array<i32>} : memref<2048xf32, #tpu.memory_space<vmem>>, vector<16xf32>,
      %get3A_789 = arith.constant 592 : index
      %get3A_790 = tpu.vector_load %arg9[%get3A_789] {strides = array<i32>} : memref<2048xf32, #tpu.memory_space<vmem>>, vector<16xf32>,
      %get3A_791 = arith.constant 608 : index
      %get3A_792 = tpu.vector_load %arg9[%get3A_791] {strides = array<i32>} : memref<2048xf32, #tpu.memory_space<vmem>>, vector<16xf32>,
      %get3A_793 = arith.constant 624 : index
      %get3A_794 = tpu.vector_load %arg9[%get3A_793] {strides = array<i32>} : memref<2048xf32, #tpu.memory_space<vmem>>, vector<16xf32>,
      %get3A_795 = arith.constant 640 : index
      %get3A_796 = tpu.vector_load %arg9[%get3A_795] {strides = array<i32>} : memref<2048xf32, #tpu.memory_space<vmem>>, vector<16xf32>,
      %get3A_797 = arith.constant 656 : index
      %get3A_798 = tpu.vector_load %arg9[%get3A_797] {strides = array<i32>} : memref<2048xf32, #tpu.memory_space<vmem>>, vector<16xf32>,
      %get3A_799 = arith.constant 672 : index
      %get3A_800 = tpu.vector_load %arg9[%get3A_799] {strides = array<i32>} : memref<2048xf32, #tpu.memory_space<vmem>>, vector<16xf32>,
      %get3A_801 = arith.constant 688 : index
      %get3A_802 = tpu.vector_load %arg9[%get3A_801] {strides = array<i32>} : memref<2048xf32, #tpu.memory_space<vmem>>, vector<16xf32>,
      %get3A_803 = arith.constant 704 : index
      %get3A_804 = tpu.vector_load %arg9[%get3A_803] {strides = array<i32>} : memref<2048xf32, #tpu.memory_space<vmem>>, vector<16xf32>,
      %get3A_805 = arith.constant 720 : index
      %get3A_806 = tpu.vector_load %arg9[%get3A_805] {strides = array<i32>} : memref<2048xf32, #tpu.memory_space<vmem>>, vector<16xf32>,
      %get3A_807 = arith.constant 736 : index
      %get3A_808 = tpu.vector_load %arg9[%get3A_807] {strides = array<i32>} : memref<2048xf32, #tpu.memory_space<vmem>>, vector<16xf32>,
      %get3A_809 = arith.constant 752 : index
      %get3A_810 = tpu.vector_load %arg9[%get3A_809] {strides = array<i32>} : memref<2048xf32, #tpu.memory_space<vmem>>, vector<16xf32>,
      %add3A_811 = arith.addf %get3A_780, %get3A_782 : vector<16xf32>
      %add3A_812 = arith.addf %get3A_784, %get3A_786 : vector<16xf32>
      %add3A_813 = arith.addf %add3A_811, %add3A_812 : vector<16xf32>
      %add3A_814 = arith.addf %get3A_788, %get3A_790 : vector<16xf32>
      %add3A_815 = arith.addf %get3A_792, %get3A_794 : vector<16xf32>
      %add3A_816 = arith.addf %add3A_814, %add3A_815 : vector<16xf32>
      %add3A_817 = arith.addf %add3A_813, %add3A_816 : vector<16xf32>
      %add3A_818 = arith.addf %get3A_796, %get3A_798 : vector<16xf32>
      %add3A_819 = arith.addf %get3A_800, %get3A_802 : vector<16xf32>
      %add3A_820 = arith.addf %add3A_818, %add3A_819 : vector<16xf32>
      %add3A_821 = arith.addf %get3A_804, %get3A_806 : vector<16xf32>
      %add3A_822 = arith.addf %get3A_808, %get3A_810 : vector<16xf32>
      %add3A_823 = arith.addf %add3A_821, %add3A_822 : vector<16xf32>
      %add3A_824 = arith.addf %add3A_820, %add3A_823 : vector<16xf32>
      %add3A_825 = arith.addf %add3A_817, %add3A_824 : vector<16xf32>
      %get3A_826 = arith.constant 768 : index
      %get3A_827 = tpu.vector_load %arg9[%get3A_826] {strides = array<i32>} : memref<2048xf32, #tpu.memory_space<vmem>>, vector<16xf32>,
      %get3A_828 = arith.constant 784 : index
      %get3A_829 = tpu.vector_load %arg9[%get3A_828] {strides = array<i32>} : memref<2048xf32, #tpu.memory_space<vmem>>, vector<16xf32>,
      %get3A_830 = arith.constant 800 : index
      %get3A_831 = tpu.vector_load %arg9[%get3A_830] {strides = array<i32>} : memref<2048xf32, #tpu.memory_space<vmem>>, vector<16xf32>,
      %get3A_832 = arith.constant 816 : index
      %get3A_833 = tpu.vector_load %arg9[%get3A_832] {strides = array<i32>} : memref<2048xf32, #tpu.memory_space<vmem>>, vector<16xf32>,
      %get3A_834 = arith.constant 832 : index
      %get3A_835 = tpu.vector_load %arg9[%get3A_834] {strides = array<i32>} : memref<2048xf32, #tpu.memory_space<vmem>>, vector<16xf32>,
      %get3A_836 = arith.constant 848 : index
      %get3A_837 = tpu.vector_load %arg9[%get3A_836] {strides = array<i32>} : memref<2048xf32, #tpu.memory_space<vmem>>, vector<16xf32>,
      %get3A_838 = arith.constant 864 : index
      %get3A_839 = tpu.vector_load %arg9[%get3A_838] {strides = array<i32>} : memref<2048xf32, #tpu.memory_space<vmem>>, vector<16xf32>,
      %get3A_840 = arith.constant 880 : index
      %get3A_841 = tpu.vector_load %arg9[%get3A_840] {strides = array<i32>} : memref<2048xf32, #tpu.memory_space<vmem>>, vector<16xf32>,
      %get3A_842 = arith.constant 896 : index
      %get3A_843 = tpu.vector_load %arg9[%get3A_842] {strides = array<i32>} : memref<2048xf32, #tpu.memory_space<vmem>>, vector<16xf32>,
      %get3A_844 = arith.constant 912 : index
      %get3A_845 = tpu.vector_load %arg9[%get3A_844] {strides = array<i32>} : memref<2048xf32, #tpu.memory_space<vmem>>, vector<16xf32>,
      %get3A_846 = arith.constant 928 : index
      %get3A_847 = tpu.vector_load %arg9[%get3A_846] {strides = array<i32>} : memref<2048xf32, #tpu.memory_space<vmem>>, vector<16xf32>,
      %get3A_848 = arith.constant 944 : index
      %get3A_849 = tpu.vector_load %arg9[%get3A_848] {strides = array<i32>} : memref<2048xf32, #tpu.memory_space<vmem>>, vector<16xf32>,
      %get3A_850 = arith.constant 960 : index
      %get3A_851 = tpu.vector_load %arg9[%get3A_850] {strides = array<i32>} : memref<2048xf32, #tpu.memory_space<vmem>>, vector<16xf32>,
      %get3A_852 = arith.constant 976 : index
      %get3A_853 = tpu.vector_load %arg9[%get3A_852] {strides = array<i32>} : memref<2048xf32, #tpu.memory_space<vmem>>, vector<16xf32>,
      %get3A_854 = arith.constant 992 : index
      %get3A_855 = tpu.vector_load %arg9[%get3A_854] {strides = array<i32>} : memref<2048xf32, #tpu.memory_space<vmem>>, vector<16xf32>,
      %get3A_856 = arith.constant 1008 : index
      %get3A_857 = tpu.vector_load %arg9[%get3A_856] {strides = array<i32>} : memref<2048xf32, #tpu.memory_space<vmem>>, vector<16xf32>,
      %add3A_858 = arith.addf %get3A_827, %get3A_829 : vector<16xf32>
      %add3A_859 = arith.addf %get3A_831, %get3A_833 : vector<16xf32>
      %add3A_860 = arith.addf %add3A_858, %add3A_859 : vector<16xf32>
      %add3A_861 = arith.addf %get3A_835, %get3A_837 : vector<16xf32>
      %add3A_862 = arith.addf %get3A_839, %get3A_841 : vector<16xf32>
      %add3A_863 = arith.addf %add3A_861, %add3A_862 : vector<16xf32>
      %add3A_864 = arith.addf %add3A_860, %add3A_863 : vector<16xf32>
      %add3A_865 = arith.addf %get3A_843, %get3A_845 : vector<16xf32>
      %add3A_866 = arith.addf %get3A_847, %get3A_849 : vector<16xf32>
      %add3A_867 = arith.addf %add3A_865, %add3A_866 : vector<16xf32>
      %add3A_868 = arith.addf %get3A_851, %get3A_853 : vector<16xf32>
      %add3A_869 = arith.addf %get3A_855, %get3A_857 : vector<16xf32>
      %add3A_870 = arith.addf %add3A_868, %add3A_869 : vector<16xf32>
      %add3A_871 = arith.addf %add3A_867, %add3A_870 : vector<16xf32>
      %add3A_872 = arith.addf %add3A_864, %add3A_871 : vector<16xf32>
      %get3A_873 = arith.constant 1024 : index
      %get3A_874 = tpu.vector_load %arg9[%get3A_873] {strides = array<i32>} : memref<2048xf32, #tpu.memory_space<vmem>>, vector<16xf32>,
      %get3A_875 = arith.constant 1040 : index
      %get3A_876 = tpu.vector_load %arg9[%get3A_875] {strides = array<i32>} : memref<2048xf32, #tpu.memory_space<vmem>>, vector<16xf32>,
      %get3A_877 = arith.constant 1056 : index
      %get3A_878 = tpu.vector_load %arg9[%get3A_877] {strides = array<i32>} : memref<2048xf32, #tpu.memory_space<vmem>>, vector<16xf32>,
      %get3A_879 = arith.constant 1072 : index
      %get3A_880 = tpu.vector_load %arg9[%get3A_879] {strides = array<i32>} : memref<2048xf32, #tpu.memory_space<vmem>>, vector<16xf32>,
      %get3A_881 = arith.constant 1088 : index
      %get3A_882 = tpu.vector_load %arg9[%get3A_881] {strides = array<i32>} : memref<2048xf32, #tpu.memory_space<vmem>>, vector<16xf32>,
      %get3A_883 = arith.constant 1104 : index
      %get3A_884 = tpu.vector_load %arg9[%get3A_883] {strides = array<i32>} : memref<2048xf32, #tpu.memory_space<vmem>>, vector<16xf32>,
      %get3A_885 = arith.constant 1120 : index
      %get3A_886 = tpu.vector_load %arg9[%get3A_885] {strides = array<i32>} : memref<2048xf32, #tpu.memory_space<vmem>>, vector<16xf32>,
      %get3A_887 = arith.constant 1136 : index
      %get3A_888 = tpu.vector_load %arg9[%get3A_887] {strides = array<i32>} : memref<2048xf32, #tpu.memory_space<vmem>>, vector<16xf32>,
      %get3A_889 = arith.constant 1152 : index
      %get3A_890 = tpu.vector_load %arg9[%get3A_889] {strides = array<i32>} : memref<2048xf32, #tpu.memory_space<vmem>>, vector<16xf32>,
      %get3A_891 = arith.constant 1168 : index
      %get3A_892 = tpu.vector_load %arg9[%get3A_891] {strides = array<i32>} : memref<2048xf32, #tpu.memory_space<vmem>>, vector<16xf32>,
      %get3A_893 = arith.constant 1184 : index
      %get3A_894 = tpu.vector_load %arg9[%get3A_893] {strides = array<i32>} : memref<2048xf32, #tpu.memory_space<vmem>>, vector<16xf32>,
      %get3A_895 = arith.constant 1200 : index
      %get3A_896 = tpu.vector_load %arg9[%get3A_895] {strides = array<i32>} : memref<2048xf32, #tpu.memory_space<vmem>>, vector<16xf32>,
      %get3A_897 = arith.constant 1216 : index
      %get3A_898 = tpu.vector_load %arg9[%get3A_897] {strides = array<i32>} : memref<2048xf32, #tpu.memory_space<vmem>>, vector<16xf32>,
      %get3A_899 = arith.constant 1232 : index
      %get3A_900 = tpu.vector_load %arg9[%get3A_899] {strides = array<i32>} : memref<2048xf32, #tpu.memory_space<vmem>>, vector<16xf32>,
      %get3A_901 = arith.constant 1248 : index
      %get3A_902 = tpu.vector_load %arg9[%get3A_901] {strides = array<i32>} : memref<2048xf32, #tpu.memory_space<vmem>>, vector<16xf32>,
      %get3A_903 = arith.constant 1264 : index
      %get3A_904 = tpu.vector_load %arg9[%get3A_903] {strides = array<i32>} : memref<2048xf32, #tpu.memory_space<vmem>>, vector<16xf32>,
      %add3A_905 = arith.addf %get3A_874, %get3A_876 : vector<16xf32>
      %add3A_906 = arith.addf %get3A_878, %get3A_880 : vector<16xf32>
      %add3A_907 = arith.addf %add3A_905, %add3A_906 : vector<16xf32>
      %add3A_908 = arith.addf %get3A_882, %get3A_884 : vector<16xf32>
      %add3A_909 = arith.addf %get3A_886, %get3A_888 : vector<16xf32>
      %add3A_910 = arith.addf %add3A_908, %add3A_909 : vector<16xf32>
      %add3A_911 = arith.addf %add3A_907, %add3A_910 : vector<16xf32>
      %add3A_912 = arith.addf %get3A_890, %get3A_892 : vector<16xf32>
      %add3A_913 = arith.addf %get3A_894, %get3A_896 : vector<16xf32>
      %add3A_914 = arith.addf %add3A_912, %add3A_913 : vector<16xf32>
      %add3A_915 = arith.addf %get3A_898, %get3A_900 : vector<16xf32>
      %add3A_916 = arith.addf %get3A_902, %get3A_904 : vector<16xf32>
      %add3A_917 = arith.addf %add3A_915, %add3A_916 : vector<16xf32>
      %add3A_918 = arith.addf %add3A_914, %add3A_917 : vector<16xf32>
      %add3A_919 = arith.addf %add3A_911, %add3A_918 : vector<16xf32>
      %get3A_920 = arith.constant 1280 : index
      %get3A_921 = tpu.vector_load %arg9[%get3A_920] {strides = array<i32>} : memref<2048xf32, #tpu.memory_space<vmem>>, vector<16xf32>,
      %get3A_922 = arith.constant 1296 : index
      %get3A_923 = tpu.vector_load %arg9[%get3A_922] {strides = array<i32>} : memref<2048xf32, #tpu.memory_space<vmem>>, vector<16xf32>,
      %get3A_924 = arith.constant 1312 : index
      %get3A_925 = tpu.vector_load %arg9[%get3A_924] {strides = array<i32>} : memref<2048xf32, #tpu.memory_space<vmem>>, vector<16xf32>,
      %get3A_926 = arith.constant 1328 : index
      %get3A_927 = tpu.vector_load %arg9[%get3A_926] {strides = array<i32>} : memref<2048xf32, #tpu.memory_space<vmem>>, vector<16xf32>,
      %get3A_928 = arith.constant 1344 : index
      %get3A_929 = tpu.vector_load %arg9[%get3A_928] {strides = array<i32>} : memref<2048xf32, #tpu.memory_space<vmem>>, vector<16xf32>,
      %get3A_930 = arith.constant 1360 : index
      %get3A_931 = tpu.vector_load %arg9[%get3A_930] {strides = array<i32>} : memref<2048xf32, #tpu.memory_space<vmem>>, vector<16xf32>,
      %get3A_932 = arith.constant 1376 : index
      %get3A_933 = tpu.vector_load %arg9[%get3A_932] {strides = array<i32>} : memref<2048xf32, #tpu.memory_space<vmem>>, vector<16xf32>,
      %get3A_934 = arith.constant 1392 : index
      %get3A_935 = tpu.vector_load %arg9[%get3A_934] {strides = array<i32>} : memref<2048xf32, #tpu.memory_space<vmem>>, vector<16xf32>,
      %get3A_936 = arith.constant 1408 : index
      %get3A_937 = tpu.vector_load %arg9[%get3A_936] {strides = array<i32>} : memref<2048xf32, #tpu.memory_space<vmem>>, vector<16xf32>,
      %get3A_938 = arith.constant 1424 : index
      %get3A_939 = tpu.vector_load %arg9[%get3A_938] {strides = array<i32>} : memref<2048xf32, #tpu.memory_space<vmem>>, vector<16xf32>,
      %get3A_940 = arith.constant 1440 : index
      %get3A_941 = tpu.vector_load %arg9[%get3A_940] {strides = array<i32>} : memref<2048xf32, #tpu.memory_space<vmem>>, vector<16xf32>,
      %get3A_942 = arith.constant 1456 : index
      %get3A_943 = tpu.vector_load %arg9[%get3A_942] {strides = array<i32>} : memref<2048xf32, #tpu.memory_space<vmem>>, vector<16xf32>,
      %get3A_944 = arith.constant 1472 : index
      %get3A_945 = tpu.vector_load %arg9[%get3A_944] {strides = array<i32>} : memref<2048xf32, #tpu.memory_space<vmem>>, vector<16xf32>,
      %get3A_946 = arith.constant 1488 : index
      %get3A_947 = tpu.vector_load %arg9[%get3A_946] {strides = array<i32>} : memref<2048xf32, #tpu.memory_space<vmem>>, vector<16xf32>,
      %get3A_948 = arith.constant 1504 : index
      %get3A_949 = tpu.vector_load %arg9[%get3A_948] {strides = array<i32>} : memref<2048xf32, #tpu.memory_space<vmem>>, vector<16xf32>,
      %get3A_950 = arith.constant 1520 : index
      %get3A_951 = tpu.vector_load %arg9[%get3A_950] {strides = array<i32>} : memref<2048xf32, #tpu.memory_space<vmem>>, vector<16xf32>,
      %add3A_952 = arith.addf %get3A_921, %get3A_923 : vector<16xf32>
      %add3A_953 = arith.addf %get3A_925, %get3A_927 : vector<16xf32>
      %add3A_954 = arith.addf %add3A_952, %add3A_953 : vector<16xf32>
      %add3A_955 = arith.addf %get3A_929, %get3A_931 : vector<16xf32>
      %add3A_956 = arith.addf %get3A_933, %get3A_935 : vector<16xf32>
      %add3A_957 = arith.addf %add3A_955, %add3A_956 : vector<16xf32>
      %add3A_958 = arith.addf %add3A_954, %add3A_957 : vector<16xf32>
      %add3A_959 = arith.addf %get3A_937, %get3A_939 : vector<16xf32>
      %add3A_960 = arith.addf %get3A_941, %get3A_943 : vector<16xf32>
      %add3A_961 = arith.addf %add3A_959, %add3A_960 : vector<16xf32>
      %add3A_962 = arith.addf %get3A_945, %get3A_947 : vector<16xf32>
      %add3A_963 = arith.addf %get3A_949, %get3A_951 : vector<16xf32>
      %add3A_964 = arith.addf %add3A_962, %add3A_963 : vector<16xf32>
      %add3A_965 = arith.addf %add3A_961, %add3A_964 : vector<16xf32>
      %add3A_966 = arith.addf %add3A_958, %add3A_965 : vector<16xf32>
      %get3A_967 = arith.constant 1536 : index
      %get3A_968 = tpu.vector_load %arg9[%get3A_967] {strides = array<i32>} : memref<2048xf32, #tpu.memory_space<vmem>>, vector<16xf32>,
      %get3A_969 = arith.constant 1552 : index
      %get3A_970 = tpu.vector_load %arg9[%get3A_969] {strides = array<i32>} : memref<2048xf32, #tpu.memory_space<vmem>>, vector<16xf32>,
      %get3A_971 = arith.constant 1568 : index
      %get3A_972 = tpu.vector_load %arg9[%get3A_971] {strides = array<i32>} : memref<2048xf32, #tpu.memory_space<vmem>>, vector<16xf32>,
      %get3A_973 = arith.constant 1584 : index
      %get3A_974 = tpu.vector_load %arg9[%get3A_973] {strides = array<i32>} : memref<2048xf32, #tpu.memory_space<vmem>>, vector<16xf32>,
      %get3A_975 = arith.constant 1600 : index
      %get3A_976 = tpu.vector_load %arg9[%get3A_975] {strides = array<i32>} : memref<2048xf32, #tpu.memory_space<vmem>>, vector<16xf32>,
      %get3A_977 = arith.constant 1616 : index
      %get3A_978 = tpu.vector_load %arg9[%get3A_977] {strides = array<i32>} : memref<2048xf32, #tpu.memory_space<vmem>>, vector<16xf32>,
      %get3A_979 = arith.constant 1632 : index
      %get3A_980 = tpu.vector_load %arg9[%get3A_979] {strides = array<i32>} : memref<2048xf32, #tpu.memory_space<vmem>>, vector<16xf32>,
      %get3A_981 = arith.constant 1648 : index
      %get3A_982 = tpu.vector_load %arg9[%get3A_981] {strides = array<i32>} : memref<2048xf32, #tpu.memory_space<vmem>>, vector<16xf32>,
      %get3A_983 = arith.constant 1664 : index
      %get3A_984 = tpu.vector_load %arg9[%get3A_983] {strides = array<i32>} : memref<2048xf32, #tpu.memory_space<vmem>>, vector<16xf32>,
      %get3A_985 = arith.constant 1680 : index
      %get3A_986 = tpu.vector_load %arg9[%get3A_985] {strides = array<i32>} : memref<2048xf32, #tpu.memory_space<vmem>>, vector<16xf32>,
      %get3A_987 = arith.constant 1696 : index
      %get3A_988 = tpu.vector_load %arg9[%get3A_987] {strides = array<i32>} : memref<2048xf32, #tpu.memory_space<vmem>>, vector<16xf32>,
      %get3A_989 = arith.constant 1712 : index
      %get3A_990 = tpu.vector_load %arg9[%get3A_989] {strides = array<i32>} : memref<2048xf32, #tpu.memory_space<vmem>>, vector<16xf32>,
      %get3A_991 = arith.constant 1728 : index
      %get3A_992 = tpu.vector_load %arg9[%get3A_991] {strides = array<i32>} : memref<2048xf32, #tpu.memory_space<vmem>>, vector<16xf32>,
      %get3A_993 = arith.constant 1744 : index
      %get3A_994 = tpu.vector_load %arg9[%get3A_993] {strides = array<i32>} : memref<2048xf32, #tpu.memory_space<vmem>>, vector<16xf32>,
      %get3A_995 = arith.constant 1760 : index
      %get3A_996 = tpu.vector_load %arg9[%get3A_995] {strides = array<i32>} : memref<2048xf32, #tpu.memory_space<vmem>>, vector<16xf32>,
      %get3A_997 = arith.constant 1776 : index
      %get3A_998 = tpu.vector_load %arg9[%get3A_997] {strides = array<i32>} : memref<2048xf32, #tpu.memory_space<vmem>>, vector<16xf32>,
      %add3A_999 = arith.addf %get3A_968, %get3A_970 : vector<16xf32>
      %add3A_1000 = arith.addf %get3A_972, %get3A_974 : vector<16xf32>
      %add3A_1001 = arith.addf %add3A_999, %add3A_1000 : vector<16xf32>
      %add3A_1002 = arith.addf %get3A_976, %get3A_978 : vector<16xf32>
      %add3A_1003 = arith.addf %get3A_980, %get3A_982 : vector<16xf32>
      %add3A_1004 = arith.addf %add3A_1002, %add3A_1003 : vector<16xf32>
      %add3A_1005 = arith.addf %add3A_1001, %add3A_1004 : vector<16xf32>
      %add3A_1006 = arith.addf %get3A_984, %get3A_986 : vector<16xf32>
      %add3A_1007 = arith.addf %get3A_988, %get3A_990 : vector<16xf32>
      %add3A_1008 = arith.addf %add3A_1006, %add3A_1007 : vector<16xf32>
      %add3A_1009 = arith.addf %get3A_992, %get3A_994 : vector<16xf32>
      %add3A_1010 = arith.addf %get3A_996, %get3A_998 : vector<16xf32>
      %add3A_1011 = arith.addf %add3A_1009, %add3A_1010 : vector<16xf32>
      %add3A_1012 = arith.addf %add3A_1008, %add3A_1011 : vector<16xf32>
      %add3A_1013 = arith.addf %add3A_1005, %add3A_1012 : vector<16xf32>
      %get3A_1014 = arith.constant 1792 : index
      %get3A_1015 = tpu.vector_load %arg9[%get3A_1014] {strides = array<i32>} : memref<2048xf32, #tpu.memory_space<vmem>>, vector<16xf32>,
      %get3A_1016 = arith.constant 1808 : index
      %get3A_1017 = tpu.vector_load %arg9[%get3A_1016] {strides = array<i32>} : memref<2048xf32, #tpu.memory_space<vmem>>, vector<16xf32>,
      %get3A_1018 = arith.constant 1824 : index
      %get3A_1019 = tpu.vector_load %arg9[%get3A_1018] {strides = array<i32>} : memref<2048xf32, #tpu.memory_space<vmem>>, vector<16xf32>,
      %get3A_1020 = arith.constant 1840 : index
      %get3A_1021 = tpu.vector_load %arg9[%get3A_1020] {strides = array<i32>} : memref<2048xf32, #tpu.memory_space<vmem>>, vector<16xf32>,
      %get3A_1022 = arith.constant 1856 : index
      %get3A_1023 = tpu.vector_load %arg9[%get3A_1022] {strides = array<i32>} : memref<2048xf32, #tpu.memory_space<vmem>>, vector<16xf32>,
      %get3A_1024 = arith.constant 1872 : index
      %get3A_1025 = tpu.vector_load %arg9[%get3A_1024] {strides = array<i32>} : memref<2048xf32, #tpu.memory_space<vmem>>, vector<16xf32>,
      %get3A_1026 = arith.constant 1888 : index
      %get3A_1027 = tpu.vector_load %arg9[%get3A_1026] {strides = array<i32>} : memref<2048xf32, #tpu.memory_space<vmem>>, vector<16xf32>,
      %get3A_1028 = arith.constant 1904 : index
      %get3A_1029 = tpu.vector_load %arg9[%get3A_1028] {strides = array<i32>} : memref<2048xf32, #tpu.memory_space<vmem>>, vector<16xf32>,
      %get3A_1030 = arith.constant 1920 : index
      %get3A_1031 = tpu.vector_load %arg9[%get3A_1030] {strides = array<i32>} : memref<2048xf32, #tpu.memory_space<vmem>>, vector<16xf32>,
      %get3A_1032 = arith.constant 1936 : index
      %get3A_1033 = tpu.vector_load %arg9[%get3A_1032] {strides = array<i32>} : memref<2048xf32, #tpu.memory_space<vmem>>, vector<16xf32>,
      %get3A_1034 = arith.constant 1952 : index
      %get3A_1035 = tpu.vector_load %arg9[%get3A_1034] {strides = array<i32>} : memref<2048xf32, #tpu.memory_space<vmem>>, vector<16xf32>,
      %get3A_1036 = arith.constant 1968 : index
      %get3A_1037 = tpu.vector_load %arg9[%get3A_1036] {strides = array<i32>} : memref<2048xf32, #tpu.memory_space<vmem>>, vector<16xf32>,
      %get3A_1038 = arith.constant 1984 : index
      %get3A_1039 = tpu.vector_load %arg9[%get3A_1038] {strides = array<i32>} : memref<2048xf32, #tpu.memory_space<vmem>>, vector<16xf32>,
      %get3A_1040 = arith.constant 2000 : index
      %get3A_1041 = tpu.vector_load %arg9[%get3A_1040] {strides = array<i32>} : memref<2048xf32, #tpu.memory_space<vmem>>, vector<16xf32>,
      %get3A_1042 = arith.constant 2016 : index
      %get3A_1043 = tpu.vector_load %arg9[%get3A_1042] {strides = array<i32>} : memref<2048xf32, #tpu.memory_space<vmem>>, vector<16xf32>,
      %get3A_1044 = arith.constant 2032 : index
      %get3A_1045 = tpu.vector_load %arg9[%get3A_1044] {strides = array<i32>} : memref<2048xf32, #tpu.memory_space<vmem>>, vector<16xf32>,
      %add3A_1046 = arith.addf %get3A_1015, %get3A_1017 : vector<16xf32>
      %add3A_1047 = arith.addf %get3A_1019, %get3A_1021 : vector<16xf32>
      %add3A_1048 = arith.addf %add3A_1046, %add3A_1047 : vector<16xf32>
      %add3A_1049 = arith.addf %get3A_1023, %get3A_1025 : vector<16xf32>
      %add3A_1050 = arith.addf %get3A_1027, %get3A_1029 : vector<16xf32>
      %add3A_1051 = arith.addf %add3A_1049, %add3A_1050 : vector<16xf32>
      %add3A_1052 = arith.addf %add3A_1048, %add3A_1051 : vector<16xf32>
      %add3A_1053 = arith.addf %get3A_1031, %get3A_1033 : vector<16xf32>
      %add3A_1054 = arith.addf %get3A_1035, %get3A_1037 : vector<16xf32>
      %add3A_1055 = arith.addf %add3A_1053, %add3A_1054 : vector<16xf32>
      %add3A_1056 = arith.addf %get3A_1039, %get3A_1041 : vector<16xf32>
      %add3A_1057 = arith.addf %get3A_1043, %get3A_1045 : vector<16xf32>
      %add3A_1058 = arith.addf %add3A_1056, %add3A_1057 : vector<16xf32>
      %add3A_1059 = arith.addf %add3A_1055, %add3A_1058 : vector<16xf32>
      %add3A_1060 = arith.addf %add3A_1052, %add3A_1059 : vector<16xf32>
      %broadcast_in_dim3A_1061 = arith.constant 0 : i32
      %broadcast_in_dim3A_1062 = vector.broadcast %broadcast_in_dim3A_1061 : i32 to vector<16xi32>
      %gt3A = arith.cmpf ogt, %add3A_778, %add3A_731 : vector<16xf32>
      %select_n3A = arith.select %gt3A, %add3A_778, %add3A_731 : vector<16xi1>, vector<16xf32>
      %jit3A = arith.constant 1 : i32
      %broadcast_in_dim3A_1063 = vector.broadcast %jit3A : i32 to vector<16xi32>
      %select_n3A_1064 = arith.select %gt3A, %broadcast_in_dim3A_1063, %broadcast_in_dim3A_1062 : vector<16xi1>, vector<16xi32>
      %gt3A_1065 = arith.cmpf ogt, %add3A_825, %select_n3A : vector<16xf32>
      %select_n3A_1066 = arith.select %gt3A_1065, %add3A_825, %select_n3A : vector<16xi1>, vector<16xf32>
      %jit3A_1067 = arith.constant 2 : i32
      %broadcast_in_dim3A_1068 = vector.broadcast %jit3A_1067 : i32 to vector<16xi32>
      %select_n3A_1069 = arith.select %gt3A_1065, %broadcast_in_dim3A_1068, %select_n3A_1064 : vector<16xi1>, vector<16xi32>
      %gt3A_1070 = arith.cmpf ogt, %add3A_872, %select_n3A_1066 : vector<16xf32>
      %select_n3A_1071 = arith.select %gt3A_1070, %add3A_872, %select_n3A_1066 : vector<16xi1>, vector<16xf32>
      %jit3A_1072 = arith.constant 3 : i32
      %broadcast_in_dim3A_1073 = vector.broadcast %jit3A_1072 : i32 to vector<16xi32>
      %select_n3A_1074 = arith.select %gt3A_1070, %broadcast_in_dim3A_1073, %select_n3A_1069 : vector<16xi1>, vector<16xi32>
      %gt3A_1075 = arith.cmpf ogt, %add3A_919, %select_n3A_1071 : vector<16xf32>
      %select_n3A_1076 = arith.select %gt3A_1075, %add3A_919, %select_n3A_1071 : vector<16xi1>, vector<16xf32>
      %jit3A_1077 = arith.constant 4 : i32
      %broadcast_in_dim3A_1078 = vector.broadcast %jit3A_1077 : i32 to vector<16xi32>
      %select_n3A_1079 = arith.select %gt3A_1075, %broadcast_in_dim3A_1078, %select_n3A_1074 : vector<16xi1>, vector<16xi32>
      %gt3A_1080 = arith.cmpf ogt, %add3A_966, %select_n3A_1076 : vector<16xf32>
      %select_n3A_1081 = arith.select %gt3A_1080, %add3A_966, %select_n3A_1076 : vector<16xi1>, vector<16xf32>
      %jit3A_1082 = arith.constant 5 : i32
      %broadcast_in_dim3A_1083 = vector.broadcast %jit3A_1082 : i32 to vector<16xi32>
      %select_n3A_1084 = arith.select %gt3A_1080, %broadcast_in_dim3A_1083, %select_n3A_1079 : vector<16xi1>, vector<16xi32>
      %gt3A_1085 = arith.cmpf ogt, %add3A_1013, %select_n3A_1081 : vector<16xf32>
      %select_n3A_1086 = arith.select %gt3A_1085, %add3A_1013, %select_n3A_1081 : vector<16xi1>, vector<16xf32>
      %jit3A_1087 = arith.constant 6 : i32
      %broadcast_in_dim3A_1088 = vector.broadcast %jit3A_1087 : i32 to vector<16xi32>
      %select_n3A_1089 = arith.select %gt3A_1085, %broadcast_in_dim3A_1088, %select_n3A_1084 : vector<16xi1>, vector<16xi32>
      %gt3A_1090 = arith.cmpf ogt, %add3A_1060, %select_n3A_1086 : vector<16xf32>
      %select_n3A_1091 = arith.select %gt3A_1090, %add3A_1060, %select_n3A_1086 : vector<16xi1>, vector<16xf32>
      %jit3A_1092 = arith.constant 7 : i32
      %broadcast_in_dim3A_1093 = vector.broadcast %jit3A_1092 : i32 to vector<16xi32>
      %select_n3A_1094 = arith.select %gt3A_1090, %broadcast_in_dim3A_1093, %select_n3A_1089 : vector<16xi1>, vector<16xi32>
      %broadcast_in_dim3A_1095 = arith.constant 0xFF800000 : f32
      %broadcast_in_dim3A_1096 = vector.broadcast %broadcast_in_dim3A_1095 : f32 to vector<16xf32>
      %broadcast_in_dim3A_1097 = arith.constant 0 : i32
      %broadcast_in_dim3A_1098 = vector.broadcast %broadcast_in_dim3A_1097 : i32 to vector<16xi32>
      %gt3A_1099 = arith.cmpf ogt, %add3A_731, %broadcast_in_dim3A_1096 : vector<16xf32>
      %ne3A = arith.constant 0 : i32
      %ne3A_1100 = vector.broadcast %ne3A : i32 to vector<16xi32>
      %ne3A_1101 = arith.cmpi ne, %select_n3A_1094, %ne3A_1100 : vector<16xi32>
      %and3A = arith.andi %gt3A_1099, %ne3A_1101 : vector<16xi1>
      %select_n3A_1102 = arith.select %and3A, %add3A_731, %broadcast_in_dim3A_1096 : vector<16xi1>, vector<16xf32>
      %jit3A_1103 = arith.constant 0 : i32
      %broadcast_in_dim3A_1104 = vector.broadcast %jit3A_1103 : i32 to vector<16xi32>
      %select_n3A_1105 = arith.select %and3A, %broadcast_in_dim3A_1104, %broadcast_in_dim3A_1098 : vector<16xi1>, vector<16xi32>
      %gt3A_1106 = arith.cmpf ogt, %add3A_778, %select_n3A_1102 : vector<16xf32>
      %ne3A_1107 = arith.constant 1 : i32
      %ne3A_1108 = vector.broadcast %ne3A_1107 : i32 to vector<16xi32>
      %ne3A_1109 = arith.cmpi ne, %select_n3A_1094, %ne3A_1108 : vector<16xi32>
      %and3A_1110 = arith.andi %gt3A_1106, %ne3A_1109 : vector<16xi1>
      %select_n3A_1111 = arith.select %and3A_1110, %add3A_778, %select_n3A_1102 : vector<16xi1>, vector<16xf32>
      %jit3A_1112 = arith.constant 1 : i32
      %broadcast_in_dim3A_1113 = vector.broadcast %jit3A_1112 : i32 to vector<16xi32>
      %select_n3A_1114 = arith.select %and3A_1110, %broadcast_in_dim3A_1113, %select_n3A_1105 : vector<16xi1>, vector<16xi32>
      %gt3A_1115 = arith.cmpf ogt, %add3A_825, %select_n3A_1111 : vector<16xf32>
      %ne3A_1116 = arith.constant 2 : i32
      %ne3A_1117 = vector.broadcast %ne3A_1116 : i32 to vector<16xi32>
      %ne3A_1118 = arith.cmpi ne, %select_n3A_1094, %ne3A_1117 : vector<16xi32>
      %and3A_1119 = arith.andi %gt3A_1115, %ne3A_1118 : vector<16xi1>
      %select_n3A_1120 = arith.select %and3A_1119, %add3A_825, %select_n3A_1111 : vector<16xi1>, vector<16xf32>
      %jit3A_1121 = arith.constant 2 : i32
      %broadcast_in_dim3A_1122 = vector.broadcast %jit3A_1121 : i32 to vector<16xi32>
      %select_n3A_1123 = arith.select %and3A_1119, %broadcast_in_dim3A_1122, %select_n3A_1114 : vector<16xi1>, vector<16xi32>
      %gt3A_1124 = arith.cmpf ogt, %add3A_872, %select_n3A_1120 : vector<16xf32>
      %ne3A_1125 = arith.constant 3 : i32
      %ne3A_1126 = vector.broadcast %ne3A_1125 : i32 to vector<16xi32>
      %ne3A_1127 = arith.cmpi ne, %select_n3A_1094, %ne3A_1126 : vector<16xi32>
      %and3A_1128 = arith.andi %gt3A_1124, %ne3A_1127 : vector<16xi1>
      %select_n3A_1129 = arith.select %and3A_1128, %add3A_872, %select_n3A_1120 : vector<16xi1>, vector<16xf32>
      %jit3A_1130 = arith.constant 3 : i32
      %broadcast_in_dim3A_1131 = vector.broadcast %jit3A_1130 : i32 to vector<16xi32>
      %select_n3A_1132 = arith.select %and3A_1128, %broadcast_in_dim3A_1131, %select_n3A_1123 : vector<16xi1>, vector<16xi32>
      %gt3A_1133 = arith.cmpf ogt, %add3A_919, %select_n3A_1129 : vector<16xf32>
      %ne3A_1134 = arith.constant 4 : i32
      %ne3A_1135 = vector.broadcast %ne3A_1134 : i32 to vector<16xi32>
      %ne3A_1136 = arith.cmpi ne, %select_n3A_1094, %ne3A_1135 : vector<16xi32>
      %and3A_1137 = arith.andi %gt3A_1133, %ne3A_1136 : vector<16xi1>
      %select_n3A_1138 = arith.select %and3A_1137, %add3A_919, %select_n3A_1129 : vector<16xi1>, vector<16xf32>
      %jit3A_1139 = arith.constant 4 : i32
      %broadcast_in_dim3A_1140 = vector.broadcast %jit3A_1139 : i32 to vector<16xi32>
      %select_n3A_1141 = arith.select %and3A_1137, %broadcast_in_dim3A_1140, %select_n3A_1132 : vector<16xi1>, vector<16xi32>
      %gt3A_1142 = arith.cmpf ogt, %add3A_966, %select_n3A_1138 : vector<16xf32>
      %ne3A_1143 = arith.constant 5 : i32
      %ne3A_1144 = vector.broadcast %ne3A_1143 : i32 to vector<16xi32>
      %ne3A_1145 = arith.cmpi ne, %select_n3A_1094, %ne3A_1144 : vector<16xi32>
      %and3A_1146 = arith.andi %gt3A_1142, %ne3A_1145 : vector<16xi1>
      %select_n3A_1147 = arith.select %and3A_1146, %add3A_966, %select_n3A_1138 : vector<16xi1>, vector<16xf32>
      %jit3A_1148 = arith.constant 5 : i32
      %broadcast_in_dim3A_1149 = vector.broadcast %jit3A_1148 : i32 to vector<16xi32>
      %select_n3A_1150 = arith.select %and3A_1146, %broadcast_in_dim3A_1149, %select_n3A_1141 : vector<16xi1>, vector<16xi32>
      %gt3A_1151 = arith.cmpf ogt, %add3A_1013, %select_n3A_1147 : vector<16xf32>
      %ne3A_1152 = arith.constant 6 : i32
      %ne3A_1153 = vector.broadcast %ne3A_1152 : i32 to vector<16xi32>
      %ne3A_1154 = arith.cmpi ne, %select_n3A_1094, %ne3A_1153 : vector<16xi32>
      %and3A_1155 = arith.andi %gt3A_1151, %ne3A_1154 : vector<16xi1>
      %select_n3A_1156 = arith.select %and3A_1155, %add3A_1013, %select_n3A_1147 : vector<16xi1>, vector<16xf32>
      %jit3A_1157 = arith.constant 6 : i32
      %broadcast_in_dim3A_1158 = vector.broadcast %jit3A_1157 : i32 to vector<16xi32>
      %select_n3A_1159 = arith.select %and3A_1155, %broadcast_in_dim3A_1158, %select_n3A_1150 : vector<16xi1>, vector<16xi32>
      %gt3A_1160 = arith.cmpf ogt, %add3A_1060, %select_n3A_1156 : vector<16xf32>
      %ne3A_1161 = arith.constant 7 : i32
      %ne3A_1162 = vector.broadcast %ne3A_1161 : i32 to vector<16xi32>
      %ne3A_1163 = arith.cmpi ne, %select_n3A_1094, %ne3A_1162 : vector<16xi32>
      %and3A_1164 = arith.andi %gt3A_1160, %ne3A_1163 : vector<16xi1>
      %select_n3A_1165 = arith.select %and3A_1164, %add3A_1060, %select_n3A_1156 : vector<16xi1>, vector<16xf32>
      %jit3A_1166 = arith.constant 7 : i32
      %broadcast_in_dim3A_1167 = vector.broadcast %jit3A_1166 : i32 to vector<16xi32>
      %select_n3A_1168 = arith.select %and3A_1164, %broadcast_in_dim3A_1167, %select_n3A_1159 : vector<16xi1>, vector<16xi32>
      %sub3A = arith.subf %select_n3A_1165, %select_n3A_1091 : vector<16xf32>
      %exp3A = math.exp %sub3A : vector<16xf32>
      %add3A_1169 = arith.constant 1.000000e+00 : f32
      %add3A_1170 = vector.broadcast %add3A_1169 : f32 to vector<16xf32>
      %add3A_1171 = arith.addf %add3A_1170, %exp3A : vector<16xf32>
      %div3A = arith.constant 1.000000e+00 : f32
      %div3A_1172 = vector.broadcast %div3A : f32 to vector<16xf32>
      %div3A_1173 = arith.divf %div3A_1172, %add3A_1171 : vector<16xf32>
      %mul3A_1174 = arith.mulf %add3A_1171, %div3A_1173 : vector<16xf32>
      %sub3A_1175 = arith.constant 2.000000e+00 : f32
      %sub3A_1176 = vector.broadcast %sub3A_1175 : f32 to vector<16xf32>
      %sub3A_1177 = arith.subf %sub3A_1176, %mul3A_1174 : vector<16xf32>
      %mul3A_1178 = arith.mulf %div3A_1173, %sub3A_1177 : vector<16xf32>
      %mul3A_1179 = arith.constant 16 : i32
      %mul3A_1180 = arith.muli %scan3A_17, %mul3A_1179 : i32
      %swap3A = arith.constant 0 : i32
      %swap3A_1181 = arith.index_cast %swap3A : i32 to index
      %swap3A_1182 = arith.index_cast %mul3A_1180 : i32 to index
      %swap3A_1183 = tpu.vector_load %arg10[%swap3A_1181, %swap3A_1182] {strides = array<i32>} : memref<8x256xf32, #tpu.memory_space<vmem>>, vector<16xf32>,
      tpu.vector_store %arg10[%swap3A_1181, %swap3A_1182], %add3A_731 {strides = array<i32>} : memref<8x256xf32, #tpu.memory_space<vmem>>, vector<16xf32>,
      %swap3A_1184 = arith.constant 1 : i32
      %swap3A_1185 = arith.index_cast %swap3A_1184 : i32 to index
      %swap3A_1186 = arith.index_cast %mul3A_1180 : i32 to index
      %swap3A_1187 = tpu.vector_load %arg10[%swap3A_1185, %swap3A_1186] {strides = array<i32>} : memref<8x256xf32, #tpu.memory_space<vmem>>, vector<16xf32>,
      tpu.vector_store %arg10[%swap3A_1185, %swap3A_1186], %add3A_778 {strides = array<i32>} : memref<8x256xf32, #tpu.memory_space<vmem>>, vector<16xf32>,
      %swap3A_1188 = arith.constant 2 : i32
      %swap3A_1189 = arith.index_cast %swap3A_1188 : i32 to index
      %swap3A_1190 = arith.index_cast %mul3A_1180 : i32 to index
      %swap3A_1191 = tpu.vector_load %arg10[%swap3A_1189, %swap3A_1190] {strides = array<i32>} : memref<8x256xf32, #tpu.memory_space<vmem>>, vector<16xf32>,
      tpu.vector_store %arg10[%swap3A_1189, %swap3A_1190], %add3A_825 {strides = array<i32>} : memref<8x256xf32, #tpu.memory_space<vmem>>, vector<16xf32>,
      %swap3A_1192 = arith.constant 3 : i32
      %swap3A_1193 = arith.index_cast %swap3A_1192 : i32 to index
      %swap3A_1194 = arith.index_cast %mul3A_1180 : i32 to index
      %swap3A_1195 = tpu.vector_load %arg10[%swap3A_1193, %swap3A_1194] {strides = array<i32>} : memref<8x256xf32, #tpu.memory_space<vmem>>, vector<16xf32>,
      tpu.vector_store %arg10[%swap3A_1193, %swap3A_1194], %add3A_872 {strides = array<i32>} : memref<8x256xf32, #tpu.memory_space<vmem>>, vector<16xf32>,
      %swap3A_1196 = arith.constant 4 : i32
      %swap3A_1197 = arith.index_cast %swap3A_1196 : i32 to index
      %swap3A_1198 = arith.index_cast %mul3A_1180 : i32 to index
      %swap3A_1199 = tpu.vector_load %arg10[%swap3A_1197, %swap3A_1198] {strides = array<i32>} : memref<8x256xf32, #tpu.memory_space<vmem>>, vector<16xf32>,
      tpu.vector_store %arg10[%swap3A_1197, %swap3A_1198], %add3A_919 {strides = array<i32>} : memref<8x256xf32, #tpu.memory_space<vmem>>, vector<16xf32>,
      %swap3A_1200 = arith.constant 5 : i32
      %swap3A_1201 = arith.index_cast %swap3A_1200 : i32 to index
      %swap3A_1202 = arith.index_cast %mul3A_1180 : i32 to index
      %swap3A_1203 = tpu.vector_load %arg10[%swap3A_1201, %swap3A_1202] {strides = array<i32>} : memref<8x256xf32, #tpu.memory_space<vmem>>, vector<16xf32>,
      tpu.vector_store %arg10[%swap3A_1201, %swap3A_1202], %add3A_966 {strides = array<i32>} : memref<8x256xf32, #tpu.memory_space<vmem>>, vector<16xf32>,
      %swap3A_1204 = arith.constant 6 : i32
      %swap3A_1205 = arith.index_cast %swap3A_1204 : i32 to index
      %swap3A_1206 = arith.index_cast %mul3A_1180 : i32 to index
      %swap3A_1207 = tpu.vector_load %arg10[%swap3A_1205, %swap3A_1206] {strides = array<i32>} : memref<8x256xf32, #tpu.memory_space<vmem>>, vector<16xf32>,
      tpu.vector_store %arg10[%swap3A_1205, %swap3A_1206], %add3A_1013 {strides = array<i32>} : memref<8x256xf32, #tpu.memory_space<vmem>>, vector<16xf32>,
      %swap3A_1208 = arith.constant 7 : i32
      %swap3A_1209 = arith.index_cast %swap3A_1208 : i32 to index
      %swap3A_1210 = arith.index_cast %mul3A_1180 : i32 to index
      %swap3A_1211 = tpu.vector_load %arg10[%swap3A_1209, %swap3A_1210] {strides = array<i32>} : memref<8x256xf32, #tpu.memory_space<vmem>>, vector<16xf32>,
      tpu.vector_store %arg10[%swap3A_1209, %swap3A_1210], %add3A_1060 {strides = array<i32>} : memref<8x256xf32, #tpu.memory_space<vmem>>, vector<16xf32>,
      %swap3A_1212 = arith.constant 0 : i32
      %swap3A_1213 = arith.index_cast %swap3A_1212 : i32 to index
      %swap3A_1214 = arith.index_cast %mul3A_1180 : i32 to index
      %swap3A_1215 = tpu.vector_load %arg11[%swap3A_1213, %swap3A_1214] {strides = array<i32>} : memref<2x256xf32, #tpu.memory_space<vmem>>, vector<16xf32>,
      tpu.vector_store %arg11[%swap3A_1213, %swap3A_1214], %mul3A_1178 {strides = array<i32>} : memref<2x256xf32, #tpu.memory_space<vmem>>, vector<16xf32>,
      %mul3A_1216 = arith.mulf %exp3A, %mul3A_1178 : vector<16xf32>
      %swap3A_1217 = arith.constant 1 : i32
      %swap3A_1218 = arith.index_cast %swap3A_1217 : i32 to index
      %swap3A_1219 = arith.index_cast %mul3A_1180 : i32 to index
      %swap3A_1220 = tpu.vector_load %arg11[%swap3A_1218, %swap3A_1219] {strides = array<i32>} : memref<2x256xf32, #tpu.memory_space<vmem>>, vector<16xf32>,
      tpu.vector_store %arg11[%swap3A_1218, %swap3A_1219], %mul3A_1216 {strides = array<i32>} : memref<2x256xf32, #tpu.memory_space<vmem>>, vector<16xf32>,
      %swap3A_1221 = arith.constant 0 : i32
      %swap3A_1222 = arith.index_cast %swap3A_1221 : i32 to index
      %swap3A_1223 = arith.index_cast %mul3A_1180 : i32 to index
      %swap3A_1224 = tpu.vector_load %arg12[%swap3A_1222, %swap3A_1223] {strides = array<i32>} : memref<2x256xi32, #tpu.memory_space<vmem>>, vector<16xi32>,
      tpu.vector_store %arg12[%swap3A_1222, %swap3A_1223], %select_n3A_1094 {strides = array<i32>} : memref<2x256xi32, #tpu.memory_space<vmem>>, vector<16xi32>,
      %swap3A_1225 = arith.constant 1 : i32
      %swap3A_1226 = arith.index_cast %swap3A_1225 : i32 to index
      %swap3A_1227 = arith.index_cast %mul3A_1180 : i32 to index
      %swap3A_1228 = tpu.vector_load %arg12[%swap3A_1226, %swap3A_1227] {strides = array<i32>} : memref<2x256xi32, #tpu.memory_space<vmem>>, vector<16xi32>,
      tpu.vector_store %arg12[%swap3A_1226, %swap3A_1227], %select_n3A_1168 {strides = array<i32>} : memref<2x256xi32, #tpu.memory_space<vmem>>, vector<16xi32>,
    }
    %scan3A_16 = arith.constant 16 : i32
    "tpu.region"() ({
      %run_scoped3A = tpu.sem_alloc : memref<!tpu.dma_semaphore, #tpu.memory_space<semaphore_mem>>
      %dma_start3A = arith.constant 0 : i32
      %dma_start3A_17 = tpu.memref_slice %arg4[%dma_start3A, %mul3A_2] : memref<8x8192xf32, #tpu.memory_space<hbm>> -> memref<8x256xf32, #tpu.memory_space<hbm>>
      %dma_start3A_18 = arith.constant 0 : i32
      %dma_start3A_19 = tpu.memref_slice %arg4[%dma_start3A_18, %mul3A_2] : memref<8x8192xf32, #tpu.memory_space<hbm>> -> memref<8x256xf32, #tpu.memory_space<hbm>>
      tpu.enqueue_dma source(%arg10 : memref<8x256xf32, #tpu.memory_space<vmem>>) target(%dma_start3A_19 : memref<8x256xf32, #tpu.memory_space<hbm>>) target_semaphore(%run_scoped3A : memref<!tpu.dma_semaphore, #tpu.memory_space<semaphore_mem>>)
      %dma_wait3A = arith.constant 0 : i32
      %dma_wait3A_20 = tpu.memref_slice %arg4[%dma_wait3A, %mul3A_2] : memref<8x8192xf32, #tpu.memory_space<hbm>> -> memref<8x256xf32, #tpu.memory_space<hbm>>
      %dma_wait3A_21 = arith.constant 0 : i32
      %dma_wait3A_22 = tpu.memref_slice %arg4[%dma_wait3A_21, %mul3A_2] : memref<8x8192xf32, #tpu.memory_space<hbm>> -> memref<8x256xf32, #tpu.memory_space<hbm>>
      tpu.wait_dma2 semaphore(%run_scoped3A : memref<!tpu.dma_semaphore, #tpu.memory_space<semaphore_mem>>) src(%arg10 : memref<8x256xf32, #tpu.memory_space<vmem>>) dst(%dma_wait3A_22 : memref<8x256xf32, #tpu.memory_space<hbm>>)
      tpu.yield
    }) : () -> ()
    "tpu.region"() ({
      %run_scoped3A = tpu.sem_alloc : memref<!tpu.dma_semaphore, #tpu.memory_space<semaphore_mem>>
      %dma_start3A = arith.constant 0 : i32
      %dma_start3A_17 = tpu.memref_slice %arg5[%dma_start3A, %mul3A_2] : memref<2x8192xf32, #tpu.memory_space<hbm>> -> memref<2x256xf32, #tpu.memory_space<hbm>>
      %dma_start3A_18 = arith.constant 0 : i32
      %dma_start3A_19 = tpu.memref_slice %arg5[%dma_start3A_18, %mul3A_2] : memref<2x8192xf32, #tpu.memory_space<hbm>> -> memref<2x256xf32, #tpu.memory_space<hbm>>
      tpu.enqueue_dma source(%arg11 : memref<2x256xf32, #tpu.memory_space<vmem>>) target(%dma_start3A_19 : memref<2x256xf32, #tpu.memory_space<hbm>>) target_semaphore(%run_scoped3A : memref<!tpu.dma_semaphore, #tpu.memory_space<semaphore_mem>>)
      %dma_wait3A = arith.constant 0 : i32
      %dma_wait3A_20 = tpu.memref_slice %arg5[%dma_wait3A, %mul3A_2] : memref<2x8192xf32, #tpu.memory_space<hbm>> -> memref<2x256xf32, #tpu.memory_space<hbm>>
      %dma_wait3A_21 = arith.constant 0 : i32
      %dma_wait3A_22 = tpu.memref_slice %arg5[%dma_wait3A_21, %mul3A_2] : memref<2x8192xf32, #tpu.memory_space<hbm>> -> memref<2x256xf32, #tpu.memory_space<hbm>>
      tpu.wait_dma2 semaphore(%run_scoped3A : memref<!tpu.dma_semaphore, #tpu.memory_space<semaphore_mem>>) src(%arg11 : memref<2x256xf32, #tpu.memory_space<vmem>>) dst(%dma_wait3A_22 : memref<2x256xf32, #tpu.memory_space<hbm>>)
      tpu.yield
    }) : () -> ()
    "tpu.region"() ({
      %run_scoped3A = tpu.sem_alloc : memref<!tpu.dma_semaphore, #tpu.memory_space<semaphore_mem>>
      %dma_start3A = arith.constant 0 : i32
      %dma_start3A_17 = tpu.memref_slice %arg6[%dma_start3A, %mul3A_2] : memref<2x8192xi32, #tpu.memory_space<hbm>> -> memref<2x256xi32, #tpu.memory_space<hbm>>
      %dma_start3A_18 = arith.constant 0 : i32
      %dma_start3A_19 = tpu.memref_slice %arg6[%dma_start3A_18, %mul3A_2] : memref<2x8192xi32, #tpu.memory_space<hbm>> -> memref<2x256xi32, #tpu.memory_space<hbm>>
      tpu.enqueue_dma source(%arg12 : memref<2x256xi32, #tpu.memory_space<vmem>>) target(%dma_start3A_19 : memref<2x256xi32, #tpu.memory_space<hbm>>) target_semaphore(%run_scoped3A : memref<!tpu.dma_semaphore, #tpu.memory_space<semaphore_mem>>)
      %dma_wait3A = arith.constant 0 : i32
      %dma_wait3A_20 = tpu.memref_slice %arg6[%dma_wait3A, %mul3A_2] : memref<2x8192xi32, #tpu.memory_space<hbm>> -> memref<2x256xi32, #tpu.memory_space<hbm>>
      %dma_wait3A_21 = arith.constant 0 : i32
      %dma_wait3A_22 = tpu.memref_slice %arg6[%dma_wait3A_21, %mul3A_2] : memref<2x8192xi32, #tpu.memory_space<hbm>> -> memref<2x256xi32, #tpu.memory_space<hbm>>
      tpu.wait_dma2 semaphore(%run_scoped3A : memref<!tpu.dma_semaphore, #tpu.memory_space<semaphore_mem>>) src(%arg12 : memref<2x256xi32, #tpu.memory_space<vmem>>) dst(%dma_wait3A_22 : memref<2x256xi32, #tpu.memory_space<hbm>>)
      tpu.yield
    }) : () -> ()
    return
  }
}

module attributes {stable_mosaic.version = 14 : i64} {
  func.func @_router_block(%arg0: i32, %arg1: memref<4096x768xf32, #tpu.memory_space<vmem>>, %arg2: memref<8x768xf32, #tpu.memory_space<vmem>>, %arg3: memref<4096x8xf32, #tpu.memory_space<vmem>>, %arg4: memref<2x4096xf32, #tpu.memory_space<vmem>>, %arg5: memref<2x4096xi32, #tpu.memory_space<vmem>>) attributes {dimension_semantics = [#tpu.dimension_semantics<arbitrary>], iteration_bounds = array<i64: 6>, scalar_prefetch = 0 : i64, scratch_operands = 0 : i64, tpu.core_type = #tpu.core_type<tc>, window_params = [{transform_indices = @transform_0, window_bounds = array<i64: 4096, 768>}, {pipeline_mode = #tpu.pipeline_mode<synchronous>, transform_indices = @transform_1, window_bounds = array<i64: 8, 768>}, {transform_indices = @transform_2, window_bounds = array<i64: 4096, 8>}, {transform_indices = @transform_3, window_bounds = array<i64: 2, 4096>}, {transform_indices = @transform_4, window_bounds = array<i64: 2, 4096>}]} {
    %get3A = arith.constant 0 : index
    %get3A_0 = arith.constant 0 : index
    %get3A_1 = vector.load %arg1[%get3A, %get3A_0] : memref<4096x768xf32, #tpu.memory_space<vmem>>, vector<4096x768xf32>
    %get3A_2 = arith.constant 0 : index
    %get3A_3 = arith.constant 0 : index
    %get3A_4 = vector.load %arg2[%get3A_2, %get3A_3] : memref<8x768xf32, #tpu.memory_space<vmem>>, vector<8x768xf32>
    %dot_general3A = arith.constant dense<0.000000e+00> : vector<4096x8xf32>
    %dot_general3A_5 = tpu.matmul %get3A_1, %get3A_4, %dot_general3A {dimension_numbers = #tpu.dot_dimension_numbers<[1], [1], [0], [0], [0, 0, 1, 0], [], []>, transpose_lhs_hint = false} : vector<4096x768xf32>, vector<8x768xf32>, vector<4096x8xf32> -> vector<4096x8xf32>
    %swap3A = arith.constant 0 : index
    %swap3A_6 = arith.constant 0 : index
    %swap3A_7 = vector.load %arg3[%swap3A, %swap3A_6] : memref<4096x8xf32, #tpu.memory_space<vmem>>, vector<4096x8xf32>
    tpu.vector_store %arg3[%swap3A, %swap3A_6], %dot_general3A_5 {strides = array<i32>} : memref<4096x8xf32, #tpu.memory_space<vmem>>, vector<4096x8xf32>,
    %transpose3A = tpu.transpose %dot_general3A_5, [1, 0] : vector<4096x8xf32> -> vector<8x4096xf32>
    %iota3A = tpu.iota {dimensions = array<i32: 0>} : vector<8x4096xi32>
    %reduce_max3A = arith.constant dense<0xFF800000> : vector<4096xf32>
    %reduce_max3A_8 = vector.multi_reduction <maximumf>, %transpose3A, %reduce_max3A [0] : vector<8x4096xf32> to vector<4096xf32>
    %broadcast_in_dim3A = vector.shape_cast %reduce_max3A_8 : vector<4096xf32> to vector<1x4096xf32>
    %eq3A = vector.broadcast %broadcast_in_dim3A : vector<1x4096xf32> to vector<8x4096xf32>
    %eq3A_9 = arith.cmpf oeq, %transpose3A, %eq3A : vector<8x4096xf32>
    %jit3A = arith.constant 8 : i32
    %broadcast_in_dim3A_10 = vector.broadcast %jit3A : i32 to vector<8x4096xi32>
    %select_n3A = arith.select %eq3A_9, %iota3A, %broadcast_in_dim3A_10 : vector<8x4096xi1>, vector<8x4096xi32>
    %reduce_min3A = arith.constant dense<2147483647> : vector<4096xi32>
    %reduce_min3A_11 = vector.multi_reduction <minsi>, %select_n3A, %reduce_min3A [0] : vector<8x4096xi32> to vector<4096xi32>
    %broadcast_in_dim3A_12 = vector.shape_cast %reduce_min3A_11 : vector<4096xi32> to vector<1x4096xi32>
    %eq3A_13 = vector.broadcast %broadcast_in_dim3A_12 : vector<1x4096xi32> to vector<8x4096xi32>
    %eq3A_14 = arith.cmpi eq, %iota3A, %eq3A_13 : vector<8x4096xi32>
    %jit3A_15 = arith.constant 0xFF800000 : f32
    %broadcast_in_dim3A_16 = vector.broadcast %jit3A_15 : f32 to vector<8x4096xf32>
    %select_n3A_17 = arith.select %eq3A_14, %broadcast_in_dim3A_16, %transpose3A : vector<8x4096xi1>, vector<8x4096xf32>
    %reduce_max3A_18 = arith.constant dense<0xFF800000> : vector<4096xf32>
    %reduce_max3A_19 = vector.multi_reduction <maximumf>, %select_n3A_17, %reduce_max3A_18 [0] : vector<8x4096xf32> to vector<4096xf32>
    %broadcast_in_dim3A_20 = vector.shape_cast %reduce_max3A_19 : vector<4096xf32> to vector<1x4096xf32>
    %eq3A_21 = vector.broadcast %broadcast_in_dim3A_20 : vector<1x4096xf32> to vector<8x4096xf32>
    %eq3A_22 = arith.cmpf oeq, %select_n3A_17, %eq3A_21 : vector<8x4096xf32>
    %jit3A_23 = arith.constant 8 : i32
    %broadcast_in_dim3A_24 = vector.broadcast %jit3A_23 : i32 to vector<8x4096xi32>
    %select_n3A_25 = arith.select %eq3A_22, %iota3A, %broadcast_in_dim3A_24 : vector<8x4096xi1>, vector<8x4096xi32>
    %reduce_min3A_26 = arith.constant dense<2147483647> : vector<4096xi32>
    %reduce_min3A_27 = vector.multi_reduction <minsi>, %select_n3A_25, %reduce_min3A_26 [0] : vector<8x4096xi32> to vector<4096xi32>
    %broadcast_in_dim3A_28 = vector.shape_cast %reduce_min3A_27 : vector<4096xi32> to vector<1x4096xi32>
    %sub3A = arith.subf %broadcast_in_dim3A_20, %broadcast_in_dim3A : vector<1x4096xf32>
    %exp3A = math.exp %sub3A : vector<1x4096xf32>
    %add3A = arith.constant 1.000000e+00 : f32
    %add3A_29 = vector.broadcast %add3A : f32 to vector<1x4096xf32>
    %add3A_30 = arith.addf %add3A_29, %exp3A : vector<1x4096xf32>
    %div3A = arith.constant 1.000000e+00 : f32
    %div3A_31 = vector.broadcast %div3A : f32 to vector<1x4096xf32>
    %div3A_32 = arith.divf %div3A_31, %add3A_30 : vector<1x4096xf32>
    %div3A_33 = arith.divf %exp3A, %add3A_30 : vector<1x4096xf32>
    %concatenate3A = tpu.concatenate %div3A_32, %div3A_33 in 0 : vector<1x4096xf32>, vector<1x4096xf32> -> vector<2x4096xf32>
    %concatenate3A_34 = tpu.concatenate %broadcast_in_dim3A_12, %broadcast_in_dim3A_28 in 0 : vector<1x4096xi32>, vector<1x4096xi32> -> vector<2x4096xi32>
    %swap3A_35 = arith.constant 0 : index
    %swap3A_36 = arith.constant 0 : index
    %swap3A_37 = vector.load %arg4[%swap3A_35, %swap3A_36] : memref<2x4096xf32, #tpu.memory_space<vmem>>, vector<2x4096xf32>
    tpu.vector_store %arg4[%swap3A_35, %swap3A_36], %concatenate3A {strides = array<i32>} : memref<2x4096xf32, #tpu.memory_space<vmem>>, vector<2x4096xf32>,
    %swap3A_38 = arith.constant 0 : index
    %swap3A_39 = arith.constant 0 : index
    %swap3A_40 = vector.load %arg5[%swap3A_38, %swap3A_39] : memref<2x4096xi32, #tpu.memory_space<vmem>>, vector<2x4096xi32>
    tpu.vector_store %arg5[%swap3A_38, %swap3A_39], %concatenate3A_34 {strides = array<i32>} : memref<2x4096xi32, #tpu.memory_space<vmem>>, vector<2x4096xi32>,
    return
  }
  func.func @transform_0(%arg0: i32) -> (i32, i32) {
    %c0_i32 = arith.constant 0 : i32
    %c0_i32_0 = arith.constant 0 : i32
    return %arg0, %c0_i32 : i32, i32
  }
  func.func @transform_1(%arg0: i32) -> (i32, i32) {
    %c0_i32 = arith.constant 0 : i32
    %c0_i32_0 = arith.constant 0 : i32
    %c0_i32_1 = arith.constant 0 : i32
    return %c0_i32, %c0_i32_0 : i32, i32
  }
  func.func @transform_2(%arg0: i32) -> (i32, i32) {
    %c0_i32 = arith.constant 0 : i32
    %c0_i32_0 = arith.constant 0 : i32
    return %arg0, %c0_i32 : i32, i32
  }
  func.func @transform_3(%arg0: i32) -> (i32, i32) {
    %c0_i32 = arith.constant 0 : i32
    %c0_i32_0 = arith.constant 0 : i32
    return %c0_i32, %arg0 : i32, i32
  }
  func.func @transform_4(%arg0: i32) -> (i32, i32) {
    %c0_i32 = arith.constant 0 : i32
    %c0_i32_0 = arith.constant 0 : i32
    return %c0_i32, %arg0 : i32, i32
  }
}

</mosaic_0001>

<sc_bundles>
// kernel: kernel.4.cloned.1.call-start
scs
__scs_entry_jumppad:
0x0: {  	(pc) =	sbr.rel $0x88, $3  }
0x1: {  	(tag) =	ssettag $0x0;
	lr =	simm.s32 $0x1  }
0x2: {  	[smem:$0x3F9F] =	sst lr;
	_ =	strace $0xD0000000  }
0x3: {  	_ = 	snop  }
0x4: {  	_ = 	snop  }
0x5: {  	_ = 	snop  }
0x6: {  	_ = 	snop  }
0x7: {  	_ = 	snop  }
__scs_overlays_trampoline_lowered:
0x8: {  	[smem:$0x3FAE] =	sst s0  }
0x9: {  	[smem:$0x3FAF] =	sst s1  }
0xa: {  	[smem:$0x3FB0] =	sst s2  }
0xb: {  	[smem:$0x3FB1] =	sst s3  }
0xc: {  	[smem:$0x3FB2] =	sst s4  }
0xd: {  	[smem:$0x3FB3] =	sst s5  }
0xe: {  	[smem:$0x3FB4] =	sst s6  }
0xf: {  	[smem:$0x3FB5] =	sst s7  }
0x10: {  	[smem:$0x3FB6] =	sst s8  }
0x11: {  	[smem:$0x3FB7] =	sst s9;
	s0 =	simm.s32 @!p0 $0x0  }
0x12: {  	s1 =	sld [smem:$0x3F9D];
	s0 =	simm.s32 @p0 $0x1  }
0x13: {  	[smem:$0x3FB8] =	sst s0;
	s0 =	simm.s32 @!p1 $0x0  }
0x14: {  	s2 =	sld [smem:$0x3F9C];
	s0 =	simm.s32 @p1 $0x1  }
0x15: {  	[smem:$0x3FB9] =	sst s0;
	s0 =	simm.s32 @!p2 $0x0  }
0x16: {  	s3 =	sld [smem:$0x3FDB];
	s0 =	simm.s32 @p2 $0x1  }
0x17: {  	s4 =	simm.s32 $0x1BF5;
	[smem:$0x3FBB] =	sst s0  }
0x18: {  	s0 =	sld [smem:$0x3F9E];
	_ =	swait.ge [sflag:s4], $0x0  }
0x19: {  	s7 =	sld [smem:$0x3F9F]  }
0x1a: {  	s8 =	sadd.s32 $0xFFFFE003, lr  }
0x1b: {  	s9 =	sadd.s32 $0xFFFFFEF7, lr;
	s5 =	simm.s32 $0xFFFFFFFF;
	p2 =	slt.u32 s8, $0xFFFFF086  }
0x1c: {  	p1 =	slt.u32 s9, $0xF7A;
	s5 =	simm.s32 @!p2 $0x0  }
0x1d: {  	s5 =	simm.s32 @p1 $0x1;
	p0 =	seq.s32 s7, s2  }
0x1e: {  	s7 =	smul.u32 @!p0 $0xF7A, s2;
	p2 =	seq.s32 @!p0 s5, $0x0  }
0x1f: {  	s9 =	smul.u32 $0xF7A, s1;
	s8 =	simm.s32 @!p0 $0x1BF5;
	p2 =	por !p2, p0  }
0x20: {  	[sflag:s8] =	ssyncset.s32 @!p0 $0xFFFFF086;
	s6 =	sadd.s32 @!p0 s3, s7;
	s7 =	simm.s32 @!p0 $0x108  }
0x21: {  	s3 =	sadd.s32 s3, s9;
	s6 =	sadd.s32 @!p0 $0x88, s6;
	s7 =	simm.s32 @p2 $0x1082  }
0x22: {  	[simem:s7], [sflag:s8] =	dma.local @!p0 [hbm:s6], $0xF7A  }
0x23: {  	s9 =	sor.u32 $0xD0000000, s2;
	s6 =	simm.s32 $0x108;
	_ =	swait.ge @!p0 [sflag:s8], $0x0  }
0x24: {  	s3 =	sadd.s32 $0x88, s3;
	s6 =	simm.s32 @!p1 $0x1082;
	[sflag:s4] =	ssyncset.s32 $0xFFFFF086  }
0x25: {  	[simem:s6], [sflag:s4] =	dma.local [hbm:s3], $0xF7A  }
0x26: {  	[smem:$0x3F9F] =	sst s1;
	(tag) =	ssettag s2;
	_ =	strace s9  }
0x27: {  	s1 =	sld [smem:$0x3FAF]  }
0x28: {  	s2 =	sld [smem:$0x3FB0]  }
0x29: {  	s4 =	sld [smem:$0x3FB2]  }
0x2a: {  	p0 =	seq.s32 s5, $0x0;
	s5 =	sld [smem:$0x3FB3]  }
0x2b: {  	s6 =	sld [smem:$0x3FB4]  }
0x2c: {  	s7 =	sld [smem:$0x3FB5]  }
0x2d: {  	s3 =	simm.s32 $0x108;
	s8 =	sld [smem:$0x3FB6]  }
0x2e: {  	s3 =	simm.s32 @!p0 $0x1082;
	s9 =	sld [smem:$0x3FB7]  }
0x2f: {  	lr =	sadd.s32 s0, s3;
	s0 =	sld [smem:$0x3FAE]  }
0x30: {  	s3 =	sld [smem:$0x3FB1]  }
0x31: {  	[smem:$0x3FBA] =	sst s10  }
0x32: {  	s10 =	sld [smem:$0x3FB8];
	_ =	sdelay $0x3  }
0x33: {  	p0 =	seq.s32 s10, $0x1;
	s10 =	sld [smem:$0x3FBA];
	_ =	sdelay $0x3  }
0x34: {  	[smem:$0x3FBA] =	sst s10  }
0x35: {  	s10 =	sld [smem:$0x3FB9];
	_ =	sdelay $0x3  }
0x36: {  	p1 =	seq.s32 s10, $0x1;
	s10 =	sld [smem:$0x3FBA];
	_ =	sdelay $0x3  }
0x37: {  	[smem:$0x3FBA] =	sst s10  }
0x38: {  	s10 =	sld [smem:$0x3FBB]  }
0x39: {  	_ = 	snop;
	(pc) =	sbr.ind lr, $3  }
0x3a: {  	_ = 	snop  }
0x3b: {  	_ = 	snop  }
0x3c: {  	p2 =	seq.s32 s10, $0x1;
	s10 =	sld [smem:$0x3FBA]  }
0x3d: {  	_ =	shalt  }
0x3e: {  	_ =	shalt  }
0x3f: {  	_ =	shalt  }
0x40: {  	_ =	shalt  }
0x41: {  	_ =	shalt  }
0x42: {  	_ =	shalt  }
0x43: {  	_ =	shalt  }
0x44: {  	_ =	shalt  }
0x45: {  	_ =	shalt  }
0x46: {  	_ =	shalt  }
0x47: {  	_ =	shalt  }
0x48: {  	_ =	shalt  }
0x49: {  	_ =	shalt  }
0x4a: {  	_ =	shalt  }
0x4b: {  	_ =	shalt  }
0x4c: {  	_ =	shalt  }
0x4d: {  	_ =	shalt  }
0x4e: {  	_ =	shalt  }
0x4f: {  	_ =	shalt  }
0x50: {  	_ =	shalt  }
0x51: {  	_ =	shalt  }
0x52: {  	_ =	shalt  }
0x53: {  	_ =	shalt  }
0x54: {  	_ =	shalt  }
0x55: {  	_ =	shalt  }
0x56: {  	_ =	shalt  }
0x57: {  	_ =	shalt  }
0x58: {  	_ =	shalt  }
0x59: {  	_ =	shalt  }
0x5a: {  	_ =	shalt  }
0x5b: {  	_ =	shalt  }
0x5c: {  	_ =	shalt  }
0x5d: {  	_ =	shalt  }
0x5e: {  	_ =	shalt  }
0x5f: {  	_ =	shalt  }
0x60: {  	_ =	shalt  }
0x61: {  	_ =	shalt  }
0x62: {  	_ =	shalt  }
0x63: {  	_ =	shalt  }
0x64: {  	_ =	shalt  }
0x65: {  	_ =	shalt  }
0x66: {  	_ =	shalt  }
0x67: {  	_ =	shalt  }
0x68: {  	_ =	shalt  }
0x69: {  	_ =	shalt  }
0x6a: {  	_ =	shalt  }
0x6b: {  	_ =	shalt  }
0x6c: {  	_ =	shalt  }
0x6d: {  	_ =	shalt  }
0x6e: {  	_ =	shalt  }
0x6f: {  	_ =	shalt  }
0x70: {  	_ =	shalt  }
0x71: {  	_ =	shalt  }
0x72: {  	_ =	shalt  }
0x73: {  	_ =	shalt  }
0x74: {  	_ =	shalt  }
0x75: {  	_ =	shalt  }
0x76: {  	_ =	shalt  }
0x77: {  	_ =	shalt  }
0x78: {  	_ =	shalt  }
0x79: {  	_ =	shalt  }
0x7a: {  	_ =	shalt  }
0x7b: {  	_ =	shalt  }
0x7c: {  	_ =	shalt  }
0x7d: {  	_ =	shalt  }
0x7e: {  	_ =	shalt  }
0x7f: {  	_ =	shalt  }
0x80: {  	_ =	shalt  }
0x81: {  	_ =	shalt  }
0x82: {  	_ =	shalt  }
0x83: {  	_ =	shalt  }
0x84: {  	_ =	shalt  }
0x85: {  	_ =	shalt  }
0x86: {  	_ =	shalt  }
0x87: {  	_ =	shalt  }
.Lfunc_end0:
.L_simem_size_0:
called_computation_lowered:
.L_overlay_start_0:
0x88: {  	s2 =	sld [smem:$0x3FD9]  }
0x89: {  	s3 =	sld [smem:$0x3FFE];
	_ =	sdelay $0x1  }
0x8a: {  	s1 =	srdreg.scid  }
0x8b: {  	s0 =	sand.u32 $0x1, s1  }
0x8c: {  	s14 =	sshll.u32 s0, $0xA;
	s2 =	sadd.s32 s3, s2  }
0x8d: {  	s2 =	sadd.s32 s2, s14  }
0x8e: {  	[smem:$0x3FC6] =	sst s2  }
0x8f: {  	_ = 	snop  }
0x90: {  	s2 =	sld [smem:$0x3FD0];
	_ =	sdelay $0x2  }
0x91: {  	s15 =	simm.s32 $0xA;
	s4 =	simm.s32 $0x10  }
0x92: {  	[smem:s4], [sflag:s15] =	dma.local [hbm:s2], $0x1  }
0x93: {  	_ =	swait.eq [sflag:s15], $0x1  }
0x94: {  	s16 =	sld [smem:$0x10];
	[sflag:s15] =	ssyncset.done $0x0  }
0x95: {  	s17 =	sld [smem:$0x11];
	[sflag:s15] =	ssyncadd.s32 $0xFFFFFFFF  }
0x96: {  	s18 =	sld [smem:$0x12];
	(tm) =	ssettm $0x1  }
0x97: {  	s5 =	sld [smem:$0x3FFB];
	_ =	sdelay $0x3  }
0x98: {  	_ =	strace s5  }
0x99: {  	s5 =	sld [smem:$0x3FFC];
	_ =	sdelay $0x3  }
0x9a: {  	_ =	strace s5  }
0x9b: {  	s5 =	sld [smem:$0x3FFD];
	_ =	sdelay $0x3  }
0x9c: {  	_ =	strace s5  }
0x9d: {  	_ =	strace $0x8FFFFFFF  }
0x9e: {  	s19 =	sld [smem:$0x3FDB];
	_ =	sdelay $0x1  }
0x9f: {  	s6 =	simm.s32 $_scs_section_size  }
0xa0: {  	s7 =	simm.s32 $_size__tile_overlayer_lowered;
	s8 =	simm.s32 $_tile_overlayer_lowered  }
0xa1: {  	s22 =	simm.s32 $0x1BFF;
	s21 =	sshll.u32 s8, $0x1;
	s5 =	sadd.s32 s6, s19  }
0xa2: {  	s9 =	simm.s32 $0x0;
	s20 =	sshll.u32 s7, $0x1;
	s7 =	sadd.s32 s21, s5  }
0xa3: {  	[timem:s9], [sflag:s22] =	dma.local [hbm:s7], s20  }
0xa4: {  	_ =	swait.ge [sflag:s22], s20  }
0xa5: {  	s6 =	ssub.s32 $0x0, s20;
	[sflag:s22] =	ssyncset.done $0x0  }
0xa6: {  	[sflag:s22] =	ssyncadd.s32 s6;
	_ =	sdelay $0x1  }
0xa7: {  	s23 =	simm.s32 $0x1B8B  }
0xa8: {  	_ =	swait.ge [sflag:s23], $0x1  }
0xa9: {  	[sflag:s23] =	ssyncset.done $0x0  }
0xaa: {  	s25 =	simm.s32 $0x1B8E;
	s24 =	sld [smem:$0x3FFE];
	[sflag:s23] =	ssyncadd.s32 $0xFFFFFFFF  }
0xab: {  	s26 =	simm.s32 $execute0_lowered;
	[smem:$0x3FD2] =	sst s25  }
0xac: {  	s7 =	sshll.u32 s26, $0x1;
	_ =	strace $0x80000046;
	[dreg:$0x1] =	wrdreg $0xFFFFFFFF  }
0xad: {  	s28 =	simm.s32 $_size_execute0_lowered;
	s5 =	sadd.s32 s5, s7;
	[dreg:$0x0] =	wrdreg $0x0  }
0xae: {  	s7 =	sshll.u32 s28, $0x1;
	[dreg:$0x2] =	wrdreg s5  }
0xaf: {  	[dreg:$0x3] =	wrdreg s7  }
0xb0: {  	[dreg:$0x4] =	wrdreg $0xC0  }
0xb1: {  	_ =	task [dreg:s9], $0x5FFFF  }
0xb2: {  	[dreg:$0x1] =	wrdreg $0xFFFFFFFF  }
0xb3: {  	[dreg:$0x0] =	wrdreg $0x60  }
0xb4: {  	[dreg:$0x2] =	wrdreg s24  }
0xb5: {  	[dreg:$0x3] =	wrdreg s18  }
0xb6: {  	[dreg:$0x4] =	wrdreg s17  }
0xb7: {  	[dreg:$0x5] =	wrdreg s16  }
0xb8: {  	[dreg:$0x6] =	wrdreg $0x9  }
0xb9: {  	_ =	task.clear_ibuf [dreg:s9], $0x7FFFF;
	_ =	strace $0x90000046  }
0xba: {  	s29 =	simm.s32 $0x9;
	_ =	strace $0x80000048  }
0xbb: {  	_ =	swait.ge [sflag:s29], $0x1  }
0xbc: {  	[sflag:s29] =	ssyncadd.s32 $0xFFFFFFFF  }
0xbd: {  	_ =	strace $0x90000048  }
0xbe: {  	_ =	sfence  }
0xbf: {  	s30 =	sld [smem:$0x0];
	_ =	sdelay $0x2  }
0xc0: {  	s31 =	sshll.u32 s1, $0xD;
	s1 =	sshrl.u32 s1, $0x2  }
0xc1: {  	s3 =	sand.u32 $0x4000, s31;
	s1 =	sadd.s32 s1, s30  }
0xc2: {  	s0 =	sor.u32 s3, s0;
	s1 =	sshll.u32 s1, $0x11  }
0xc3: {  	s0 =	sor.u32 s1, s0  }
0xc4: {  	s0 =	sadd.s32 $0x8F2B, s0  }
0xc5: {  	[sflag:s0] =	ssyncadd.remote.s32 $0x1  }
0xc6: {  	_ =	sfence.sel $0xFFFF  }
0xc7: {  	[dreg:$0x0] =	wrdreg $0xFFFFFFFF;
	(pc) =	sbr.abs _section_cstart, $3  }
0xc8: {  	[dreg:$0x1] =	wrdreg $0xFFFFFFFF  }
0xc9: {  	_ =	task.clear_ibuf [dreg:s9], $0x2FFFF;
	_ =	strace $0x9FFFFFFF  }
0xca: {  	(tm) =	ssettm $0x7FFFFFFF  }
0xcb: {  	_ =	shalt  }
tec
execute0_lowered:
.L_overlay_start_1:
0x0: {  	(tag) =	ssettag $0x1  }
0x1: {  	s5 =	rddreg [dreg:$0x0]  }
0x2: {  	s6 =	rddreg [dreg:$0x1]  }
0x3: {  	s7 =	rddreg [dreg:$0x2]  }
0x4: {  	s8 =	rddreg [dreg:$0x3]  }
0x5: {  	s0 =	rddreg [dreg:$0x4];
	s3 =	srdreg.scid;
	v0 =	vlaneseq.u32  }
0x6: {  	s2 =	simm.s32 $0x0;
	s1 =	stileid.u32;
	s12 =	simm.s32 $0x4800;
	v0 =	vmul.u32 $0x10, v0  }
0x7: {  	s13 =	simm.s32 $0x100;
	s14 =	simm.s32 $0x2000;
	s15 =	simm.s32 $0x5000  }
0x8: {  	s16 =	simm.s32 $0x5800;
	s17 =	simm.s32 $0x5A00;
	[smem:$0x7FF] =	sst s2;
	v1 =	vor.u32 $0x100, v0  }
0x9: {  	s18 =	simm.s32 $0x0;
	s3 =	sand.u32 $0x1, s3;
	_ =	strace $0x80000047;
	[tilespmem:$0x1FFA0] =	vst v1;
	v1 =	vor.u32 $0x200, v0  }
0xa: {  	s4 =	sshll.u32 s1, $0x9;
	s9 =	sshll.u32 s3, $0x8;
	s10 =	ssub.s32 $0x2, s3;
	[tilespmem:$0x1FFB0] =	vst v1;
	v1 =	vor.u32 $0x300, v0  }
0xb: {  	s3 =	sor.u32 s9, s4;
	s4 =	sadd.s32 $0xC00, s5;
	s31 =	sshrl.u32 s10, $0x1;
	[tilespmem:$0x1FFC0] =	vst v1;
	v1 =	vor.u32 $0x400, v0  }
0xc: {  	s5 =	sadd.s32 $0x300C00, s5;
	s11 =	sshrl.u32 s3, $0x3;
	s9 =	ssub.s32 s10, s31;
	[tilespmem:$0x1FFD0] =	vst v1;
	v1 =	vor.u32 $0x500, v0  }
0xd: {  	s10 =	simm.s32 $0x1;
	s6 =	sadd.s32 s6, s11;
	s7 =	sadd.s32 s7, s11;
	[tilespmem:$0x1FFE0] =	vst v1;
	v1 =	vor.u32 $0x600, v0  }
0xe: {  	s8 =	sadd.s32 s8, s11;
	s9 =	smax.u32 s9, $0x1;
	s11 =	simm.s32 $0x1800;
	[tilespmem:$0x1FFF0] =	vst v1  }
.LBB2_1:
0xf: {  	[tilespmem:s2], [sflag:$0x1] =	stream.linear.gather [hbm4b:s5+s2], $0x1800, $0x38;
	[tilespmem:$0x5C00] =	vst v63  }
0x10: {  	_ =	swait.ge [sflag:s10], $0x1800  }
0x11: {  	[sflag:s10] =	ssyncset.done $0x0  }
0x12: {  	s20 =	simm.s32 $0xFFFFFD00;
	[sflag:s10] =	ssyncadd.s32 $0xFFFFE800  }
0x13: {  	v9 =	vld [tilespmem:s20+$0xC00];
	_ =	sdelay $0x1  }
0x14: {  	v12 =	vld [tilespmem:s20+$0x1500]  }
0x15: {  	v11 =	vld [tilespmem:s20+$0x1800];
	_ =	sdelay $0x1  }
0x16: {  	v13 =	vld [tilespmem:s20+$0x1200];
	v10 =	vshrl.u32 v9, $0x10  }
0x17: {  	v14 =	vand.u32 $0x1, v10  }
0x18: {  	v8 =	vld [tilespmem:s20+$0x600];
	v9 =	vadd.s32 v14, v9;
	v14 =	vshrl.u32 v12, $0x10  }
0x19: {  	v15 =	vshrl.u32 v11, $0x10;
	v10 =	vld [tilespmem:s20+$0x300];
	v17 =	vadd.s32 $0x7FFF, v9;
	v9 =	vand.u32 $0x1, v14  }
0x1a: {  	v14 =	vand.u32 $0x1, v15;
	v12 =	vadd.s32 v9, v12;
	v9 =	vld [tilespmem:s20+$0x900]  }
0x1b: {  	v15 =	vshrl.u32 v13, $0x10;
	v11 =	vadd.s32 v14, v11  }
0x1c: {  	v14 =	vand.u32 $0x1, v15;
	v12 =	vadd.s32 $0x7FFF, v12;
	v15 =	vadd.s32 $0x7FFF, v11;
	v11 =	vld [tilespmem:s20+$0xF00]  }
0x1d: {  	v13 =	vadd.s32 v14, v13;
	v14 =	vshrl.u32 v8, $0x10;
	v18 =	vand.u32 $0xFFFF0000, v12  }
0x1e: {  	s21 =	simm.s32 $0xFFFFF440;
	v12 =	vand.u32 $0xFFFF0000, v15;
	v16 =	vshrl.u32 v10, $0x10;
	v15 =	vand.u32 $0xFFFF0000, v17;
	[tilespmem:s20+$0x1500] =	vst v18  }
.LBB2_2:
0x1f: {  	s19 =	sshra.s32 s21, $0x2;
	p0 =	sne.s32 s21, $0xFFFFFFC0;
	s21 =	sadd.s32 $0x40, s21;
	v16 =	vand.u32 $0x1, v16;
	v17 =	vshrl.u32 v9, $0x10;
	[tilespmem:s20+$0xC00] =	vst v15;
	v13 =	vadd.s32 $0x7FFF, v13  }
0x20: {  	v14 =	vand.u32 $0x1, v14;
	v15 =	vld [tilespmem:s19+$0xC00];
	v10 =	vadd.s32 v16, v10;
	v16 =	vand.u32 $0x1, v17;
	[tilespmem:s20+$0x1800] =	vst v12  }
0x21: {  	v8 =	vadd.s32 v14, v8;
	v12 =	vld [tilespmem:s19+$0x1800];
	v10 =	vadd.s32 $0x7FFF, v10;
	v14 =	vshrl.u32 v11, $0x10  }
0x22: {  	v13 =	vand.u32 $0xFFFF0000, v13;
	v17 =	vld [tilespmem:s19+$0x1500];
	v10 =	vand.u32 $0xFFFF0000, v10;
	v14 =	vand.u32 $0x1, v14  }
0x23: {  	v8 =	vadd.s32 $0x7FFF, v8;
	v9 =	vadd.s32 v16, v9;
	v11 =	vadd.s32 v14, v11;
	[tilespmem:s20+$0x1200] =	vst v13  }
0x24: {  	v8 =	vand.u32 $0xFFFF0000, v8;
	v9 =	vadd.s32 $0x7FFF, v9;
	v13 =	vld [tilespmem:s19+$0x1200];
	[tilespmem:s20+$0x300] =	vst v10;
	v10 =	vadd.s32 $0x7FFF, v11  }
0x25: {  	v9 =	vand.u32 $0xFFFF0000, v9;
	v11 =	vshrl.u32 v15, $0x10;
	[tilespmem:s20+$0x600] =	vst v8;
	v10 =	vand.u32 $0xFFFF0000, v10  }
0x26: {  	v8 =	vld [tilespmem:s19+$0x600];
	v11 =	vand.u32 $0x1, v11;
	[tilespmem:s20+$0xF00] =	vst v10  }
0x27: {  	v10 =	vld [tilespmem:s19+$0x300];
	v11 =	vadd.s32 v11, v15;
	v14 =	vshrl.u32 v17, $0x10;
	v15 =	vshrl.u32 v12, $0x10;
	[tilespmem:s20+$0x900] =	vst v9;
	s20 =	smov.u32 s19  }
.Ltmp0:
0x28: {  	v9 =	vld [tilespmem:s20+$0x900];
	v18 =	vadd.s32 $0x7FFF, v11;
	v11 =	vand.u32 $0x1, v14;
	v14 =	vand.u32 $0x1, v15;
	(pc) =	sbr.rel @p0 .LBB2_2-.Ltmp0, $4  }
0x29: {  	v15 =	vshrl.u32 v13, $0x10;
	v16 =	vadd.s32 v11, v17;
	v12 =	vadd.s32 v14, v12  }
0x2a: {  	v11 =	vld [tilespmem:s20+$0xF00];
	v14 =	vand.u32 $0x1, v15;
	v15 =	vadd.s32 $0x7FFF, v16;
	v12 =	vadd.s32 $0x7FFF, v12  }
0x2b: {  	v13 =	vadd.s32 v14, v13;
	v17 =	vand.u32 $0xFFFF0000, v15;
	v12 =	vand.u32 $0xFFFF0000, v12  }
0x2c: {  	s19 =	simm.s32 $0x0;
	v14 =	vshrl.u32 v8, $0x10;
	v15 =	vand.u32 $0xFFFF0000, v18;
	v16 =	vshrl.u32 v10, $0x10;
	[tilespmem:s20+$0x1500] =	vst v17  }
0x2d: {  	v16 =	vand.u32 $0x1, v16;
	v17 =	vshrl.u32 v9, $0x10  }
0x2e: {  	v13 =	vadd.s32 $0x7FFF, v13;
	v14 =	vand.u32 $0x1, v14;
	v10 =	vadd.s32 v16, v10  }
0x2f: {  	[tilespmem:s20+$0xC00] =	vst v15;
	v57 =	vand.u32 $0x1, v17;
	v8 =	vadd.s32 v14, v8;
	v13 =	vand.u32 $0xFFFF0000, v13  }
0x30: {  	[tilespmem:s20+$0x1800] =	vst v12;
	v10 =	vadd.s32 $0x7FFF, v10;
	v58 =	vshrl.u32 v11, $0x10;
	v8 =	vadd.s32 $0x7FFF, v8  }
0x31: {  	[tilespmem:s20+$0x1200] =	vst v13;
	v61 =	vadd.s32 v57, v9;
	v59 =	vand.u32 $0x1, v58;
	v10 =	vand.u32 $0xFFFF0000, v10  }
0x32: {  	v8 =	vand.u32 $0xFFFF0000, v8;
	v9 =	vadd.s32 $0x7FFF, v61;
	v60 =	vadd.s32 v59, v11;
	[tilespmem:s20+$0x300] =	vst v10  }
0x33: {  	[tilespmem:s20+$0x600] =	vst v8;
	v9 =	vand.u32 $0xFFFF0000, v9;
	v62 =	vadd.s32 $0x7FFF, v60  }
0x34: {  	[tilespmem:s20+$0x900] =	vst v9;
	v63 =	vand.u32 $0xFFFF0000, v62  }
0x35: {  	[tilespmem:s20+$0xF00] =	vst v63;
	s20 =	simm.s32 $0x0  }
.LBB2_4:
0x36: {  	s21 =	sshll.u32 s20, $0x4  }
0x37: {  	s22 =	sadd.s32 s3, s21  }
0x38: {  	s22 =	smul.u32 $0x300, s22;
	_ =	sdelay $0x1  }
0x39: {  	s22 =	sshrl.u32 s22, $0x3  }
0x3a: {  	s22 =	sadd.s32 s4, s22  }
0x3b: {  	s22 =	sadd.s32 $0x240000, s22  }
0x3c: {  	[tilespmem:s11], [sflag:$0x1] =	stream.linear.gather [hbm4b:s22+s19], $0x3000, $0x38;
	[tilespmem:$0x5C00] =	vst v63  }
0x3d: {  	_ =	swait.ge [sflag:s10], $0x3000  }
0x3e: {  	[sflag:s10] =	ssyncset.done $0x0  }
0x3f: {  	s31 =	simm.s32 $0x0;
	[sflag:s10] =	ssyncadd.s32 $0xFFFFD000  }
0x40: {  	v8 =	vld [tilespmem:s31+$0x2100]  }
0x41: {  	v9 =	vld [tilespmem:s31+$0x1E00]  }
0x42: {  	v10 =	vld [tilespmem:s31+$0x1B00];
	_ =	sdelay $0x1  }
0x43: {  	v12 =	vimm.f32 $0.0e+00;
	v46 =	vimm.f32 $0.0e+00;
	v38 =	vimm.f32 $0.0e+00;
	v11 =	vld [tilespmem:s31+$0x1800]  }
0x44: {  	v40 =	vimm.f32 $0.0e+00;
	v45 =	vimm.f32 $0.0e+00;
	v37 =	vimm.f32 $0.0e+00  }
0x45: {  	v44 =	vimm.f32 $0.0e+00;
	v43 =	vimm.f32 $0.0e+00;
	v48 =	vimm.f32 $0.0e+00;
	v28 =	vld [tilespmem:s31+$0xF00]  }
0x46: {  	v17 =	vld [tilespmem:s31+$0x300];
	v13 =	vshrl.u32 v9, $0x10;
	v14 =	vshrl.u32 v8, $0x10;
	v15 =	vshrl.u32 v10, $0x10  }
0x47: {  	v23 =	vld [tilespmem:s31+$0x900];
	v13 =	vand.u32 $0x1, v13;
	v14 =	vand.u32 $0x1, v14;
	v15 =	vand.u32 $0x1, v15  }
0x48: {  	v26 =	vld [tilespmem:s31+$0x1200];
	v9 =	vadd.s32 v13, v9;
	v8 =	vadd.s32 v14, v8;
	v13 =	vshrl.u32 v11, $0x10  }
0x49: {  	v49 =	vld [tilespmem:s31+$0xC00];
	v10 =	vadd.s32 v15, v10;
	v13 =	vand.u32 $0x1, v13;
	v8 =	vadd.s32 $0x7FFF, v8  }
0x4a: {  	v10 =	vadd.s32 $0x7FFF, v10;
	v11 =	vadd.s32 v13, v11;
	v19 =	vand.u32 $0xFFFF0000, v8  }
0x4b: {  	v41 =	vld [tilespmem:s31+$0x600];
	v9 =	vadd.s32 $0x7FFF, v9;
	v8 =	vadd.s32 $0x7FFF, v11;
	v11 =	vmul.f32 v19, v28  }
0x4c: {  	v14 =	vld [tilespmem:s31+$0x1500];
	v31 =	vand.u32 $0xFFFF0000, v10;
	v13 =	vmul.f32 v19, v17;
	v10 =	vmul.f32 v19, v23  }
0x4d: {  	v15 =	vld [tilespmem:s31+$0x0];
	v39 =	vand.u32 $0xFFFF0000, v9;
	v16 =	vmul.f32 v31, v23;
	v18 =	vmul.f32 v19, v26  }
0x4e: {  	v36 =	vimm.f32 $0.0e+00;
	v30 =	vmul.f32 v39, v49;
	v32 =	vmul.f32 v31, v17  }
0x4f: {  	v47 =	vimm.f32 $0.0e+00;
	v55 =	vmul.f32 v31, v49;
	v52 =	vmul.f32 v31, v28  }
0x50: {  	v54 =	vmul.f32 v31, v26;
	v53 =	vmul.f32 v39, v28;
	v42 =	vand.u32 $0xFFFF0000, v8  }
0x51: {  	v8 =	vadd.f32 v11, v12;
	v11 =	vmul.f32 v19, v14;
	v20 =	vmul.f32 v42, v41  }
0x52: {  	v51 =	vmul.f32 v42, v15;
	v25 =	vadd.f32 v16, v12;
	v16 =	vmul.f32 v39, v26  }
0x53: {  	v10 =	vadd.f32 v10, v12;
	v50 =	vmul.f32 v42, v14;
	v21 =	vmul.f32 v39, v15  }
0x54: {  	v13 =	vadd.f32 v13, v12;
	v27 =	vmul.f32 v19, v15;
	v29 =	vmul.f32 v31, v15  }
0x55: {  	v34 =	vadd.f32 v32, v12;
	v32 =	vimm.f32 $0.0e+00;
	v9 =	vadd.f32 v11, v12  }
0x56: {  	v11 =	vadd.f32 v18, v12;
	v18 =	vmul.f32 v19, v41;
	v35 =	vadd.f32 v20, v12  }
0x57: {  	v20 =	vmul.f32 v39, v41;
	v16 =	vadd.f32 v16, v12;
	v24 =	vadd.f32 v21, v12  }
0x58: {  	v21 =	vadd.f32 v30, v12;
	v33 =	vadd.f32 v29, v12;
	v19 =	vmul.f32 v19, v49  }
0x59: {  	v30 =	vimm.f32 $0.0e+00;
	v22 =	vadd.f32 v20, v12;
	v20 =	vmul.f32 v39, v14  }
0x5a: {  	v29 =	vimm.f32 $0.0e+00;
	v15 =	vadd.f32 v18, v12;
	v18 =	vadd.f32 v27, v12  }
0x5b: {  	s22 =	simm.s32 $0x40;
	v19 =	vadd.f32 v19, v12;
	v27 =	vimm.f32 $0.0e+00;
	v20 =	vadd.f32 v20, v12  }
.LBB2_5:
0x5c: {  	s23 =	sshra.s32 s22, $0x2;
	p0 =	sne.s32 s22, $0xBC0;
	s22 =	sadd.s32 $0x40, s22;
	v41 =	vmul.f32 v31, v41;
	v12 =	vadd.f32 v55, v12;
	v55 =	vmul.f32 v39, v17  }
0x5d: {  	v57 =	vmul.f32 v42, v26;
	v56 =	vld [tilespmem:s23+$0x2100];
	v32 =	vadd.f32 v54, v32;
	v27 =	vadd.f32 v53, v27  }
0x5e: {  	v46 =	vadd.f32 v51, v46;
	v26 =	vmul.f32 v39, v23;
	v53 =	vld [tilespmem:s23+$0x1E00];
	v38 =	vadd.f32 v41, v38  }
0x5f: {  	v23 =	vmul.f32 v42, v23;
	v40 =	vadd.f32 v50, v40;
	v30 =	vadd.f32 v55, v30;
	v39 =	vld [tilespmem:s23+$0x1B00]  }
0x60: {  	v49 =	vmul.f32 v42, v49;
	v28 =	vmul.f32 v42, v28;
	v29 =	vadd.f32 v26, v29;
	v41 =	vld [tilespmem:s23+$0x1800]  }
0x61: {  	v17 =	vmul.f32 v42, v17;
	v37 =	vadd.f32 v52, v37;
	v45 =	vadd.f32 v23, v45;
	v26 =	vld [tilespmem:s23+$0x1200]  }
0x62: {  	v44 =	vadd.f32 v28, v44;
	v43 =	vadd.f32 v57, v43;
	v23 =	vmul.f32 v31, v14;
	v14 =	vld [tilespmem:s23+$0x1500]  }
0x63: {  	v48 =	vadd.f32 v17, v48;
	v31 =	vshrl.u32 v56, $0x10;
	v28 =	vshrl.u32 v53, $0x10;
	v52 =	vld [tilespmem:s23+$0x0]  }
0x64: {  	v36 =	vadd.f32 v23, v36;
	v31 =	vand.u32 $0x1, v31;
	v17 =	vand.u32 $0x1, v28;
	v28 =	vld [tilespmem:s23+$0xF00]  }
0x65: {  	v23 =	vshrl.u32 v39, $0x10;
	v31 =	vadd.s32 v31, v56;
	v42 =	vadd.s32 v17, v53;
	v17 =	vld [tilespmem:s23+$0x300]  }
0x66: {  	v50 =	vshrl.u32 v41, $0x10;
	v51 =	vand.u32 $0x1, v23;
	v53 =	vadd.s32 $0x7FFF, v42;
	v23 =	vld [tilespmem:s23+$0x900]  }
0x67: {  	v31 =	vadd.s32 $0x7FFF, v31;
	v42 =	vand.u32 $0x1, v50;
	v39 =	vadd.s32 v51, v39  }
0x68: {  	v47 =	vadd.f32 v49, v47;
	v54 =	vand.u32 $0xFFFF0000, v31;
	v42 =	vadd.s32 v42, v41;
	v41 =	vld [tilespmem:s23+$0x600]  }
0x69: {  	v39 =	vadd.s32 $0x7FFF, v39;
	v31 =	vadd.s32 $0x7FFF, v42;
	v49 =	vmul.f32 v54, v28  }
0x6a: {  	v42 =	vand.u32 $0xFFFF0000, v31;
	v31 =	vand.u32 $0xFFFF0000, v39;
	v50 =	vmul.f32 v54, v17  }
0x6b: {  	v55 =	vmul.f32 v54, v14;
	v51 =	vmul.f32 v54, v23;
	v8 =	vadd.f32 v49, v8  }
0x6c: {  	v56 =	vmul.f32 v54, v26;
	v39 =	vand.u32 $0xFFFF0000, v53;
	v53 =	vmul.f32 v31, v23  }
0x6d: {  	v9 =	vadd.f32 v55, v9;
	v49 =	vld [tilespmem:s23+$0xC00];
	v57 =	vmul.f32 v42, v41;
	v10 =	vadd.f32 v51, v10  }
0x6e: {  	v11 =	vadd.f32 v56, v11;
	v51 =	vmul.f32 v42, v52;
	v25 =	vadd.f32 v53, v25  }
0x6f: {  	v13 =	vadd.f32 v50, v13;
	v53 =	vmul.f32 v39, v26;
	v55 =	vmul.f32 v54, v41  }
0x70: {  	v56 =	vmul.f32 v39, v52;
	v50 =	vmul.f32 v42, v14;
	v35 =	vadd.f32 v57, v35  }
0x71: {  	v57 =	vmul.f32 v39, v41;
	v16 =	vadd.f32 v53, v16;
	v53 =	vmul.f32 v54, v52  }
0x72: {  	v24 =	vadd.f32 v56, v24;
	v52 =	vmul.f32 v31, v52;
	v56 =	vmul.f32 v39, v49  }
.Ltmp1:
0x73: {  	v15 =	vadd.f32 v55, v15;
	v22 =	vadd.f32 v57, v22;
	v57 =	vmul.f32 v39, v14;
	(pc) =	sbr.rel @p0 .LBB2_5-.Ltmp1, $4  }
0x74: {  	v55 =	vmul.f32 v31, v17;
	v18 =	vadd.f32 v53, v18;
	v21 =	vadd.f32 v56, v21  }
0x75: {  	v33 =	vadd.f32 v52, v33;
	v20 =	vadd.f32 v57, v20;
	v56 =	vmul.f32 v54, v49  }
0x76: {  	v34 =	vadd.f32 v55, v34;
	v52 =	vmul.f32 v31, v28;
	v55 =	vmul.f32 v31, v49  }
0x77: {  	v53 =	vmul.f32 v39, v28;
	v54 =	vmul.f32 v31, v26;
	v19 =	vadd.f32 v56, v19  }
0x78: {  	v1 =	vld [tilespmem:$0x1FFA0];
	_ =	sdelay $0x3  }
0x79: {  	v56 =	vmul.f32 v42, v17  }
0x7a: {  	v46 =	vadd.f32 v51, v46  }
0x7b: {  	v48 =	vadd.f32 v56, v48  }
0x7c: {  	[tilespmem:v0+s12+$0x0] =	vst.idx.msk $0xffff, v46  }
0x7d: {  	[tilespmem:v1+s12+$0x0] =	vst.idx.msk $0xffff, v48;
	v1 =	vld [tilespmem:$0x1FFB0];
	_ =	sdelay $0x7  }
0x7e: {  	[tilespmem:v1+s12+$0x0] =	vst.idx.msk $0xffff, v35;
	v1 =	vld [tilespmem:$0x1FFC0];
	_ =	sdelay $0x3  }
0x7f: {  	v5 =	vmul.f32 v42, v23;
	_ =	sdelay $0x1  }
0x80: {  	v45 =	vadd.f32 v5, v45;
	_ =	sdelay $0x1  }
0x81: {  	[tilespmem:v1+s12+$0x0] =	vst.idx.msk $0xffff, v45;
	v1 =	vld [tilespmem:$0x1FFD0];
	_ =	sdelay $0x3  }
0x82: {  	v49 =	vmul.f32 v42, v49;
	_ =	sdelay $0x1  }
0x83: {  	v56 =	vadd.f32 v49, v47;
	_ =	sdelay $0x1  }
0x84: {  	[tilespmem:v1+s12+$0x0] =	vst.idx.msk $0xffff, v56;
	v1 =	vld [tilespmem:$0x1FFE0];
	_ =	sdelay $0x3  }
0x85: {  	v28 =	vmul.f32 v42, v28;
	_ =	sdelay $0x1  }
0x86: {  	v28 =	vadd.f32 v28, v44;
	_ =	sdelay $0x1  }
0x87: {  	[tilespmem:v1+s12+$0x0] =	vst.idx.msk $0xffff, v28;
	v1 =	vld [tilespmem:$0x1FFF0];
	_ =	sdelay $0x3  }
0x88: {  	v26 =	vmul.f32 v42, v26;
	v57 =	vor.u32 $0x700, v0  }
0x89: {  	v58 =	vor.u32 $0x1, v0  }
0x8a: {  	v59 =	vor.u32 $0x101, v0;
	v26 =	vadd.f32 v26, v43  }
0x8b: {  	v40 =	vadd.f32 v50, v40;
	v28 =	vor.u32 $0x201, v0  }
0x8c: {  	v41 =	vmul.f32 v31, v41;
	[tilespmem:v1+s12+$0x0] =	vst.idx.msk $0xffff, v26;
	v26 =	vor.u32 $0x301, v0  }
0x8d: {  	v60 =	vor.u32 $0x401, v0;
	[tilespmem:v57+s12+$0x0] =	vst.idx.msk $0xffff, v40  }
0x8e: {  	v61 =	vor.u32 $0x501, v0;
	v38 =	vadd.f32 v41, v38;
	[tilespmem:v58+s12+$0x0] =	vst.idx.msk $0xffff, v33  }
0x8f: {  	v62 =	vor.u32 $0x601, v0;
	[tilespmem:v59+s12+$0x0] =	vst.idx.msk $0xffff, v34  }
0x90: {  	v12 =	vadd.f32 v55, v12;
	[tilespmem:v28+s12+$0x0] =	vst.idx.msk $0xffff, v38;
	v28 =	vor.u32 $0x701, v0  }
0x91: {  	v37 =	vadd.f32 v52, v37;
	v14 =	vmul.f32 v31, v14;
	[tilespmem:v26+s12+$0x0] =	vst.idx.msk $0xffff, v25;
	v25 =	vor.u32 $0x2, v0  }
0x92: {  	v26 =	vadd.f32 v54, v32;
	[tilespmem:v60+s12+$0x0] =	vst.idx.msk $0xffff, v12;
	v12 =	vor.u32 $0x102, v0  }
0x93: {  	v17 =	vmul.f32 v39, v17;
	v31 =	vor.u32 $0x202, v0;
	v14 =	vadd.f32 v14, v36;
	[tilespmem:v61+s12+$0x0] =	vst.idx.msk $0xffff, v37  }
0x94: {  	[tilespmem:v62+s12+$0x0] =	vst.idx.msk $0xffff, v26;
	v26 =	vor.u32 $0x302, v0  }
0x95: {  	v23 =	vmul.f32 v39, v23;
	v17 =	vadd.f32 v17, v30;
	[tilespmem:v28+s12+$0x0] =	vst.idx.msk $0xffff, v14;
	v14 =	vor.u32 $0x402, v0  }
0x96: {  	[tilespmem:v25+s12+$0x0] =	vst.idx.msk $0xffff, v24;
	v24 =	vor.u32 $0x502, v0  }
0x97: {  	v23 =	vadd.f32 v23, v29;
	[tilespmem:v12+s12+$0x0] =	vst.idx.msk $0xffff, v17;
	v12 =	vor.u32 $0x602, v0  }
0x98: {  	v17 =	vor.u32 $0x702, v0;
	[tilespmem:v31+s12+$0x0] =	vst.idx.msk $0xffff, v22  }
0x99: {  	v22 =	vadd.f32 v53, v27;
	[tilespmem:v26+s12+$0x0] =	vst.idx.msk $0xffff, v23;
	v23 =	vor.u32 $0x3, v0  }
0x9a: {  	[tilespmem:v14+s12+$0x0] =	vst.idx.msk $0xffff, v21;
	v14 =	vor.u32 $0x103, v0  }
0x9b: {  	v21 =	vor.u32 $0x203, v0;
	[tilespmem:v24+s12+$0x0] =	vst.idx.msk $0xffff, v22  }
0x9c: {  	[tilespmem:v12+s12+$0x0] =	vst.idx.msk $0xffff, v16;
	v12 =	vor.u32 $0x303, v0  }
0x9d: {  	v16 =	vor.u32 $0x403, v0;
	[tilespmem:v17+s12+$0x0] =	vst.idx.msk $0xffff, v20  }
0x9e: {  	v17 =	vor.u32 $0x503, v0;
	[tilespmem:v23+s12+$0x0] =	vst.idx.msk $0xffff, v18  }
0x9f: {  	[tilespmem:v14+s12+$0x0] =	vst.idx.msk $0xffff, v13;
	v13 =	vor.u32 $0x603, v0  }
0xa0: {  	v14 =	vor.u32 $0x703, v0;
	[tilespmem:v21+s12+$0x0] =	vst.idx.msk $0xffff, v15  }
0xa1: {  	[tilespmem:v12+s12+$0x0] =	vst.idx.msk $0xffff, v10  }
0xa2: {  	[tilespmem:v16+s12+$0x0] =	vst.idx.msk $0xffff, v19  }
0xa3: {  	[tilespmem:v17+s12+$0x0] =	vst.idx.msk $0xffff, v8  }
0xa4: {  	[tilespmem:v13+s12+$0x0] =	vst.idx.msk $0xffff, v11  }
0xa5: {  	s22 =	simm.s32 $0x0;
	[tilespmem:v14+s12+$0x0] =	vst.idx.msk $0xffff, v9  }
0xa6: {  	v8 =	vld [tilespmem:s22+$0x2D00]  }
0xa7: {  	v9 =	vld [tilespmem:s22+$0x2A00]  }
0xa8: {  	v10 =	vld [tilespmem:s22+$0x2700];
	_ =	sdelay $0x1  }
0xa9: {  	v47 =	vimm.f32 $0.0e+00;
	v44 =	vimm.f32 $0.0e+00;
	v43 =	vimm.f32 $0.0e+00;
	v11 =	vld [tilespmem:s22+$0x2400]  }
0xaa: {  	v36 =	vimm.f32 $0.0e+00;
	v46 =	vimm.f32 $0.0e+00;
	v48 =	vimm.f32 $0.0e+00  }
0xab: {  	v45 =	vimm.f32 $0.0e+00;
	v40 =	vimm.f32 $0.0e+00;
	v38 =	vimm.f32 $0.0e+00;
	v28 =	vld [tilespmem:s22+$0xF00]  }
0xac: {  	v17 =	vld [tilespmem:s22+$0x300];
	v13 =	vshrl.u32 v9, $0x10;
	v14 =	vshrl.u32 v8, $0x10;
	v15 =	vshrl.u32 v10, $0x10  }
0xad: {  	v23 =	vld [tilespmem:s22+$0x900];
	v13 =	vand.u32 $0x1, v13;
	v14 =	vand.u32 $0x1, v14;
	v15 =	vand.u32 $0x1, v15  }
0xae: {  	v26 =	vld [tilespmem:s22+$0x1200];
	v9 =	vadd.s32 v13, v9;
	v8 =	vadd.s32 v14, v8;
	v13 =	vshrl.u32 v11, $0x10  }
0xaf: {  	v49 =	vld [tilespmem:s22+$0xC00];
	v10 =	vadd.s32 v15, v10;
	v13 =	vand.u32 $0x1, v13;
	v8 =	vadd.s32 $0x7FFF, v8  }
0xb0: {  	v10 =	vadd.s32 $0x7FFF, v10;
	v11 =	vadd.s32 v13, v11;
	v19 =	vand.u32 $0xFFFF0000, v8  }
0xb1: {  	v41 =	vld [tilespmem:s22+$0x600];
	v9 =	vadd.s32 $0x7FFF, v9;
	v8 =	vadd.s32 $0x7FFF, v11;
	v11 =	vmul.f32 v19, v28  }
0xb2: {  	v14 =	vld [tilespmem:s22+$0x1500];
	v31 =	vand.u32 $0xFFFF0000, v10;
	v13 =	vmul.f32 v19, v17;
	v10 =	vmul.f32 v19, v23  }
0xb3: {  	v15 =	vld [tilespmem:s22+$0x0];
	v39 =	vand.u32 $0xFFFF0000, v9;
	v16 =	vmul.f32 v31, v23;
	v18 =	vmul.f32 v19, v26  }
0xb4: {  	v32 =	vimm.f32 $0.0e+00;
	v30 =	vmul.f32 v39, v49;
	v63 =	vmul.f32 v31, v17  }
0xb5: {  	v37 =	vimm.f32 $0.0e+00;
	v55 =	vmul.f32 v31, v49;
	v52 =	vmul.f32 v31, v28  }
0xb6: {  	v12 =	vimm.f32 $0.0e+00;
	v54 =	vmul.f32 v31, v26;
	v53 =	vmul.f32 v39, v28  }
0xb7: {  	v42 =	vand.u32 $0xFFFF0000, v8;
	v8 =	vadd.f32 v11, v12;
	v11 =	vmul.f32 v19, v14  }
0xb8: {  	v20 =	vmul.f32 v42, v41;
	v10 =	vadd.f32 v10, v12;
	v51 =	vmul.f32 v42, v15  }
0xb9: {  	v25 =	vadd.f32 v16, v12;
	v16 =	vmul.f32 v39, v26;
	v50 =	vmul.f32 v42, v14  }
0xba: {  	v13 =	vadd.f32 v13, v12;
	v21 =	vmul.f32 v39, v15;
	v27 =	vmul.f32 v19, v15  }
0xbb: {  	v29 =	vmul.f32 v31, v15;
	v34 =	vadd.f32 v63, v12;
	v9 =	vadd.f32 v11, v12  }
0xbc: {  	v11 =	vadd.f32 v18, v12;
	v18 =	vmul.f32 v19, v41;
	v35 =	vadd.f32 v20, v12  }
0xbd: {  	v20 =	vmul.f32 v39, v41;
	v16 =	vadd.f32 v16, v12;
	v24 =	vadd.f32 v21, v12  }
0xbe: {  	v21 =	vadd.f32 v30, v12;
	v33 =	vadd.f32 v29, v12;
	v19 =	vmul.f32 v19, v49  }
0xbf: {  	v30 =	vimm.f32 $0.0e+00;
	v22 =	vadd.f32 v20, v12;
	v20 =	vmul.f32 v39, v14  }
0xc0: {  	v29 =	vimm.f32 $0.0e+00;
	v15 =	vadd.f32 v18, v12;
	v18 =	vadd.f32 v27, v12  }
0xc1: {  	s22 =	simm.s32 $0x40;
	v19 =	vadd.f32 v19, v12;
	v27 =	vimm.f32 $0.0e+00;
	v20 =	vadd.f32 v20, v12  }
.LBB2_7:
0xc2: {  	s23 =	sshra.s32 s22, $0x2;
	p0 =	sne.s32 s22, $0xBC0;
	s22 =	sadd.s32 $0x40, s22;
	v41 =	vmul.f32 v31, v41;
	v12 =	vadd.f32 v55, v12;
	v55 =	vmul.f32 v39, v17  }
0xc3: {  	v57 =	vmul.f32 v42, v26;
	v56 =	vld [tilespmem:s23+$0x2D00];
	v32 =	vadd.f32 v54, v32;
	v27 =	vadd.f32 v53, v27  }
0xc4: {  	v47 =	vadd.f32 v51, v47;
	v26 =	vmul.f32 v39, v23;
	v53 =	vld [tilespmem:s23+$0x2A00];
	v38 =	vadd.f32 v41, v38  }
0xc5: {  	v23 =	vmul.f32 v42, v23;
	v40 =	vadd.f32 v50, v40;
	v30 =	vadd.f32 v55, v30;
	v39 =	vld [tilespmem:s23+$0x2700]  }
0xc6: {  	v49 =	vmul.f32 v42, v49;
	v28 =	vmul.f32 v42, v28;
	v29 =	vadd.f32 v26, v29;
	v41 =	vld [tilespmem:s23+$0x2400]  }
0xc7: {  	v17 =	vmul.f32 v42, v17;
	v37 =	vadd.f32 v52, v37;
	v45 =	vadd.f32 v23, v45;
	v26 =	vld [tilespmem:s23+$0x1200]  }
0xc8: {  	v44 =	vadd.f32 v28, v44;
	v43 =	vadd.f32 v57, v43;
	v23 =	vmul.f32 v31, v14;
	v14 =	vld [tilespmem:s23+$0x1500]  }
0xc9: {  	v48 =	vadd.f32 v17, v48;
	v31 =	vshrl.u32 v56, $0x10;
	v28 =	vshrl.u32 v53, $0x10;
	v52 =	vld [tilespmem:s23+$0x0]  }
0xca: {  	v36 =	vadd.f32 v23, v36;
	v31 =	vand.u32 $0x1, v31;
	v17 =	vand.u32 $0x1, v28;
	v28 =	vld [tilespmem:s23+$0xF00]  }
0xcb: {  	v23 =	vshrl.u32 v39, $0x10;
	v31 =	vadd.s32 v31, v56;
	v42 =	vadd.s32 v17, v53;
	v17 =	vld [tilespmem:s23+$0x300]  }
0xcc: {  	v50 =	vshrl.u32 v41, $0x10;
	v51 =	vand.u32 $0x1, v23;
	v53 =	vadd.s32 $0x7FFF, v42;
	v23 =	vld [tilespmem:s23+$0x900]  }
0xcd: {  	v31 =	vadd.s32 $0x7FFF, v31;
	v42 =	vand.u32 $0x1, v50;
	v39 =	vadd.s32 v51, v39  }
0xce: {  	v46 =	vadd.f32 v49, v46;
	v54 =	vand.u32 $0xFFFF0000, v31;
	v42 =	vadd.s32 v42, v41;
	v41 =	vld [tilespmem:s23+$0x600]  }
0xcf: {  	v39 =	vadd.s32 $0x7FFF, v39;
	v31 =	vadd.s32 $0x7FFF, v42;
	v49 =	vmul.f32 v54, v28  }
0xd0: {  	v42 =	vand.u32 $0xFFFF0000, v31;
	v31 =	vand.u32 $0xFFFF0000, v39;
	v50 =	vmul.f32 v54, v17  }
0xd1: {  	v55 =	vmul.f32 v54, v14;
	v51 =	vmul.f32 v54, v23;
	v8 =	vadd.f32 v49, v8  }
0xd2: {  	v56 =	vmul.f32 v54, v26;
	v39 =	vand.u32 $0xFFFF0000, v53;
	v53 =	vmul.f32 v31, v23  }
0xd3: {  	v9 =	vadd.f32 v55, v9;
	v49 =	vld [tilespmem:s23+$0xC00];
	v57 =	vmul.f32 v42, v41;
	v10 =	vadd.f32 v51, v10  }
0xd4: {  	v11 =	vadd.f32 v56, v11;
	v51 =	vmul.f32 v42, v52;
	v25 =	vadd.f32 v53, v25  }
0xd5: {  	v13 =	vadd.f32 v50, v13;
	v53 =	vmul.f32 v39, v26;
	v55 =	vmul.f32 v54, v41  }
0xd6: {  	v56 =	vmul.f32 v39, v52;
	v50 =	vmul.f32 v42, v14;
	v35 =	vadd.f32 v57, v35  }
0xd7: {  	v57 =	vmul.f32 v39, v41;
	v16 =	vadd.f32 v53, v16;
	v53 =	vmul.f32 v54, v52  }
0xd8: {  	v24 =	vadd.f32 v56, v24;
	v52 =	vmul.f32 v31, v52;
	v56 =	vmul.f32 v39, v49  }
.Ltmp2:
0xd9: {  	v15 =	vadd.f32 v55, v15;
	v22 =	vadd.f32 v57, v22;
	v57 =	vmul.f32 v39, v14;
	(pc) =	sbr.rel @p0 .LBB2_7-.Ltmp2, $4  }
0xda: {  	v55 =	vmul.f32 v31, v17;
	v18 =	vadd.f32 v53, v18;
	v21 =	vadd.f32 v56, v21  }
0xdb: {  	v33 =	vadd.f32 v52, v33;
	v20 =	vadd.f32 v57, v20;
	v56 =	vmul.f32 v54, v49  }
0xdc: {  	v34 =	vadd.f32 v55, v34;
	v52 =	vmul.f32 v31, v28;
	v55 =	vmul.f32 v31, v49  }
0xdd: {  	v53 =	vmul.f32 v39, v28;
	v54 =	vmul.f32 v31, v26;
	v19 =	vadd.f32 v56, v19  }
0xde: {  	v56 =	vor.u32 $0x4, v0  }
0xdf: {  	v57 =	vor.u32 $0x104, v0  }
0xe0: {  	v58 =	vmul.f32 v42, v17;
	v59 =	vor.u32 $0x204, v0  }
0xe1: {  	v47 =	vadd.f32 v51, v47;
	v51 =	vor.u32 $0x304, v0  }
0xe2: {  	v60 =	vmul.f32 v42, v23;
	v61 =	vor.u32 $0x404, v0;
	v48 =	vadd.f32 v58, v48  }
0xe3: {  	v62 =	vmul.f32 v42, v49;
	v63 =	vor.u32 $0x504, v0;
	[tilespmem:v56+s12+$0x0] =	vst.idx.msk $0xffff, v47  }
0xe4: {  	v28 =	vmul.f32 v42, v28;
	v4 =	vor.u32 $0x604, v0;
	v45 =	vadd.f32 v60, v45;
	[tilespmem:v57+s12+$0x0] =	vst.idx.msk $0xffff, v48  }
0xe5: {  	v26 =	vmul.f32 v42, v26;
	v5 =	vadd.f32 v62, v46;
	v56 =	vor.u32 $0x704, v0;
	[tilespmem:v59+s12+$0x0] =	vst.idx.msk $0xffff, v35  }
0xe6: {  	v28 =	vadd.f32 v28, v44;
	v57 =	vor.u32 $0x5, v0;
	[tilespmem:v51+s12+$0x0] =	vst.idx.msk $0xffff, v45  }
0xe7: {  	v26 =	vadd.f32 v26, v43;
	v59 =	vor.u32 $0x105, v0;
	[tilespmem:v61+s12+$0x0] =	vst.idx.msk $0xffff, v5  }
0xe8: {  	v40 =	vadd.f32 v50, v40;
	[tilespmem:v63+s12+$0x0] =	vst.idx.msk $0xffff, v28;
	v28 =	vor.u32 $0x205, v0  }
0xe9: {  	v41 =	vmul.f32 v31, v41;
	[tilespmem:v4+s12+$0x0] =	vst.idx.msk $0xffff, v26;
	v26 =	vor.u32 $0x305, v0  }
0xea: {  	v60 =	vor.u32 $0x405, v0;
	[tilespmem:v56+s12+$0x0] =	vst.idx.msk $0xffff, v40  }
0xeb: {  	v38 =	vadd.f32 v41, v38;
	v61 =	vor.u32 $0x505, v0;
	[tilespmem:v57+s12+$0x0] =	vst.idx.msk $0xffff, v33  }
0xec: {  	v62 =	vor.u32 $0x605, v0;
	[tilespmem:v59+s12+$0x0] =	vst.idx.msk $0xffff, v34  }
0xed: {  	v12 =	vadd.f32 v55, v12;
	[tilespmem:v28+s12+$0x0] =	vst.idx.msk $0xffff, v38;
	v28 =	vor.u32 $0x705, v0  }
0xee: {  	v37 =	vadd.f32 v52, v37;
	v14 =	vmul.f32 v31, v14;
	[tilespmem:v26+s12+$0x0] =	vst.idx.msk $0xffff, v25;
	v25 =	vor.u32 $0x6, v0  }
0xef: {  	v26 =	vadd.f32 v54, v32;
	[tilespmem:v60+s12+$0x0] =	vst.idx.msk $0xffff, v12;
	v12 =	vor.u32 $0x106, v0  }
0xf0: {  	v17 =	vmul.f32 v39, v17;
	v31 =	vor.u32 $0x206, v0;
	v14 =	vadd.f32 v14, v36;
	[tilespmem:v61+s12+$0x0] =	vst.idx.msk $0xffff, v37  }
0xf1: {  	[tilespmem:v62+s12+$0x0] =	vst.idx.msk $0xffff, v26;
	v26 =	vor.u32 $0x306, v0  }
0xf2: {  	v23 =	vmul.f32 v39, v23;
	v17 =	vadd.f32 v17, v30;
	[tilespmem:v28+s12+$0x0] =	vst.idx.msk $0xffff, v14;
	v14 =	vor.u32 $0x406, v0  }
0xf3: {  	[tilespmem:v25+s12+$0x0] =	vst.idx.msk $0xffff, v24;
	v24 =	vor.u32 $0x506, v0  }
0xf4: {  	v23 =	vadd.f32 v23, v29;
	[tilespmem:v12+s12+$0x0] =	vst.idx.msk $0xffff, v17;
	v12 =	vor.u32 $0x606, v0  }
0xf5: {  	v17 =	vor.u32 $0x706, v0;
	[tilespmem:v31+s12+$0x0] =	vst.idx.msk $0xffff, v22  }
0xf6: {  	v22 =	vadd.f32 v53, v27;
	[tilespmem:v26+s12+$0x0] =	vst.idx.msk $0xffff, v23;
	v23 =	vor.u32 $0x7, v0  }
0xf7: {  	[tilespmem:v14+s12+$0x0] =	vst.idx.msk $0xffff, v21;
	v14 =	vor.u32 $0x107, v0  }
0xf8: {  	v21 =	vor.u32 $0x207, v0;
	[tilespmem:v24+s12+$0x0] =	vst.idx.msk $0xffff, v22  }
0xf9: {  	[tilespmem:v12+s12+$0x0] =	vst.idx.msk $0xffff, v16;
	v12 =	vor.u32 $0x307, v0  }
0xfa: {  	v16 =	vor.u32 $0x407, v0;
	[tilespmem:v17+s12+$0x0] =	vst.idx.msk $0xffff, v20  }
0xfb: {  	v17 =	vor.u32 $0x507, v0;
	[tilespmem:v23+s12+$0x0] =	vst.idx.msk $0xffff, v18  }
0xfc: {  	[tilespmem:v14+s12+$0x0] =	vst.idx.msk $0xffff, v13;
	v13 =	vor.u32 $0x607, v0  }
0xfd: {  	v14 =	vor.u32 $0x707, v0;
	[tilespmem:v21+s12+$0x0] =	vst.idx.msk $0xffff, v15  }
0xfe: {  	[tilespmem:v12+s12+$0x0] =	vst.idx.msk $0xffff, v10  }
0xff: {  	[tilespmem:v16+s12+$0x0] =	vst.idx.msk $0xffff, v19  }
0x100: {  	[tilespmem:v17+s12+$0x0] =	vst.idx.msk $0xffff, v8  }
0x101: {  	[tilespmem:v13+s12+$0x0] =	vst.idx.msk $0xffff, v11  }
0x102: {  	s22 =	simm.s32 $0xFFFFFD00;
	[tilespmem:v14+s12+$0x0] =	vst.idx.msk $0xffff, v9  }
0x103: {  	v8 =	vld [tilespmem:s22+$0x3C00]  }
0x104: {  	v9 =	vld [tilespmem:s22+$0x3900]  }
0x105: {  	v10 =	vld [tilespmem:s22+$0x3600];
	_ =	sdelay $0x1  }
0x106: {  	v44 =	vimm.f32 $0.0e+00;
	v43 =	vimm.f32 $0.0e+00;
	v36 =	vimm.f32 $0.0e+00;
	v11 =	vld [tilespmem:s22+$0x3300]  }
0x107: {  	v46 =	vimm.f32 $0.0e+00;
	v47 =	vimm.f32 $0.0e+00;
	v48 =	vimm.f32 $0.0e+00  }
0x108: {  	v45 =	vimm.f32 $0.0e+00;
	v40 =	vimm.f32 $0.0e+00;
	v38 =	vimm.f32 $0.0e+00;
	v28 =	vld [tilespmem:s22+$0x1200]  }
0x109: {  	v17 =	vld [tilespmem:s22+$0x600];
	v13 =	vshrl.u32 v9, $0x10;
	v14 =	vshrl.u32 v8, $0x10;
	v15 =	vshrl.u32 v10, $0x10  }
0x10a: {  	v23 =	vld [tilespmem:s22+$0xC00];
	v13 =	vand.u32 $0x1, v13;
	v14 =	vand.u32 $0x1, v14;
	v15 =	vand.u32 $0x1, v15  }
0x10b: {  	v26 =	vld [tilespmem:s22+$0x1500];
	v9 =	vadd.s32 v13, v9;
	v8 =	vadd.s32 v14, v8;
	v13 =	vshrl.u32 v11, $0x10  }
0x10c: {  	v49 =	vld [tilespmem:s22+$0xF00];
	v10 =	vadd.s32 v15, v10;
	v13 =	vand.u32 $0x1, v13;
	v8 =	vadd.s32 $0x7FFF, v8  }
0x10d: {  	v10 =	vadd.s32 $0x7FFF, v10;
	v11 =	vadd.s32 v13, v11;
	v19 =	vand.u32 $0xFFFF0000, v8  }
0x10e: {  	v41 =	vld [tilespmem:s22+$0x900];
	v9 =	vadd.s32 $0x7FFF, v9;
	v8 =	vadd.s32 $0x7FFF, v11;
	v11 =	vmul.f32 v19, v28  }
0x10f: {  	v14 =	vld [tilespmem:s22+$0x1800];
	v31 =	vand.u32 $0xFFFF0000, v10;
	v13 =	vmul.f32 v19, v17;
	v10 =	vmul.f32 v19, v23  }
0x110: {  	v15 =	vld [tilespmem:s22+$0x300];
	v39 =	vand.u32 $0xFFFF0000, v9;
	v16 =	vmul.f32 v31, v23;
	v18 =	vmul.f32 v19, v26  }
0x111: {  	v32 =	vimm.f32 $0.0e+00;
	v30 =	vmul.f32 v39, v49;
	v63 =	vmul.f32 v31, v17  }
0x112: {  	v37 =	vimm.f32 $0.0e+00;
	v55 =	vmul.f32 v31, v49;
	v52 =	vmul.f32 v31, v28  }
0x113: {  	v12 =	vimm.f32 $0.0e+00;
	v54 =	vmul.f32 v31, v26;
	v53 =	vmul.f32 v39, v28  }
0x114: {  	v42 =	vand.u32 $0xFFFF0000, v8;
	v8 =	vadd.f32 v11, v12;
	v11 =	vmul.f32 v19, v14  }
0x115: {  	v20 =	vmul.f32 v42, v41;
	v10 =	vadd.f32 v10, v12;
	v51 =	vmul.f32 v42, v15  }
0x116: {  	v25 =	vadd.f32 v16, v12;
	v16 =	vmul.f32 v39, v26;
	v50 =	vmul.f32 v42, v14  }
0x117: {  	v13 =	vadd.f32 v13, v12;
	v21 =	vmul.f32 v39, v15;
	v27 =	vmul.f32 v19, v15  }
0x118: {  	v29 =	vmul.f32 v31, v15;
	v34 =	vadd.f32 v63, v12;
	v9 =	vadd.f32 v11, v12  }
0x119: {  	v11 =	vadd.f32 v18, v12;
	v18 =	vmul.f32 v19, v41;
	v35 =	vadd.f32 v20, v12  }
0x11a: {  	v20 =	vmul.f32 v39, v41;
	v16 =	vadd.f32 v16, v12;
	v24 =	vadd.f32 v21, v12  }
0x11b: {  	v21 =	vadd.f32 v30, v12;
	v33 =	vadd.f32 v29, v12;
	v19 =	vmul.f32 v19, v49  }
0x11c: {  	v30 =	vimm.f32 $0.0e+00;
	v22 =	vadd.f32 v20, v12;
	v20 =	vmul.f32 v39, v14  }
0x11d: {  	v29 =	vimm.f32 $0.0e+00;
	v15 =	vadd.f32 v18, v12;
	v18 =	vadd.f32 v27, v12  }
0x11e: {  	s22 =	simm.s32 $0xFFFFF440;
	v19 =	vadd.f32 v19, v12;
	v27 =	vimm.f32 $0.0e+00;
	v20 =	vadd.f32 v20, v12  }
.LBB2_9:
0x11f: {  	s23 =	sshra.s32 s22, $0x2;
	p0 =	sne.s32 s22, $0xFFFFFFC0;
	s22 =	sadd.s32 $0x40, s22;
	v41 =	vmul.f32 v31, v41;
	v12 =	vadd.f32 v55, v12;
	v55 =	vmul.f32 v39, v17  }
0x120: {  	v57 =	vmul.f32 v42, v26;
	v56 =	vld [tilespmem:s23+$0x3C00];
	v32 =	vadd.f32 v54, v32;
	v27 =	vadd.f32 v53, v27  }
0x121: {  	v47 =	vadd.f32 v51, v47;
	v26 =	vmul.f32 v39, v23;
	v53 =	vld [tilespmem:s23+$0x3900];
	v38 =	vadd.f32 v41, v38  }
0x122: {  	v23 =	vmul.f32 v42, v23;
	v40 =	vadd.f32 v50, v40;
	v30 =	vadd.f32 v55, v30;
	v39 =	vld [tilespmem:s23+$0x3600]  }
0x123: {  	v49 =	vmul.f32 v42, v49;
	v28 =	vmul.f32 v42, v28;
	v29 =	vadd.f32 v26, v29;
	v41 =	vld [tilespmem:s23+$0x3300]  }
0x124: {  	v17 =	vmul.f32 v42, v17;
	v37 =	vadd.f32 v52, v37;
	v45 =	vadd.f32 v23, v45;
	v26 =	vld [tilespmem:s23+$0x1500]  }
0x125: {  	v44 =	vadd.f32 v28, v44;
	v43 =	vadd.f32 v57, v43;
	v23 =	vmul.f32 v31, v14;
	v14 =	vld [tilespmem:s23+$0x1800]  }
0x126: {  	v48 =	vadd.f32 v17, v48;
	v31 =	vshrl.u32 v56, $0x10;
	v28 =	vshrl.u32 v53, $0x10;
	v52 =	vld [tilespmem:s23+$0x300]  }
0x127: {  	v36 =	vadd.f32 v23, v36;
	v31 =	vand.u32 $0x1, v31;
	v17 =	vand.u32 $0x1, v28;
	v28 =	vld [tilespmem:s23+$0x1200]  }
0x128: {  	v23 =	vshrl.u32 v39, $0x10;
	v31 =	vadd.s32 v31, v56;
	v42 =	vadd.s32 v17, v53;
	v17 =	vld [tilespmem:s23+$0x600]  }
0x129: {  	v50 =	vshrl.u32 v41, $0x10;
	v51 =	vand.u32 $0x1, v23;
	v53 =	vadd.s32 $0x7FFF, v42;
	v23 =	vld [tilespmem:s23+$0xC00]  }
0x12a: {  	v31 =	vadd.s32 $0x7FFF, v31;
	v42 =	vand.u32 $0x1, v50;
	v39 =	vadd.s32 v51, v39  }
0x12b: {  	v46 =	vadd.f32 v49, v46;
	v54 =	vand.u32 $0xFFFF0000, v31;
	v42 =	vadd.s32 v42, v41;
	v41 =	vld [tilespmem:s23+$0x900]  }
0x12c: {  	v39 =	vadd.s32 $0x7FFF, v39;
	v31 =	vadd.s32 $0x7FFF, v42;
	v49 =	vmul.f32 v54, v28  }
0x12d: {  	v42 =	vand.u32 $0xFFFF0000, v31;
	v31 =	vand.u32 $0xFFFF0000, v39;
	v50 =	vmul.f32 v54, v17  }
0x12e: {  	v55 =	vmul.f32 v54, v14;
	v51 =	vmul.f32 v54, v23;
	v8 =	vadd.f32 v49, v8  }
0x12f: {  	v56 =	vmul.f32 v54, v26;
	v39 =	vand.u32 $0xFFFF0000, v53;
	v53 =	vmul.f32 v31, v23  }
0x130: {  	v9 =	vadd.f32 v55, v9;
	v49 =	vld [tilespmem:s23+$0xF00];
	v57 =	vmul.f32 v42, v41;
	v10 =	vadd.f32 v51, v10  }
0x131: {  	v11 =	vadd.f32 v56, v11;
	v51 =	vmul.f32 v42, v52;
	v25 =	vadd.f32 v53, v25  }
0x132: {  	v13 =	vadd.f32 v50, v13;
	v53 =	vmul.f32 v39, v26;
	v55 =	vmul.f32 v54, v41  }
0x133: {  	v56 =	vmul.f32 v39, v52;
	v50 =	vmul.f32 v42, v14;
	v35 =	vadd.f32 v57, v35  }
0x134: {  	v57 =	vmul.f32 v39, v41;
	v16 =	vadd.f32 v53, v16;
	v53 =	vmul.f32 v54, v52  }
0x135: {  	v24 =	vadd.f32 v56, v24;
	v52 =	vmul.f32 v31, v52;
	v56 =	vmul.f32 v39, v49  }
.Ltmp3:
0x136: {  	v15 =	vadd.f32 v55, v15;
	v22 =	vadd.f32 v57, v22;
	v57 =	vmul.f32 v39, v14;
	(pc) =	sbr.rel @p0 .LBB2_9-.Ltmp3, $4  }
0x137: {  	v55 =	vmul.f32 v31, v17;
	v18 =	vadd.f32 v53, v18;
	v21 =	vadd.f32 v56, v21  }
0x138: {  	v33 =	vadd.f32 v52, v33;
	v20 =	vadd.f32 v57, v20;
	v56 =	vmul.f32 v54, v49  }
0x139: {  	v34 =	vadd.f32 v55, v34;
	v52 =	vmul.f32 v31, v28;
	v55 =	vmul.f32 v31, v49  }
0x13a: {  	v53 =	vmul.f32 v39, v28;
	v54 =	vmul.f32 v31, v26;
	v19 =	vadd.f32 v56, v19  }
0x13b: {  	v56 =	vor.u32 $0x8, v0  }
0x13c: {  	v57 =	vor.u32 $0x108, v0  }
0x13d: {  	v58 =	vmul.f32 v42, v17;
	v59 =	vor.u32 $0x208, v0  }
0x13e: {  	v47 =	vadd.f32 v51, v47;
	v51 =	vor.u32 $0x308, v0  }
0x13f: {  	v60 =	vmul.f32 v42, v23;
	v61 =	vor.u32 $0x408, v0;
	v48 =	vadd.f32 v58, v48  }
0x140: {  	v62 =	vmul.f32 v42, v49;
	v63 =	vor.u32 $0x508, v0;
	[tilespmem:v56+s12+$0x0] =	vst.idx.msk $0xffff, v47  }
0x141: {  	v28 =	vmul.f32 v42, v28;
	v4 =	vor.u32 $0x608, v0;
	v45 =	vadd.f32 v60, v45;
	[tilespmem:v57+s12+$0x0] =	vst.idx.msk $0xffff, v48  }
0x142: {  	v26 =	vmul.f32 v42, v26;
	v5 =	vadd.f32 v62, v46;
	v56 =	vor.u32 $0x708, v0;
	[tilespmem:v59+s12+$0x0] =	vst.idx.msk $0xffff, v35  }
0x143: {  	v28 =	vadd.f32 v28, v44;
	v57 =	vor.u32 $0x9, v0;
	[tilespmem:v51+s12+$0x0] =	vst.idx.msk $0xffff, v45  }
0x144: {  	v26 =	vadd.f32 v26, v43;
	v59 =	vor.u32 $0x109, v0;
	[tilespmem:v61+s12+$0x0] =	vst.idx.msk $0xffff, v5  }
0x145: {  	v40 =	vadd.f32 v50, v40;
	[tilespmem:v63+s12+$0x0] =	vst.idx.msk $0xffff, v28;
	v28 =	vor.u32 $0x209, v0  }
0x146: {  	v41 =	vmul.f32 v31, v41;
	[tilespmem:v4+s12+$0x0] =	vst.idx.msk $0xffff, v26;
	v26 =	vor.u32 $0x309, v0  }
0x147: {  	v60 =	vor.u32 $0x409, v0;
	[tilespmem:v56+s12+$0x0] =	vst.idx.msk $0xffff, v40  }
0x148: {  	v38 =	vadd.f32 v41, v38;
	v61 =	vor.u32 $0x509, v0;
	[tilespmem:v57+s12+$0x0] =	vst.idx.msk $0xffff, v33  }
0x149: {  	v62 =	vor.u32 $0x609, v0;
	[tilespmem:v59+s12+$0x0] =	vst.idx.msk $0xffff, v34  }
0x14a: {  	v12 =	vadd.f32 v55, v12;
	[tilespmem:v28+s12+$0x0] =	vst.idx.msk $0xffff, v38;
	v28 =	vor.u32 $0x709, v0  }
0x14b: {  	v37 =	vadd.f32 v52, v37;
	v14 =	vmul.f32 v31, v14;
	[tilespmem:v26+s12+$0x0] =	vst.idx.msk $0xffff, v25;
	v25 =	vor.u32 $0xA, v0  }
0x14c: {  	v26 =	vadd.f32 v54, v32;
	[tilespmem:v60+s12+$0x0] =	vst.idx.msk $0xffff, v12;
	v12 =	vor.u32 $0x10A, v0  }
0x14d: {  	v17 =	vmul.f32 v39, v17;
	v31 =	vor.u32 $0x20A, v0;
	v14 =	vadd.f32 v14, v36;
	[tilespmem:v61+s12+$0x0] =	vst.idx.msk $0xffff, v37  }
0x14e: {  	[tilespmem:v62+s12+$0x0] =	vst.idx.msk $0xffff, v26;
	v26 =	vor.u32 $0x30A, v0  }
0x14f: {  	v23 =	vmul.f32 v39, v23;
	v17 =	vadd.f32 v17, v30;
	[tilespmem:v28+s12+$0x0] =	vst.idx.msk $0xffff, v14;
	v14 =	vor.u32 $0x40A, v0  }
0x150: {  	[tilespmem:v25+s12+$0x0] =	vst.idx.msk $0xffff, v24;
	v24 =	vor.u32 $0x50A, v0  }
0x151: {  	v23 =	vadd.f32 v23, v29;
	[tilespmem:v12+s12+$0x0] =	vst.idx.msk $0xffff, v17;
	v12 =	vor.u32 $0x60A, v0  }
0x152: {  	v17 =	vor.u32 $0x70A, v0;
	[tilespmem:v31+s12+$0x0] =	vst.idx.msk $0xffff, v22  }
0x153: {  	v22 =	vadd.f32 v53, v27;
	[tilespmem:v26+s12+$0x0] =	vst.idx.msk $0xffff, v23;
	v23 =	vor.u32 $0xB, v0  }
0x154: {  	[tilespmem:v14+s12+$0x0] =	vst.idx.msk $0xffff, v21;
	v14 =	vor.u32 $0x10B, v0  }
0x155: {  	v21 =	vor.u32 $0x20B, v0;
	[tilespmem:v24+s12+$0x0] =	vst.idx.msk $0xffff, v22  }
0x156: {  	[tilespmem:v12+s12+$0x0] =	vst.idx.msk $0xffff, v16;
	v12 =	vor.u32 $0x30B, v0  }
0x157: {  	v16 =	vor.u32 $0x40B, v0;
	[tilespmem:v17+s12+$0x0] =	vst.idx.msk $0xffff, v20  }
0x158: {  	v17 =	vor.u32 $0x50B, v0;
	[tilespmem:v23+s12+$0x0] =	vst.idx.msk $0xffff, v18  }
0x159: {  	[tilespmem:v14+s12+$0x0] =	vst.idx.msk $0xffff, v13;
	v13 =	vor.u32 $0x60B, v0  }
0x15a: {  	v14 =	vor.u32 $0x70B, v0;
	[tilespmem:v21+s12+$0x0] =	vst.idx.msk $0xffff, v15  }
0x15b: {  	[tilespmem:v12+s12+$0x0] =	vst.idx.msk $0xffff, v10  }
0x15c: {  	[tilespmem:v16+s12+$0x0] =	vst.idx.msk $0xffff, v19  }
0x15d: {  	[tilespmem:v17+s12+$0x0] =	vst.idx.msk $0xffff, v8  }
0x15e: {  	[tilespmem:v13+s12+$0x0] =	vst.idx.msk $0xffff, v11  }
0x15f: {  	s22 =	simm.s32 $0xFFFFFD00;
	[tilespmem:v14+s12+$0x0] =	vst.idx.msk $0xffff, v9  }
0x160: {  	v8 =	vld [tilespmem:s22+$0x4800]  }
0x161: {  	v9 =	vld [tilespmem:s22+$0x4500]  }
0x162: {  	v10 =	vld [tilespmem:s22+$0x4200];
	_ =	sdelay $0x1  }
0x163: {  	v44 =	vimm.f32 $0.0e+00;
	v43 =	vimm.f32 $0.0e+00;
	v36 =	vimm.f32 $0.0e+00;
	v11 =	vld [tilespmem:s22+$0x3F00]  }
0x164: {  	v46 =	vimm.f32 $0.0e+00;
	v47 =	vimm.f32 $0.0e+00;
	v48 =	vimm.f32 $0.0e+00  }
0x165: {  	v45 =	vimm.f32 $0.0e+00;
	v40 =	vimm.f32 $0.0e+00;
	v38 =	vimm.f32 $0.0e+00;
	v28 =	vld [tilespmem:s22+$0x1200]  }
0x166: {  	v17 =	vld [tilespmem:s22+$0x600];
	v13 =	vshrl.u32 v9, $0x10;
	v14 =	vshrl.u32 v8, $0x10;
	v15 =	vshrl.u32 v10, $0x10  }
0x167: {  	v23 =	vld [tilespmem:s22+$0xC00];
	v13 =	vand.u32 $0x1, v13;
	v14 =	vand.u32 $0x1, v14;
	v15 =	vand.u32 $0x1, v15  }
0x168: {  	v26 =	vld [tilespmem:s22+$0x1500];
	v9 =	vadd.s32 v13, v9;
	v8 =	vadd.s32 v14, v8;
	v13 =	vshrl.u32 v11, $0x10  }
0x169: {  	v49 =	vld [tilespmem:s22+$0xF00];
	v10 =	vadd.s32 v15, v10;
	v13 =	vand.u32 $0x1, v13;
	v8 =	vadd.s32 $0x7FFF, v8  }
0x16a: {  	v10 =	vadd.s32 $0x7FFF, v10;
	v11 =	vadd.s32 v13, v11;
	v19 =	vand.u32 $0xFFFF0000, v8  }
0x16b: {  	v41 =	vld [tilespmem:s22+$0x900];
	v9 =	vadd.s32 $0x7FFF, v9;
	v8 =	vadd.s32 $0x7FFF, v11;
	v11 =	vmul.f32 v19, v28  }
0x16c: {  	v14 =	vld [tilespmem:s22+$0x1800];
	v31 =	vand.u32 $0xFFFF0000, v10;
	v13 =	vmul.f32 v19, v17;
	v10 =	vmul.f32 v19, v23  }
0x16d: {  	v15 =	vld [tilespmem:s22+$0x300];
	v39 =	vand.u32 $0xFFFF0000, v9;
	v16 =	vmul.f32 v31, v23;
	v18 =	vmul.f32 v19, v26  }
0x16e: {  	v32 =	vimm.f32 $0.0e+00;
	v30 =	vmul.f32 v39, v49;
	v63 =	vmul.f32 v31, v17  }
0x16f: {  	v37 =	vimm.f32 $0.0e+00;
	v55 =	vmul.f32 v31, v49;
	v52 =	vmul.f32 v31, v28  }
0x170: {  	v12 =	vimm.f32 $0.0e+00;
	v54 =	vmul.f32 v31, v26;
	v53 =	vmul.f32 v39, v28  }
0x171: {  	v42 =	vand.u32 $0xFFFF0000, v8;
	v8 =	vadd.f32 v11, v12;
	v11 =	vmul.f32 v19, v14  }
0x172: {  	v20 =	vmul.f32 v42, v41;
	v10 =	vadd.f32 v10, v12;
	v51 =	vmul.f32 v42, v15  }
0x173: {  	v25 =	vadd.f32 v16, v12;
	v16 =	vmul.f32 v39, v26;
	v50 =	vmul.f32 v42, v14  }
0x174: {  	v13 =	vadd.f32 v13, v12;
	v21 =	vmul.f32 v39, v15;
	v27 =	vmul.f32 v19, v15  }
0x175: {  	v29 =	vmul.f32 v31, v15;
	v34 =	vadd.f32 v63, v12;
	v9 =	vadd.f32 v11, v12  }
0x176: {  	v11 =	vadd.f32 v18, v12;
	v18 =	vmul.f32 v19, v41;
	v35 =	vadd.f32 v20, v12  }
0x177: {  	v20 =	vmul.f32 v39, v41;
	v16 =	vadd.f32 v16, v12;
	v24 =	vadd.f32 v21, v12  }
0x178: {  	v21 =	vadd.f32 v30, v12;
	v33 =	vadd.f32 v29, v12;
	v19 =	vmul.f32 v19, v49  }
0x179: {  	v30 =	vimm.f32 $0.0e+00;
	v22 =	vadd.f32 v20, v12;
	v20 =	vmul.f32 v39, v14  }
0x17a: {  	v29 =	vimm.f32 $0.0e+00;
	v15 =	vadd.f32 v18, v12;
	v18 =	vadd.f32 v27, v12  }
0x17b: {  	s22 =	simm.s32 $0xFFFFF440;
	v19 =	vadd.f32 v19, v12;
	v27 =	vimm.f32 $0.0e+00;
	v20 =	vadd.f32 v20, v12  }
.LBB2_11:
0x17c: {  	s23 =	sshra.s32 s22, $0x2;
	p0 =	sne.s32 s22, $0xFFFFFFC0;
	s22 =	sadd.s32 $0x40, s22;
	v41 =	vmul.f32 v31, v41;
	v12 =	vadd.f32 v55, v12;
	v55 =	vmul.f32 v39, v17  }
0x17d: {  	v57 =	vmul.f32 v42, v26;
	v56 =	vld [tilespmem:s23+$0x4800];
	v32 =	vadd.f32 v54, v32;
	v27 =	vadd.f32 v53, v27  }
0x17e: {  	v47 =	vadd.f32 v51, v47;
	v26 =	vmul.f32 v39, v23;
	v53 =	vld [tilespmem:s23+$0x4500];
	v38 =	vadd.f32 v41, v38  }
0x17f: {  	v23 =	vmul.f32 v42, v23;
	v40 =	vadd.f32 v50, v40;
	v30 =	vadd.f32 v55, v30;
	v39 =	vld [tilespmem:s23+$0x4200]  }
0x180: {  	v49 =	vmul.f32 v42, v49;
	v28 =	vmul.f32 v42, v28;
	v29 =	vadd.f32 v26, v29;
	v41 =	vld [tilespmem:s23+$0x3F00]  }
0x181: {  	v17 =	vmul.f32 v42, v17;
	v37 =	vadd.f32 v52, v37;
	v45 =	vadd.f32 v23, v45;
	v26 =	vld [tilespmem:s23+$0x1500]  }
0x182: {  	v44 =	vadd.f32 v28, v44;
	v43 =	vadd.f32 v57, v43;
	v23 =	vmul.f32 v31, v14;
	v14 =	vld [tilespmem:s23+$0x1800]  }
0x183: {  	v48 =	vadd.f32 v17, v48;
	v31 =	vshrl.u32 v56, $0x10;
	v28 =	vshrl.u32 v53, $0x10;
	v52 =	vld [tilespmem:s23+$0x300]  }
0x184: {  	v36 =	vadd.f32 v23, v36;
	v31 =	vand.u32 $0x1, v31;
	v17 =	vand.u32 $0x1, v28;
	v28 =	vld [tilespmem:s23+$0x1200]  }
0x185: {  	v23 =	vshrl.u32 v39, $0x10;
	v31 =	vadd.s32 v31, v56;
	v42 =	vadd.s32 v17, v53;
	v17 =	vld [tilespmem:s23+$0x600]  }
0x186: {  	v50 =	vshrl.u32 v41, $0x10;
	v51 =	vand.u32 $0x1, v23;
	v53 =	vadd.s32 $0x7FFF, v42;
	v23 =	vld [tilespmem:s23+$0xC00]  }
0x187: {  	v31 =	vadd.s32 $0x7FFF, v31;
	v42 =	vand.u32 $0x1, v50;
	v39 =	vadd.s32 v51, v39  }
0x188: {  	v46 =	vadd.f32 v49, v46;
	v54 =	vand.u32 $0xFFFF0000, v31;
	v42 =	vadd.s32 v42, v41;
	v41 =	vld [tilespmem:s23+$0x900]  }
0x189: {  	v39 =	vadd.s32 $0x7FFF, v39;
	v31 =	vadd.s32 $0x7FFF, v42;
	v49 =	vmul.f32 v54, v28  }
0x18a: {  	v42 =	vand.u32 $0xFFFF0000, v31;
	v31 =	vand.u32 $0xFFFF0000, v39;
	v50 =	vmul.f32 v54, v17  }
0x18b: {  	v55 =	vmul.f32 v54, v14;
	v51 =	vmul.f32 v54, v23;
	v8 =	vadd.f32 v49, v8  }
0x18c: {  	v56 =	vmul.f32 v54, v26;
	v39 =	vand.u32 $0xFFFF0000, v53;
	v53 =	vmul.f32 v31, v23  }
0x18d: {  	v9 =	vadd.f32 v55, v9;
	v49 =	vld [tilespmem:s23+$0xF00];
	v57 =	vmul.f32 v42, v41;
	v10 =	vadd.f32 v51, v10  }
0x18e: {  	v11 =	vadd.f32 v56, v11;
	v51 =	vmul.f32 v42, v52;
	v25 =	vadd.f32 v53, v25  }
0x18f: {  	v13 =	vadd.f32 v50, v13;
	v53 =	vmul.f32 v39, v26;
	v55 =	vmul.f32 v54, v41  }
0x190: {  	v56 =	vmul.f32 v39, v52;
	v50 =	vmul.f32 v42, v14;
	v35 =	vadd.f32 v57, v35  }
0x191: {  	v57 =	vmul.f32 v39, v41;
	v16 =	vadd.f32 v53, v16;
	v53 =	vmul.f32 v54, v52  }
0x192: {  	v24 =	vadd.f32 v56, v24;
	v52 =	vmul.f32 v31, v52;
	v56 =	vmul.f32 v39, v49  }
.Ltmp4:
0x193: {  	v15 =	vadd.f32 v55, v15;
	v22 =	vadd.f32 v57, v22;
	v57 =	vmul.f32 v39, v14;
	(pc) =	sbr.rel @p0 .LBB2_11-.Ltmp4, $4  }
0x194: {  	v55 =	vmul.f32 v31, v17;
	v18 =	vadd.f32 v53, v18;
	v21 =	vadd.f32 v56, v21  }
0x195: {  	v33 =	vadd.f32 v52, v33;
	v20 =	vadd.f32 v57, v20;
	v56 =	vmul.f32 v54, v49  }
0x196: {  	v34 =	vadd.f32 v55, v34;
	v52 =	vmul.f32 v31, v28;
	v55 =	vmul.f32 v31, v49  }
0x197: {  	v53 =	vmul.f32 v39, v28;
	v54 =	vmul.f32 v31, v26;
	v19 =	vadd.f32 v56, v19  }
0x198: {  	v56 =	vor.u32 $0xC, v0  }
0x199: {  	v57 =	vor.u32 $0x10C, v0  }
0x19a: {  	v58 =	vmul.f32 v42, v17;
	v59 =	vor.u32 $0x20C, v0  }
0x19b: {  	v47 =	vadd.f32 v51, v47;
	v6 =	vor.u32 $0x30C, v0  }
0x19c: {  	v60 =	vmul.f32 v42, v23;
	v7 =	vor.u32 $0x40C, v0;
	v48 =	vadd.f32 v58, v48  }
0x19d: {  	v49 =	vmul.f32 v42, v49;
	v61 =	vor.u32 $0x50C, v0;
	[tilespmem:v56+s12+$0x0] =	vst.idx.msk $0xffff, v47  }
0x19e: {  	v28 =	vmul.f32 v42, v28;
	v62 =	vor.u32 $0x60C, v0;
	v45 =	vadd.f32 v60, v45;
	[tilespmem:v57+s12+$0x0] =	vst.idx.msk $0xffff, v48  }
0x19f: {  	v26 =	vmul.f32 v42, v26;
	v4 =	vor.u32 $0x70C, v0;
	v63 =	vadd.f32 v49, v46;
	[tilespmem:v59+s12+$0x0] =	vst.idx.msk $0xffff, v35  }
0x1a0: {  	v5 =	vor.u32 $0xD, v0;
	v28 =	vadd.f32 v28, v44;
	[tilespmem:v6+s12+$0x0] =	vst.idx.msk $0xffff, v45  }
0x1a1: {  	v26 =	vadd.f32 v26, v43;
	v6 =	vor.u32 $0x10D, v0;
	[tilespmem:v7+s12+$0x0] =	vst.idx.msk $0xffff, v63  }
0x1a2: {  	v40 =	vadd.f32 v50, v40;
	v7 =	vor.u32 $0x20D, v0;
	[tilespmem:v61+s12+$0x0] =	vst.idx.msk $0xffff, v28  }
0x1a3: {  	v41 =	vmul.f32 v31, v41;
	v43 =	vor.u32 $0x30D, v0;
	[tilespmem:v62+s12+$0x0] =	vst.idx.msk $0xffff, v26  }
0x1a4: {  	v45 =	vor.u32 $0x40D, v0;
	[tilespmem:v4+s12+$0x0] =	vst.idx.msk $0xffff, v40  }
0x1a5: {  	v38 =	vadd.f32 v41, v38;
	v46 =	vor.u32 $0x50D, v0;
	[tilespmem:v5+s12+$0x0] =	vst.idx.msk $0xffff, v33  }
0x1a6: {  	v47 =	vor.u32 $0x60D, v0;
	[tilespmem:v6+s12+$0x0] =	vst.idx.msk $0xffff, v34  }
0x1a7: {  	v12 =	vadd.f32 v55, v12;
	v48 =	vor.u32 $0x70D, v0;
	[tilespmem:v7+s12+$0x0] =	vst.idx.msk $0xffff, v38  }
0x1a8: {  	v37 =	vadd.f32 v52, v37;
	v14 =	vmul.f32 v31, v14;
	v49 =	vor.u32 $0xE, v0;
	[tilespmem:v43+s12+$0x0] =	vst.idx.msk $0xffff, v25  }
0x1a9: {  	v51 =	vor.u32 $0x10E, v0;
	v50 =	vadd.f32 v54, v32;
	[tilespmem:v45+s12+$0x0] =	vst.idx.msk $0xffff, v12  }
0x1aa: {  	v52 =	vmul.f32 v39, v17;
	v54 =	vor.u32 $0x20E, v0;
	v14 =	vadd.f32 v14, v36;
	[tilespmem:v46+s12+$0x0] =	vst.idx.msk $0xffff, v37  }
0x1ab: {  	v55 =	vor.u32 $0x30E, v0;
	[tilespmem:v47+s12+$0x0] =	vst.idx.msk $0xffff, v50  }
0x1ac: {  	v17 =	vadd.f32 v52, v30;
	v56 =	vmul.f32 v39, v23;
	v57 =	vor.u32 $0x40E, v0;
	[tilespmem:v48+s12+$0x0] =	vst.idx.msk $0xffff, v14  }
0x1ad: {  	v58 =	vor.u32 $0x50E, v0;
	[tilespmem:v49+s12+$0x0] =	vst.idx.msk $0xffff, v24  }
0x1ae: {  	v23 =	vadd.f32 v56, v29;
	v59 =	vor.u32 $0x60E, v0;
	[tilespmem:v51+s12+$0x0] =	vst.idx.msk $0xffff, v17  }
0x1af: {  	v60 =	vor.u32 $0x70E, v0;
	[tilespmem:v54+s12+$0x0] =	vst.idx.msk $0xffff, v22  }
0x1b0: {  	v61 =	vadd.f32 v53, v27;
	v62 =	vor.u32 $0xF, v0;
	[tilespmem:v55+s12+$0x0] =	vst.idx.msk $0xffff, v23  }
0x1b1: {  	v63 =	vor.u32 $0x10F, v0;
	[tilespmem:v57+s12+$0x0] =	vst.idx.msk $0xffff, v21  }
0x1b2: {  	v4 =	vor.u32 $0x20F, v0;
	[tilespmem:v58+s12+$0x0] =	vst.idx.msk $0xffff, v61  }
0x1b3: {  	v5 =	vor.u32 $0x30F, v0;
	[tilespmem:v59+s12+$0x0] =	vst.idx.msk $0xffff, v16  }
0x1b4: {  	v6 =	vor.u32 $0x40F, v0;
	[tilespmem:v60+s12+$0x0] =	vst.idx.msk $0xffff, v20  }
0x1b5: {  	v7 =	vor.u32 $0x50F, v0;
	[tilespmem:v62+s12+$0x0] =	vst.idx.msk $0xffff, v18  }
0x1b6: {  	v18 =	vor.u32 $0x60F, v0;
	[tilespmem:v63+s12+$0x0] =	vst.idx.msk $0xffff, v13  }
0x1b7: {  	v20 =	vor.u32 $0x70F, v0;
	[tilespmem:v4+s12+$0x0] =	vst.idx.msk $0xffff, v15  }
0x1b8: {  	[tilespmem:v5+s12+$0x0] =	vst.idx.msk $0xffff, v10  }
0x1b9: {  	[tilespmem:v6+s12+$0x0] =	vst.idx.msk $0xffff, v19  }
0x1ba: {  	[tilespmem:v7+s12+$0x0] =	vst.idx.msk $0xffff, v8  }
0x1bb: {  	[tilespmem:v18+s12+$0x0] =	vst.idx.msk $0xffff, v11  }
0x1bc: {  	[tilespmem:v20+s12+$0x0] =	vst.idx.msk $0xffff, v9  }
0x1bd: {  	v8 =	vld [tilespmem:$0x4800]  }
0x1be: {  	v9 =	vld [tilespmem:$0x4810]  }
0x1bf: {  	v10 =	vld [tilespmem:$0x4820]  }
0x1c0: {  	v11 =	vld [tilespmem:$0x4830]  }
0x1c1: {  	v12 =	vld [tilespmem:$0x4840]  }
0x1c2: {  	v13 =	vld [tilespmem:$0x4850]  }
0x1c3: {  	v14 =	vld [tilespmem:$0x4860]  }
0x1c4: {  	v15 =	vld [tilespmem:$0x4870]  }
0x1c5: {  	v16 =	vld [tilespmem:$0x4880]  }
0x1c6: {  	v17 =	vld [tilespmem:$0x4890]  }
0x1c7: {  	v18 =	vld [tilespmem:$0x48A0]  }
0x1c8: {  	v19 =	vld [tilespmem:$0x48B0]  }
0x1c9: {  	v20 =	vld [tilespmem:$0x48C0]  }
0x1ca: {  	v21 =	vld [tilespmem:$0x48D0]  }
0x1cb: {  	v22 =	vld [tilespmem:$0x48E0]  }
0x1cc: {  	v23 =	vld [tilespmem:$0x48F0]  }
0x1cd: {  	v24 =	vld [tilespmem:$0x4900]  }
0x1ce: {  	v25 =	vld [tilespmem:$0x4910]  }
0x1cf: {  	v26 =	vld [tilespmem:$0x4920]  }
0x1d0: {  	v27 =	vld [tilespmem:$0x4930]  }
0x1d1: {  	v28 =	vld [tilespmem:$0x4940]  }
0x1d2: {  	v29 =	vld [tilespmem:$0x4950]  }
0x1d3: {  	v30 =	vld [tilespmem:$0x4960]  }
0x1d4: {  	v31 =	vld [tilespmem:$0x4970]  }
0x1d5: {  	v32 =	vld [tilespmem:$0x4980]  }
0x1d6: {  	v33 =	vld [tilespmem:$0x4990]  }
0x1d7: {  	v34 =	vld [tilespmem:$0x49A0]  }
0x1d8: {  	v35 =	vld [tilespmem:$0x49B0]  }
0x1d9: {  	v36 =	vld [tilespmem:$0x49C0]  }
0x1da: {  	v37 =	vld [tilespmem:$0x49D0]  }
0x1db: {  	v38 =	vld [tilespmem:$0x49E0]  }
0x1dc: {  	v39 =	vld [tilespmem:$0x49F0]  }
0x1dd: {  	v40 =	vld [tilespmem:$0x4A00]  }
0x1de: {  	v41 =	vld [tilespmem:$0x4A10]  }
0x1df: {  	v42 =	vld [tilespmem:$0x4A20]  }
0x1e0: {  	v43 =	vld [tilespmem:$0x4A30]  }
0x1e1: {  	v44 =	vld [tilespmem:$0x4A40]  }
0x1e2: {  	v45 =	vld [tilespmem:$0x4A50]  }
0x1e3: {  	v46 =	vld [tilespmem:$0x4A60]  }
0x1e4: {  	v47 =	vld [tilespmem:$0x4A70]  }
0x1e5: {  	v48 =	vld [tilespmem:$0x4A80]  }
0x1e6: {  	v49 =	vld [tilespmem:$0x4A90]  }
0x1e7: {  	v50 =	vld [tilespmem:$0x4AA0]  }
0x1e8: {  	v51 =	vld [tilespmem:$0x4AB0]  }
0x1e9: {  	v52 =	vld [tilespmem:$0x4AC0]  }
0x1ea: {  	v53 =	vld [tilespmem:$0x4AD0]  }
0x1eb: {  	v54 =	vld [tilespmem:$0x4AE0]  }
0x1ec: {  	v55 =	vld [tilespmem:$0x4AF0]  }
0x1ed: {  	v1 =	vld [tilespmem:$0x4B00]  }
0x1ee: {  	v58 =	vld [tilespmem:$0x4B20]  }
0x1ef: {  	v59 =	vld [tilespmem:$0x4B30]  }
0x1f0: {  	v60 =	vld [tilespmem:$0x4B40]  }
0x1f1: {  	v61 =	vld [tilespmem:$0x4B50]  }
0x1f2: {  	v62 =	vld [tilespmem:$0x4B60]  }
0x1f3: {  	v63 =	vld [tilespmem:$0x4B70]  }
0x1f4: {  	v56 =	vld [tilespmem:$0x4B80]  }
0x1f5: {  	v2 =	vld [tilespmem:$0x4B90]  }
0x1f6: {  	v3 =	vld [tilespmem:$0x4BA0]  }
0x1f7: {  	v4 =	vld [tilespmem:$0x4BB0]  }
0x1f8: {  	v57 =	vld [tilespmem:$0x4C00]  }
0x1f9: {  	v5 =	vld [tilespmem:$0x4BC0]  }
0x1fa: {  	v6 =	vld [tilespmem:$0x4BD0]  }
0x1fb: {  	v7 =	vld [tilespmem:$0x4BE0]  }
0x1fc: {  	[tilespmem:$0x1FEB0] =	vst v1;
	v1 =	vld [tilespmem:$0x4B10]  }
0x1fd: {  	[tilespmem:$0x1FED0] =	vst v57;
	v57 =	vld [tilespmem:$0x4C10]  }
0x1fe: {  	v8 =	vadd.f32 v9, v8;
	v9 =	vadd.f32 v11, v10;
	v10 =	vld [tilespmem:$0x4CD0]  }
0x1ff: {  	v11 =	vadd.f32 v15, v14;
	v15 =	vld [tilespmem:$0x4CF0]  }
0x200: {  	v14 =	vadd.f32 v19, v18;
	v18 =	vld [tilespmem:$0x4D00]  }
0x201: {  	v21 =	vadd.f32 v21, v20;
	v19 =	vld [tilespmem:$0x4D10]  }
0x202: {  	v23 =	vadd.f32 v23, v22;
	v20 =	vadd.f32 v29, v28;
	v22 =	vld [tilespmem:$0x4D40]  }
0x203: {  	v33 =	vadd.f32 v33, v32;
	v34 =	vadd.f32 v35, v34;
	v28 =	vld [tilespmem:$0x4D60]  }
0x204: {  	v35 =	vadd.f32 v37, v36;
	v36 =	vadd.f32 v39, v38;
	v32 =	vld [tilespmem:$0x4E00]  }
0x205: {  	v41 =	vadd.f32 v41, v40;
	v45 =	vadd.f32 v45, v44;
	v40 =	vld [tilespmem:$0x4E20]  }
0x206: {  	v47 =	vadd.f32 v47, v46;
	v3 =	vadd.f32 v4, v3;
	v4 =	vld [tilespmem:$0x4E30]  }
0x207: {  	v49 =	vadd.f32 v49, v48;
	v5 =	vadd.f32 v6, v5;
	v6 =	vld [tilespmem:$0x4E40]  }
0x208: {  	v50 =	vadd.f32 v51, v50;
	v51 =	vadd.f32 v53, v52;
	v29 =	vld [tilespmem:$0x4E70]  }
0x209: {  	v52 =	vadd.f32 v55, v54;
	v38 =	vadd.f32 v34, v33;
	v33 =	vld [tilespmem:$0x4DD0]  }
0x20a: {  	v2 =	vadd.f32 v2, v56;
	v39 =	vadd.f32 v36, v35;
	v36 =	vld [tilespmem:$0x4DE0]  }
0x20b: {  	v46 =	vadd.f32 v61, v60;
	v53 =	vadd.f32 v47, v45;
	v35 =	vld [tilespmem:$0x4E50]  }
0x20c: {  	v47 =	vadd.f32 v63, v62;
	v2 =	vadd.f32 v3, v2;
	v3 =	vld [tilespmem:$0x4E60]  }
0x20d: {  	v55 =	vadd.f32 v52, v51;
	v52 =	vld [tilespmem:$0x1FED0]  }
0x20e: {  	v54 =	vadd.f32 v50, v49;
	v49 =	vadd.f32 v47, v46;
	v46 =	vld [tilespmem:$0x4ED0]  }
0x20f: {  	[tilespmem:$0x1FEC0] =	vst v1;
	v1 =	vld [tilespmem:$0x4BF0]  }
0x210: {  	[tilespmem:$0x1FEE0] =	vst v57;
	v57 =	vld [tilespmem:$0x4C20]  }
0x211: {  	[tilespmem:$0x1FF90] =	vst v10;
	v10 =	vadd.f32 v13, v12;
	v12 =	vld [tilespmem:$0x4CE0]  }
0x212: {  	v13 =	vadd.f32 v17, v16;
	v17 =	vld [tilespmem:$0x4D30]  }
0x213: {  	v16 =	vadd.f32 v27, v26;
	v26 =	vld [tilespmem:$0x4D90]  }
0x214: {  	v27 =	vld [tilespmem:$0x4DF0]  }
0x215: {  	[tilespmem:$0x1FEF0] =	vst v57;
	v57 =	vld [tilespmem:$0x4C30]  }
0x216: {  	v4 =	vadd.f32 v4, v40;
	v40 =	vld [tilespmem:$0x4F90]  }
0x217: {  	v44 =	vld [tilespmem:$0x1FEC0]  }
0x218: {  	v8 =	vadd.f32 v9, v8;
	v47 =	vld [tilespmem:$0x1FF90]  }
0x219: {  	v9 =	vadd.f32 v11, v10;
	v10 =	vadd.f32 v14, v13;
	v13 =	vld [tilespmem:$0x4D20]  }
0x21a: {  	[tilespmem:$0x1FF00] =	vst v57;
	v57 =	vld [tilespmem:$0x4C40]  }
0x21b: {  	v14 =	vadd.f32 v25, v24;
	v25 =	vld [tilespmem:$0x4D50]  }
0x21c: {  	v24 =	vld [tilespmem:$0x4D80]  }
0x21d: {  	v11 =	vadd.f32 v23, v21;
	v23 =	vld [tilespmem:$0x4DB0]  }
0x21e: {  	v21 =	vadd.f32 v31, v30;
	v30 =	vld [tilespmem:$0x4DC0]  }
0x21f: {  	[tilespmem:$0x1FF20] =	vst v57;
	v57 =	vld [tilespmem:$0x4C50]  }
0x220: {  	v43 =	vadd.f32 v43, v42;
	v37 =	vadd.f32 v21, v20;
	v20 =	vld [tilespmem:$0x4D70]  }
0x221: {  	v14 =	vadd.f32 v16, v14;
	v8 =	vadd.f32 v9, v8;
	v16 =	vld [tilespmem:$0x4DA0]  }
0x222: {  	v9 =	vadd.f32 v11, v10;
	v10 =	vadd.f32 v43, v41;
	v43 =	vld [tilespmem:$0x1FEB0]  }
0x223: {  	v21 =	vld [tilespmem:$0x4EB0]  }
0x224: {  	[tilespmem:$0x1FF10] =	vst v57;
	v57 =	vld [tilespmem:$0x4C60]  }
0x225: {  	v11 =	vadd.f32 v37, v14;
	v37 =	vld [tilespmem:$0x4E10]  }
0x226: {  	v50 =	vadd.f32 v53, v10;
	v53 =	vld [tilespmem:$0x1FEE0]  }
0x227: {  	v51 =	vadd.f32 v55, v54;
	v54 =	vld [tilespmem:$0x1FEF0]  }
0x228: {  	v1 =	vadd.f32 v1, v7;
	v14 =	vadd.f32 v39, v38;
	v38 =	vld [tilespmem:$0x4EC0]  }
0x229: {  	v10 =	vadd.f32 v9, v8;
	[tilespmem:$0x1FF30] =	vst v57;
	v57 =	vld [tilespmem:$0x4C70]  }
0x22a: {  	v1 =	vadd.f32 v1, v5;
	v8 =	vadd.f32 v14, v11;
	v14 =	vld [tilespmem:$0x4E90]  }
0x22b: {  	v11 =	vadd.f32 v51, v50;
	v50 =	vld [tilespmem:$0x4EF0]  }
0x22c: {  	v1 =	vadd.f32 v1, v2;
	v2 =	vld [tilespmem:$0x4E80]  }
0x22d: {  	v55 =	vld [tilespmem:$0x1FF00]  }
0x22e: {  	v45 =	vadd.f32 v59, v58;
	v34 =	vadd.f32 v44, v43;
	[tilespmem:$0x1FF40] =	vst v57;
	v57 =	vld [tilespmem:$0x4C80]  }
0x22f: {  	v5 =	vadd.f32 v53, v52;
	v52 =	vld [tilespmem:$0x4F00]  }
0x230: {  	v48 =	vadd.f32 v45, v34;
	v53 =	vld [tilespmem:$0x4F10]  }
0x231: {  	v44 =	vadd.f32 v46, v38;
	v46 =	vld [tilespmem:$0x4FD0]  }
0x232: {  	v7 =	vadd.f32 v49, v48;
	v48 =	vld [tilespmem:$0x4EE0]  }
0x233: {  	[tilespmem:$0x1FF50] =	vst v57;
	v57 =	vld [tilespmem:$0x4C90]  }
0x234: {  	v9 =	vadd.f32 v1, v7;
	v1 =	vld [tilespmem:$0x4EA0]  }
0x235: {  	v58 =	vld [tilespmem:$0x1FF20]  }
0x236: {  	v56 =	vld [tilespmem:$0x1FF10]  }
0x237: {  	v7 =	vadd.f32 v55, v54;
	v55 =	vld [tilespmem:$0x4F20]  }
0x238: {  	v6 =	vadd.f32 v35, v6;
	v3 =	vadd.f32 v29, v3;
	[tilespmem:$0x1FF60] =	vst v57;
	v57 =	vld [tilespmem:$0x4CA0]  }
0x239: {  	v59 =	vld [tilespmem:$0x1FF30]  }
0x23a: {  	v18 =	vadd.f32 v19, v18;
	v3 =	vadd.f32 v3, v6;
	v60 =	vld [tilespmem:$0x1FF40]  }
0x23b: {  	v12 =	vadd.f32 v15, v12;
	v31 =	vadd.f32 v56, v58;
	v56 =	vld [tilespmem:$0x4F30]  }
0x23c: {  	v13 =	vadd.f32 v17, v13;
	v58 =	vadd.f32 v27, v36;
	v36 =	vld [tilespmem:$0x4F80]  }
0x23d: {  	v24 =	vadd.f32 v26, v24;
	v37 =	vadd.f32 v37, v32;
	[tilespmem:$0x1FF70] =	vst v57;
	v57 =	vld [tilespmem:$0x4CB0]  }
0x23e: {  	v20 =	vadd.f32 v20, v28;
	v16 =	vadd.f32 v23, v16;
	v61 =	vld [tilespmem:$0x1FF50]  }
0x23f: {  	v4 =	vadd.f32 v4, v37;
	v34 =	vadd.f32 v60, v59;
	v59 =	vld [tilespmem:$0x4F40]  }
0x240: {  	v13 =	vadd.f32 v13, v18;
	v16 =	vadd.f32 v16, v24;
	v62 =	vld [tilespmem:$0x1FF60]  }
0x241: {  	v2 =	vadd.f32 v14, v2;
	v3 =	vadd.f32 v3, v4;
	v63 =	vld [tilespmem:$0x1FF70]  }
0x242: {  	v15 =	vadd.f32 v50, v48;
	v1 =	vadd.f32 v21, v1;
	[tilespmem:$0x1FF80] =	vst v57;
	v57 =	vld [tilespmem:$0x4CC0]  }
0x243: {  	v5 =	vadd.f32 v7, v5;
	v49 =	vadd.f32 v34, v31;
	v45 =	vld [tilespmem:$0x1FF80]  }
0x244: {  	v1 =	vadd.f32 v1, v2;
	v2 =	vadd.f32 v15, v44;
	v34 =	vld [tilespmem:$0x4F70]  }
0x245: {  	v54 =	vadd.f32 v25, v22;
	v5 =	vadd.f32 v49, v5;
	v49 =	vld [tilespmem:$0x4FF0]  }
0x246: {  	v1 =	vadd.f32 v2, v1;
	v39 =	vadd.f32 v62, v61;
	v61 =	vld [tilespmem:$0x4F50]  }
0x247: {  	v2 =	vadd.f32 v53, v52;
	v43 =	vadd.f32 v47, v57;
	v47 =	vld [tilespmem:$0x4FE0]  }
0x248: {  	v57 =	vadd.f32 v33, v30;
	v41 =	vadd.f32 v45, v63;
	v63 =	vld [tilespmem:$0x4F60]  }
0x249: {  	v50 =	vadd.f32 v56, v55;
	v60 =	vadd.f32 v20, v54;
	v45 =	vld [tilespmem:$0x4FC0]  }
0x24a: {  	v12 =	vadd.f32 v12, v43;
	v62 =	vadd.f32 v58, v57;
	v43 =	vld [tilespmem:$0x4FB0]  }
0x24b: {  	vm0 =	vgt.f32 v8, v10;
	v18 =	vadd.f32 v40, v36;
	v51 =	vadd.f32 v41, v39;
	v41 =	vld [tilespmem:$0x4FA0]  }
0x24c: {  	v56 =	vimm.s32 $0x0;
	v13 =	vadd.f32 v60, v13;
	v16 =	vadd.f32 v62, v16  }
0x24d: {  	v52 =	vadd.f32 v61, v59;
	v33 =	vadd.f32 v12, v51;
	v51 =	vsel vm0, v8, v10  }
0x24e: {  	v48 =	vadd.f32 v16, v13;
	v12 =	vadd.f32 v34, v63;
	vm1 =	vgt.f32 v11, v51  }
0x24f: {  	v6 =	vadd.f32 v46, v45;
	v13 =	vadd.f32 v49, v47;
	v16 =	vsel vm1, v11, v51  }
0x250: {  	v5 =	vadd.f32 v33, v5;
	v14 =	vadd.f32 v43, v41;
	vm2 =	vgt.f32 v9, v16  }
0x251: {  	v2 =	vadd.f32 v50, v2;
	v53 =	vadd.f32 v12, v52;
	v54 =	vsel vm2, v9, v16  }
0x252: {  	v6 =	vadd.f32 v13, v6;
	v14 =	vadd.f32 v14, v18;
	vm3 =	vgt.f32 v5, v54  }
0x253: {  	v1 =	vadd.f32 v1, v3;
	v57 =	vsel vm0, $0x1, v56;
	v3 =	vsel vm3, v5, v54  }
0x254: {  	v2 =	vadd.f32 v53, v2;
	v55 =	vadd.f32 v6, v14;
	vm14 =	vgt.f32 v48, v3  }
0x255: {  	v6 =	vsel vm1, $0x2, v57;
	v3 =	vsel vm14, v48, v3  }
0x256: {  	v58 =	vsel vm2, $0x3, v6;
	v2 =	vadd.f32 v55, v2;
	vm15 =	vgt.f32 v1, v3  }
0x257: {  	v4 =	vsel vm3, $0x4, v58;
	v3 =	vsel vm15, v1, v3  }
0x258: {  	v4 =	vsel vm14, $0x5, v4;
	vm4 =	vgt.f32 v2, v3  }
0x259: {  	v4 =	vsel vm15, $0x6, v4;
	vm3 =	vmneg vm4  }
0x25a: {  	vm5 =	vlt.f32 v10, $-Inf;
	vm6 =	vgt.f32 v10, $-Inf;
	v4 =	vnsel vm3, $0x7, v4  }
0x25b: {  	vm0 =	vmor vm6, vm5;
	vm7 =	vne.s32 v4, $0x0  }
0x25c: {  	vm0 =	vmand vm0, vm7  }
0x25d: {  	v59 =	vnsel vm0, $0xFF800000, v10  }
0x25e: {  	vm8 =	vne.s32 v4, $0x1;
	vm0 =	vgt.f32 v8, v59  }
0x25f: {  	vm0 =	vmand vm8, vm0  }
0x260: {  	v6 =	vsel vm0, v8, v59  }
0x261: {  	vm10 =	vne.s32 v4, $0x2;
	vm9 =	vgt.f32 v11, v6  }
0x262: {  	vm1 =	vmand vm10, vm9  }
0x263: {  	v6 =	vsel vm1, v11, v6  }
0x264: {  	vm4 =	vne.s32 v4, $0x3;
	vm11 =	vgt.f32 v9, v6  }
0x265: {  	vm2 =	vmand vm4, vm11  }
0x266: {  	v6 =	vsel vm2, v9, v6  }
0x267: {  	vm5 =	vne.s32 v4, $0x4;
	vm12 =	vgt.f32 v5, v6  }
0x268: {  	vm4 =	vmand vm5, vm12  }
0x269: {  	v6 =	vsel vm4, v5, v6  }
0x26a: {  	vm6 =	vne.s32 v4, $0x5;
	vm13 =	vgt.f32 v48, v6  }
0x26b: {  	vm5 =	vmand vm6, vm13  }
0x26c: {  	v6 =	vsel vm5, v48, v6  }
0x26d: {  	vm7 =	vne.s32 v4, $0x6;
	vm14 =	vgt.f32 v1, v6  }
0x26e: {  	vm6 =	vmand vm7, vm14  }
0x26f: {  	v6 =	vsel vm6, v1, v6  }
0x270: {  	vm15 =	vgt.f32 v2, v6  }
0x271: {  	vm7 =	vmand vm3, vm15  }
0x272: {  	v3 =	vsel vm3, v3, v2;
	v6 =	vsel vm7, v2, v6  }
0x273: {  	v3 =	vsub.f32 v6, v3;
	_ =	sdelay $0x1  }
0x274: {  	v3 =	vmul.f32 $1.442695020e+00, v3;
	_ =	sdelay $0x1  }
0x275: {  	(erf) = vpow2.f32 v3;
	_ =	sdelay $0x8  }
0x276: {  	v3 =	vpop (erf)  }
0x277: {  	v60 =	vadd.f32 $1.000000000e+00, v3;
	_ =	sdelay $0x1  }
0x278: {  	(erf) = vrcp.f32 v60;
	_ =	sdelay $0x6  }
0x279: {  	[tilespmem:s21+$0x5000] =	vst v10  }
0x27a: {  	[tilespmem:s21+$0x5100] =	vst v8  }
0x27b: {  	[tilespmem:s21+$0x5200] =	vst v11;
	v62 =	vsel vm0, $0x1, v56;
	v61 =	vpop (erf)  }
0x27c: {  	[tilespmem:s21+$0x5300] =	vst v9;
	v63 =	vsel vm1, $0x2, v62;
	v6 =	vmul.f32 v61, v60  }
0x27d: {  	[tilespmem:s21+$0x5400] =	vst v5;
	v5 =	vsel vm2, $0x3, v63  }
0x27e: {  	s20 =	sadd.s32 $0x1, s20;
	[tilespmem:s21+$0x5600] =	vst v1;
	v1 =	vsel vm4, $0x4, v5;
	v6 =	vsub.f32 $2.000000000e+00, v6  }
0x27f: {  	p0 =	sne.s32 s20, $0x10;
	[tilespmem:s21+$0x5500] =	vst v48;
	v1 =	vsel vm5, $0x5, v1  }
.Ltmp5:
0x280: {  	[tilespmem:s21+$0x5700] =	vst v2;
	v1 =	vsel vm6, $0x6, v1;
	v6 =	vmul.f32 v6, v61;
	(pc) =	sbr.rel @p0 .LBB2_4-.Ltmp5, $4  }
0x281: {  	[tilespmem:s21+$0x5A00] =	vst v4;
	v1 =	vsel vm7, $0x7, v1  }
0x282: {  	[tilespmem:s21+$0x5B00] =	vst v1;
	v2 =	vmul.f32 v6, v3  }
0x283: {  	[tilespmem:s21+$0x5800] =	vst v6  }
0x284: {  	[tilespmem:s21+$0x5900] =	vst v2  }
0x285: {  	[hbm4b:s6+s13] =	stream.strided.scatter [tilespmem:s15], [sflag:$0x1], $0x800, s14, s13, $0x38;
	[tilespmem:$0x5C00] =	vst v63  }
0x286: {  	_ =	swait.ge [sflag:s10], $0x800  }
0x287: {  	[sflag:s10] =	ssyncset.done $0x0  }
0x288: {  	[sflag:s10] =	ssyncadd.s32 $0xFFFFF800  }
0x289: {  	[hbm4b:s7+s13] =	stream.strided.scatter [tilespmem:s16], [sflag:$0x1], $0x200, s14, s13, $0x38;
	[tilespmem:$0x5C00] =	vst v63  }
0x28a: {  	s18 =	sadd.s32 $0x1, s18;
	_ =	swait.ge [sflag:s10], $0x200  }
0x28b: {  	p0 =	sne.s32 s18, s9;
	[sflag:s10] =	ssyncset.done $0x0  }
.Ltmp6:
0x28c: {  	[sflag:s10] =	ssyncadd.s32 $0xFFFFFE00;
	(pc) =	sbr.rel @p0 .LBB2_1-.Ltmp6, $4  }
0x28d: {  	[hbm4b:s8+s13] =	stream.strided.scatter [tilespmem:s17], [sflag:$0x1], $0x200, s14, s13, $0x38;
	[tilespmem:$0x5C00] =	vst v63  }
0x28e: {  	_ =	swait.ge [sflag:s10], $0x200  }
0x28f: {  	[sflag:s10] =	ssyncset.done $0x0  }
0x290: {  	[sflag:s10] =	ssyncadd.s32 $0xFFFFFE00  }
0x291: {  	_ =	sfence.sel $0x180000  }
0x292: {  	[bflag:$0x0] =	sbarrier.arrive $0xFFFF  }
0x293: {  	p0 =	sne.s32 s1, $0x0;
	_ =	strace $0x90000047  }
0x294: {  	s0 =	sadd.s32 @!p0 $0x100000, s0;
	[bflag:$0x2] =	sbarrier.arrive $0xFFFF  }
0x295: {  	[sflag:s0] =	ssyncadd.tile.s32 @!p0 $0x1;
	_ =	shalt  }
.Lfunc_end2:
_tile_overlayer_lowered:
.L_overlay_start_2:
0x296: {  	(tag) =	ssettag $0x2  }
0x297: {  	s0 =	rddreg [dreg:$0x0];
	s2 =	stileid.u32  }
0x298: {  	s1 =	rddreg [dreg:$0x1];
	p0 =	sne.s32 s2, $0x0  }
0x299: {  	s3 =	rddreg [dreg:$0x2];
	[bflag:$0x3] =	sbarrier.arrive $0xFFFF;
	s2 =	simm.s32 @!p0 $0x1C01  }
0x29a: {  	[timem:s3], [sflag:s2] =	dma.local @!p0 [hbm:s0], s1  }
0x29b: {  	s0 =	simm.s32 @!p0 $0x1  }
0x29c: {  	_ =	swait.ge @!p0 [sflag:s0], s1  }
0x29d: {  	s1 =	ssub.s32 @!p0 $0x0, s1;
	[sflag:s0] =	ssyncset.done @!p0 $0x0  }
0x29e: {  	[sflag:s0] =	ssyncadd.s32 @!p0 s1  }
0x29f: {  	[bflag:$0x3] =	sbarrier.arrive $0xFFFF  }
0x2a0: {  	_ =	shalt  }

</sc_bundles>
